<compile_context>
chip_gen: v7x
topology: tpu7x:2x2x1
jax: 0.10.2.dev20260603
libtpu: 0.0.44.dev20260713+nightly
codegen_flags: <defaults>
</compile_context>

<pallas_src>
import jax
import jax.numpy as jnp
from jax import lax
from jax.experimental import pallas as pl
from jax.experimental.pallas import tpu as pltpu
from jax.experimental.pallas import tpu_sc as plsc

ATTR_DIM = 26
N_OBJ = 20
EMBED = 64
BS = 1024
POS = ATTR_DIM * N_OBJ
ROWS = BS * POS
NC = 2
NS = 16
NW = NC * NS
BPW = BS // NW
CHUNK = 40
CPB = POS // CHUNK
NCH = BPW * CPB
OUT_F = CHUNK * 2 * EMBED
NBUF = 4


def _sc_body(cond_hbm, emb_hbm, out_hbm, embv,
             xp0, xp1, xp2, xp3, xn0, xn1, xn2, xn3,
             ob0, ob1, ob2, ob3,
             sxp0, sxp1, sxp2, sxp3, sxn0, sxn1, sxn2, sxn3,
             so0, so1, so2, so3):
    c = lax.axis_index("c")
    s = lax.axis_index("s")
    wid = s * NC + c
    b_base = wid * BPW

    xps = (xp0, xp1, xp2, xp3)
    xns = (xn0, xn1, xn2, xn3)
    obs = (ob0, ob1, ob2, ob3)
    sxps = (sxp0, sxp1, sxp2, sxp3)
    sxns = (sxn0, sxn1, sxn2, sxn3)
    sos = (so0, so1, so2, so3)

    pltpu.sync_copy(emb_hbm, embv)

    def prefill(ob):
        def per(r, carry):
            er = r * EMBED
            ob_off = r * 128 + 64
            for j in range(4):
                ob[pl.ds(ob_off + j * 16, 16)] = embv[pl.ds(er + j * 16, 16)]
            return carry
        lax.fori_loop(0, N_OBJ, per, 0)

        def cp(r, carry):
            o = r * 128 + 64
            for j in range(4):
                ob[pl.ds(N_OBJ * 128 + o + j * 16, 16)] = ob[pl.ds(o + j * 16, 16)]
            return carry
        lax.fori_loop(0, N_OBJ, cp, 0)

    for ob in obs:
        prefill(ob)

    def chunk_coords(chunk):
        be = chunk // CPB
        p0 = (chunk - be * CPB) * CHUNK
        return b_base + be, p0

    def gather(chunk, b):
        bi, p0 = chunk_coords(chunk)
        pltpu.async_copy(cond_hbm.at[0, bi, pl.ds(p0, CHUNK), :], xps[b], sxps[b])
        pltpu.async_copy(cond_hbm.at[1, bi, pl.ds(p0, CHUNK), :], xns[b], sxns[b])

    for b in range(NBUF):
        gather(b, b)

    def outer(g, carry):
        for b in range(NBUF):
            chunk = g * NBUF + b
            bi, p0 = chunk_coords(chunk)

            @pl.when(g >= 1)
            def _wait_prev_scatter():
                pbi, pp0 = chunk_coords(chunk - NBUF)
                poff = (pbi * POS + pp0) * 128
                pltpu.make_async_copy(
                    obs[b], out_hbm.at[pl.ds(poff, OUT_F)], sos[b]).wait()

            pltpu.make_async_copy(
                cond_hbm.at[0, bi, pl.ds(p0, CHUNK), :], xps[b], sxps[b]).wait()
            pltpu.make_async_copy(
                cond_hbm.at[1, bi, pl.ds(p0, CHUNK), :], xns[b], sxns[b]).wait()

            xpb, xnb, obb = xps[b], xns[b], obs[b]

            def comp(r, carry2):
                r2 = r * 2
                xs = [xpb[r2 + (j // 4), pl.ds((j % 4) * 16, 16)] for j in range(8)]
                ys = [xnb[r2 + (j // 4), pl.ds((j % 4) * 16, 16)] for j in range(8)]
                zs = [x + y for x, y in zip(xs, ys)]
                o0 = r * 256
                for j in range(4):
                    obb[pl.ds(o0 + j * 16, 16)] = zs[j]
                for j in range(4):
                    obb[pl.ds(o0 + 128 + j * 16, 16)] = zs[4 + j]
                return carry2
            lax.fori_loop(0, CHUNK // 2, comp, 0)

            off = (bi * POS + p0) * 128
            pltpu.async_copy(obb, out_hbm.at[pl.ds(off, OUT_F)], sos[b])

            @pl.when(g < NCH // NBUF - 1)
            def _prefetch():
                gather(chunk + NBUF, b)
        return carry

    lax.fori_loop(0, NCH // NBUF, outer, 0)

    for b in range(NBUF):
        chunk = NCH - NBUF + b
        bi, p0 = chunk_coords(chunk)
        off = (bi * POS + p0) * 128
        pltpu.make_async_copy(
            obs[b], out_hbm.at[pl.ds(off, OUT_F)], sos[b]).wait()


def kernel(cond, emb):
    emb_flat = emb.reshape(N_OBJ * EMBED)
    vm_in = pltpu.VMEM((CHUNK, EMBED), jnp.float32)
    vm_out = pltpu.VMEM((OUT_F,), jnp.float32)
    run = pl.kernel(
        _sc_body,
        out_type=jax.ShapeDtypeStruct((ROWS * 2 * EMBED,), jnp.float32),
        mesh=plsc.VectorSubcoreMesh(
            core_axis_name="c", subcore_axis_name="s",
            num_cores=NC, num_subcores=NS),
        scratch_types=(
            [pltpu.VMEM((N_OBJ * EMBED,), jnp.float32)]
            + [vm_in] * 8 + [vm_out] * 4
            + [pltpu.SemaphoreType.DMA] * 12
        ),
    )
    out = run(cond, emb_flat)
    return out.reshape(BS, POS, 2 * EMBED)

# --- scband reference (transcript-rebuilt; emitter-appended) ---
"""Pipeline reference for scband-query-encoder-54004918780248 (READ-ONLY COPY).

The authoritative reference and input builder live on the scoring server;
editing this copy changes nothing except your own understanding.
"""

import jax, jax.numpy as jnp
import numpy as np

ATTR_DIM = 26
N_OBJ = 20
EMBED = 64
BS = 1024


def setup_inputs(seed: int = 0) -> dict:
    key = jax.random.key(seed)
    k1, k2 = jax.random.split(key)
    # forward input: cond packed as [2, bs, attr_dim*n_obj, embed_dim] -> cond[0]=x_pos, cond[1]=x_neg
    cond = jax.random.normal(k1, (2, BS, ATTR_DIM * N_OBJ, EMBED), dtype=jnp.float32)
    # learned parameter: nn.Embedding(n_obj, embed_dim) weight (torch default ~ N(0,1))
    emb = jax.random.normal(k2, (N_OBJ, EMBED), dtype=jnp.float32)
    return {"cond": cond, "emb": emb}


def reference(cond, emb):
    # reduce == 'single_queries', use_answers=False, cond_att=None
    bs = cond.shape[1]
    x_pos = cond[0]
    x_neg = cond[1]
    x_all = x_pos + x_neg  # [bs, attr_dim*n_obj, embed]
    # object_embedding: embedding lookup over arange(n_obj), tiled over (bs, attr_dim)
    idx = jnp.arange(N_OBJ)
    obj = jnp.take(emb, idx, axis=0)  # [n_obj, embed]
    obj = jnp.broadcast_to(obj[None, None, :, :], (bs, ATTR_DIM, N_OBJ, EMBED))
    obj = obj.reshape(bs, ATTR_DIM * N_OBJ, EMBED)
    x_all_o = jnp.concatenate([x_all, obj], axis=-1)  # [bs, attr_dim*n_obj, 2*embed]
    out = x_all_o.reshape(bs, ATTR_DIM * N_OBJ, -1)
    return out

if __name__ == "__main__":
    import jax
    _d = setup_inputs()
    print(jax.jit(kernel)(*tuple(_d.values())))

</pallas_src>

<mosaic_0001>
#map = affine_map<(d0, d1) -> (0, 0, 0, 0)>
#map1 = affine_map<(d0, d1) -> (0)>
module attributes {stable_mosaic.version = 14 : i64} {
  func.func @_sc_body(%arg0: i32, %arg1: i32, %arg2: memref<2x1024x520x64xf32, #tpu.memory_space<hbm>>, %arg3: memref<1280xf32, #tpu.memory_space<hbm>>, %arg4: memref<68157440xf32, #tpu.memory_space<hbm>>, %arg5: memref<1280xf32, #tpu.memory_space<vmem>>, %arg6: memref<40x64xf32, #tpu.memory_space<vmem>>, %arg7: memref<40x64xf32, #tpu.memory_space<vmem>>, %arg8: memref<40x64xf32, #tpu.memory_space<vmem>>, %arg9: memref<40x64xf32, #tpu.memory_space<vmem>>, %arg10: memref<40x64xf32, #tpu.memory_space<vmem>>, %arg11: memref<40x64xf32, #tpu.memory_space<vmem>>, %arg12: memref<40x64xf32, #tpu.memory_space<vmem>>, %arg13: memref<40x64xf32, #tpu.memory_space<vmem>>, %arg14: memref<5120xf32, #tpu.memory_space<vmem>>, %arg15: memref<5120xf32, #tpu.memory_space<vmem>>, %arg16: memref<5120xf32, #tpu.memory_space<vmem>>, %arg17: memref<5120xf32, #tpu.memory_space<vmem>>, %arg18: memref<!tpu.dma_semaphore, #tpu.memory_space<semaphore_mem>>, %arg19: memref<!tpu.dma_semaphore, #tpu.memory_space<semaphore_mem>>, %arg20: memref<!tpu.dma_semaphore, #tpu.memory_space<semaphore_mem>>, %arg21: memref<!tpu.dma_semaphore, #tpu.memory_space<semaphore_mem>>, %arg22: memref<!tpu.dma_semaphore, #tpu.memory_space<semaphore_mem>>, %arg23: memref<!tpu.dma_semaphore, #tpu.memory_space<semaphore_mem>>, %arg24: memref<!tpu.dma_semaphore, #tpu.memory_space<semaphore_mem>>, %arg25: memref<!tpu.dma_semaphore, #tpu.memory_space<semaphore_mem>>, %arg26: memref<!tpu.dma_semaphore, #tpu.memory_space<semaphore_mem>>, %arg27: memref<!tpu.dma_semaphore, #tpu.memory_space<semaphore_mem>>, %arg28: memref<!tpu.dma_semaphore, #tpu.memory_space<semaphore_mem>>, %arg29: memref<!tpu.dma_semaphore, #tpu.memory_space<semaphore_mem>>) attributes {dimension_semantics = [#tpu.dimension_semantics<core_parallel>, #tpu.dimension_semantics<subcore_parallel>], iteration_bounds = array<i64: 2, 16>, scalar_prefetch = 0 : i64, scratch_operands = 25 : i64, tpu.core_type = #tpu.core_type<sc_vector_subcore>, window_params = [{transform_indices = #map}, {transform_indices = #map1}, {transform_indices = #map1}]} {
    %mul3A = arith.constant 2 : i32
    %mul3A_0 = arith.muli %arg1, %mul3A : i32
    %add3A = arith.addi %mul3A_0, %arg0 : i32
    %mul3A_1 = arith.constant 32 : i32
    %mul3A_2 = arith.muli %add3A, %mul3A_1 : i32
    "tpu.region"() ({
      %run_scoped3A = tpu.sem_alloc : memref<!tpu.dma_semaphore, #tpu.memory_space<semaphore_mem>>
      tpu.enqueue_dma source(%arg3 : memref<1280xf32, #tpu.memory_space<hbm>>) target(%arg5 : memref<1280xf32, #tpu.memory_space<vmem>>) target_semaphore(%run_scoped3A : memref<!tpu.dma_semaphore, #tpu.memory_space<semaphore_mem>>)
      tpu.wait_dma2 semaphore(%run_scoped3A : memref<!tpu.dma_semaphore, #tpu.memory_space<semaphore_mem>>) src(%arg3 : memref<1280xf32, #tpu.memory_space<hbm>>) dst(%arg5 : memref<1280xf32, #tpu.memory_space<vmem>>)
      tpu.yield
    }) : () -> ()
    %scan3A = arith.constant 0 : i32
    %scan3A_3 = arith.constant 0 : i32
    %scan3A_4 = arith.constant 20 : i32
    %scan3A_5 = arith.addi %scan3A_3, %scan3A_4 : i32
    %scan3A_6 = arith.constant 1 : i32
    scf.for %scan3A_174 = %scan3A_3 to %scan3A_5 step %scan3A_6  : i32 {
      %mul3A_175 = arith.constant 64 : i32
      %mul3A_176 = arith.muli %scan3A_174, %mul3A_175 : i32
      %mul3A_177 = arith.constant 128 : i32
      %mul3A_178 = arith.muli %scan3A_174, %mul3A_177 : i32
      %add3A_179 = arith.constant 64 : i32
      %add3A_180 = arith.addi %mul3A_178, %add3A_179 : i32
      %add3A_181 = arith.constant 0 : i32
      %add3A_182 = arith.addi %mul3A_176, %add3A_181 : i32
      %get3A = arith.index_cast %add3A_182 : i32 to index
      %get3A_183 = tpu.vector_load %arg5[%get3A] {strides = array<i32>} : memref<1280xf32, #tpu.memory_space<vmem>>, vector<16xf32>,
      %get3A_184 = vector.shape_cast %get3A_183 : vector<16xf32> to vector<16xf32>
      %add3A_185 = arith.constant 0 : i32
      %add3A_186 = arith.addi %add3A_180, %add3A_185 : i32
      %swap3A = arith.index_cast %add3A_186 : i32 to index
      %swap3A_187 = tpu.vector_load %arg14[%swap3A] {strides = array<i32>} : memref<5120xf32, #tpu.memory_space<vmem>>, vector<16xf32>,
      %swap3A_188 = vector.shape_cast %swap3A_187 : vector<16xf32> to vector<16xf32>
      %swap3A_189 = vector.shape_cast %get3A_184 : vector<16xf32> to vector<16xf32>
      tpu.vector_store %arg14[%swap3A], %swap3A_189 {strides = array<i32>} : memref<5120xf32, #tpu.memory_space<vmem>>, vector<16xf32>,
      %add3A_190 = arith.constant 16 : i32
      %add3A_191 = arith.addi %mul3A_176, %add3A_190 : i32
      %get3A_192 = arith.index_cast %add3A_191 : i32 to index
      %get3A_193 = tpu.vector_load %arg5[%get3A_192] {strides = array<i32>} : memref<1280xf32, #tpu.memory_space<vmem>>, vector<16xf32>,
      %get3A_194 = vector.shape_cast %get3A_193 : vector<16xf32> to vector<16xf32>
      %add3A_195 = arith.constant 16 : i32
      %add3A_196 = arith.addi %add3A_180, %add3A_195 : i32
      %swap3A_197 = arith.index_cast %add3A_196 : i32 to index
      %swap3A_198 = tpu.vector_load %arg14[%swap3A_197] {strides = array<i32>} : memref<5120xf32, #tpu.memory_space<vmem>>, vector<16xf32>,
      %swap3A_199 = vector.shape_cast %swap3A_198 : vector<16xf32> to vector<16xf32>
      %swap3A_200 = vector.shape_cast %get3A_194 : vector<16xf32> to vector<16xf32>
      tpu.vector_store %arg14[%swap3A_197], %swap3A_200 {strides = array<i32>} : memref<5120xf32, #tpu.memory_space<vmem>>, vector<16xf32>,
      %add3A_201 = arith.constant 32 : i32
      %add3A_202 = arith.addi %mul3A_176, %add3A_201 : i32
      %get3A_203 = arith.index_cast %add3A_202 : i32 to index
      %get3A_204 = tpu.vector_load %arg5[%get3A_203] {strides = array<i32>} : memref<1280xf32, #tpu.memory_space<vmem>>, vector<16xf32>,
      %get3A_205 = vector.shape_cast %get3A_204 : vector<16xf32> to vector<16xf32>
      %add3A_206 = arith.constant 32 : i32
      %add3A_207 = arith.addi %add3A_180, %add3A_206 : i32
      %swap3A_208 = arith.index_cast %add3A_207 : i32 to index
      %swap3A_209 = tpu.vector_load %arg14[%swap3A_208] {strides = array<i32>} : memref<5120xf32, #tpu.memory_space<vmem>>, vector<16xf32>,
      %swap3A_210 = vector.shape_cast %swap3A_209 : vector<16xf32> to vector<16xf32>
      %swap3A_211 = vector.shape_cast %get3A_205 : vector<16xf32> to vector<16xf32>
      tpu.vector_store %arg14[%swap3A_208], %swap3A_211 {strides = array<i32>} : memref<5120xf32, #tpu.memory_space<vmem>>, vector<16xf32>,
      %add3A_212 = arith.constant 48 : i32
      %add3A_213 = arith.addi %mul3A_176, %add3A_212 : i32
      %get3A_214 = arith.index_cast %add3A_213 : i32 to index
      %get3A_215 = tpu.vector_load %arg5[%get3A_214] {strides = array<i32>} : memref<1280xf32, #tpu.memory_space<vmem>>, vector<16xf32>,
      %get3A_216 = vector.shape_cast %get3A_215 : vector<16xf32> to vector<16xf32>
      %add3A_217 = arith.constant 48 : i32
      %add3A_218 = arith.addi %add3A_180, %add3A_217 : i32
      %swap3A_219 = arith.index_cast %add3A_218 : i32 to index
      %swap3A_220 = tpu.vector_load %arg14[%swap3A_219] {strides = array<i32>} : memref<5120xf32, #tpu.memory_space<vmem>>, vector<16xf32>,
      %swap3A_221 = vector.shape_cast %swap3A_220 : vector<16xf32> to vector<16xf32>
      %swap3A_222 = vector.shape_cast %get3A_216 : vector<16xf32> to vector<16xf32>
      tpu.vector_store %arg14[%swap3A_219], %swap3A_222 {strides = array<i32>} : memref<5120xf32, #tpu.memory_space<vmem>>, vector<16xf32>,
    }
    %scan3A_7 = arith.constant 20 : i32
    %scan3A_8 = arith.constant 0 : i32
    %scan3A_9 = arith.constant 0 : i32
    %scan3A_10 = arith.constant 20 : i32
    %scan3A_11 = arith.addi %scan3A_9, %scan3A_10 : i32
    %scan3A_12 = arith.constant 1 : i32
    scf.for %scan3A_174 = %scan3A_9 to %scan3A_11 step %scan3A_12  : i32 {
      %mul3A_175 = arith.constant 128 : i32
      %mul3A_176 = arith.muli %scan3A_174, %mul3A_175 : i32
      %add3A_177 = arith.constant 64 : i32
      %add3A_178 = arith.addi %mul3A_176, %add3A_177 : i32
      %add3A_179 = arith.constant 0 : i32
      %add3A_180 = arith.addi %add3A_178, %add3A_179 : i32
      %get3A = arith.index_cast %add3A_180 : i32 to index
      %get3A_181 = tpu.vector_load %arg14[%get3A] {strides = array<i32>} : memref<5120xf32, #tpu.memory_space<vmem>>, vector<16xf32>,
      %get3A_182 = vector.shape_cast %get3A_181 : vector<16xf32> to vector<16xf32>
      %add3A_183 = arith.constant 2560 : i32
      %add3A_184 = arith.addi %add3A_183, %add3A_178 : i32
      %add3A_185 = arith.constant 0 : i32
      %add3A_186 = arith.addi %add3A_184, %add3A_185 : i32
      %swap3A = arith.index_cast %add3A_186 : i32 to index
      %swap3A_187 = tpu.vector_load %arg14[%swap3A] {strides = array<i32>} : memref<5120xf32, #tpu.memory_space<vmem>>, vector<16xf32>,
      %swap3A_188 = vector.shape_cast %swap3A_187 : vector<16xf32> to vector<16xf32>
      %swap3A_189 = vector.shape_cast %get3A_182 : vector<16xf32> to vector<16xf32>
      tpu.vector_store %arg14[%swap3A], %swap3A_189 {strides = array<i32>} : memref<5120xf32, #tpu.memory_space<vmem>>, vector<16xf32>,
      %add3A_190 = arith.constant 16 : i32
      %add3A_191 = arith.addi %add3A_178, %add3A_190 : i32
      %get3A_192 = arith.index_cast %add3A_191 : i32 to index
      %get3A_193 = tpu.vector_load %arg14[%get3A_192] {strides = array<i32>} : memref<5120xf32, #tpu.memory_space<vmem>>, vector<16xf32>,
      %get3A_194 = vector.shape_cast %get3A_193 : vector<16xf32> to vector<16xf32>
      %add3A_195 = arith.constant 2560 : i32
      %add3A_196 = arith.addi %add3A_195, %add3A_178 : i32
      %add3A_197 = arith.constant 16 : i32
      %add3A_198 = arith.addi %add3A_196, %add3A_197 : i32
      %swap3A_199 = arith.index_cast %add3A_198 : i32 to index
      %swap3A_200 = tpu.vector_load %arg14[%swap3A_199] {strides = array<i32>} : memref<5120xf32, #tpu.memory_space<vmem>>, vector<16xf32>,
      %swap3A_201 = vector.shape_cast %swap3A_200 : vector<16xf32> to vector<16xf32>
      %swap3A_202 = vector.shape_cast %get3A_194 : vector<16xf32> to vector<16xf32>
      tpu.vector_store %arg14[%swap3A_199], %swap3A_202 {strides = array<i32>} : memref<5120xf32, #tpu.memory_space<vmem>>, vector<16xf32>,
      %add3A_203 = arith.constant 32 : i32
      %add3A_204 = arith.addi %add3A_178, %add3A_203 : i32
      %get3A_205 = arith.index_cast %add3A_204 : i32 to index
      %get3A_206 = tpu.vector_load %arg14[%get3A_205] {strides = array<i32>} : memref<5120xf32, #tpu.memory_space<vmem>>, vector<16xf32>,
      %get3A_207 = vector.shape_cast %get3A_206 : vector<16xf32> to vector<16xf32>
      %add3A_208 = arith.constant 2560 : i32
      %add3A_209 = arith.addi %add3A_208, %add3A_178 : i32
      %add3A_210 = arith.constant 32 : i32
      %add3A_211 = arith.addi %add3A_209, %add3A_210 : i32
      %swap3A_212 = arith.index_cast %add3A_211 : i32 to index
      %swap3A_213 = tpu.vector_load %arg14[%swap3A_212] {strides = array<i32>} : memref<5120xf32, #tpu.memory_space<vmem>>, vector<16xf32>,
      %swap3A_214 = vector.shape_cast %swap3A_213 : vector<16xf32> to vector<16xf32>
      %swap3A_215 = vector.shape_cast %get3A_207 : vector<16xf32> to vector<16xf32>
      tpu.vector_store %arg14[%swap3A_212], %swap3A_215 {strides = array<i32>} : memref<5120xf32, #tpu.memory_space<vmem>>, vector<16xf32>,
      %add3A_216 = arith.constant 48 : i32
      %add3A_217 = arith.addi %add3A_178, %add3A_216 : i32
      %get3A_218 = arith.index_cast %add3A_217 : i32 to index
      %get3A_219 = tpu.vector_load %arg14[%get3A_218] {strides = array<i32>} : memref<5120xf32, #tpu.memory_space<vmem>>, vector<16xf32>,
      %get3A_220 = vector.shape_cast %get3A_219 : vector<16xf32> to vector<16xf32>
      %add3A_221 = arith.constant 2560 : i32
      %add3A_222 = arith.addi %add3A_221, %add3A_178 : i32
      %add3A_223 = arith.constant 48 : i32
      %add3A_224 = arith.addi %add3A_222, %add3A_223 : i32
      %swap3A_225 = arith.index_cast %add3A_224 : i32 to index
      %swap3A_226 = tpu.vector_load %arg14[%swap3A_225] {strides = array<i32>} : memref<5120xf32, #tpu.memory_space<vmem>>, vector<16xf32>,
      %swap3A_227 = vector.shape_cast %swap3A_226 : vector<16xf32> to vector<16xf32>
      %swap3A_228 = vector.shape_cast %get3A_220 : vector<16xf32> to vector<16xf32>
      tpu.vector_store %arg14[%swap3A_225], %swap3A_228 {strides = array<i32>} : memref<5120xf32, #tpu.memory_space<vmem>>, vector<16xf32>,
    }
    %scan3A_13 = arith.constant 20 : i32
    %scan3A_14 = arith.constant 0 : i32
    %scan3A_15 = arith.constant 0 : i32
    %scan3A_16 = arith.constant 20 : i32
    %scan3A_17 = arith.addi %scan3A_15, %scan3A_16 : i32
    %scan3A_18 = arith.constant 1 : i32
    scf.for %scan3A_174 = %scan3A_15 to %scan3A_17 step %scan3A_18  : i32 {
      %mul3A_175 = arith.constant 64 : i32
      %mul3A_176 = arith.muli %scan3A_174, %mul3A_175 : i32
      %mul3A_177 = arith.constant 128 : i32
      %mul3A_178 = arith.muli %scan3A_174, %mul3A_177 : i32
      %add3A_179 = arith.constant 64 : i32
      %add3A_180 = arith.addi %mul3A_178, %add3A_179 : i32
      %add3A_181 = arith.constant 0 : i32
      %add3A_182 = arith.addi %mul3A_176, %add3A_181 : i32
      %get3A = arith.index_cast %add3A_182 : i32 to index
      %get3A_183 = tpu.vector_load %arg5[%get3A] {strides = array<i32>} : memref<1280xf32, #tpu.memory_space<vmem>>, vector<16xf32>,
      %get3A_184 = vector.shape_cast %get3A_183 : vector<16xf32> to vector<16xf32>
      %add3A_185 = arith.constant 0 : i32
      %add3A_186 = arith.addi %add3A_180, %add3A_185 : i32
      %swap3A = arith.index_cast %add3A_186 : i32 to index
      %swap3A_187 = tpu.vector_load %arg15[%swap3A] {strides = array<i32>} : memref<5120xf32, #tpu.memory_space<vmem>>, vector<16xf32>,
      %swap3A_188 = vector.shape_cast %swap3A_187 : vector<16xf32> to vector<16xf32>
      %swap3A_189 = vector.shape_cast %get3A_184 : vector<16xf32> to vector<16xf32>
      tpu.vector_store %arg15[%swap3A], %swap3A_189 {strides = array<i32>} : memref<5120xf32, #tpu.memory_space<vmem>>, vector<16xf32>,
      %add3A_190 = arith.constant 16 : i32
      %add3A_191 = arith.addi %mul3A_176, %add3A_190 : i32
      %get3A_192 = arith.index_cast %add3A_191 : i32 to index
      %get3A_193 = tpu.vector_load %arg5[%get3A_192] {strides = array<i32>} : memref<1280xf32, #tpu.memory_space<vmem>>, vector<16xf32>,
      %get3A_194 = vector.shape_cast %get3A_193 : vector<16xf32> to vector<16xf32>
      %add3A_195 = arith.constant 16 : i32
      %add3A_196 = arith.addi %add3A_180, %add3A_195 : i32
      %swap3A_197 = arith.index_cast %add3A_196 : i32 to index
      %swap3A_198 = tpu.vector_load %arg15[%swap3A_197] {strides = array<i32>} : memref<5120xf32, #tpu.memory_space<vmem>>, vector<16xf32>,
      %swap3A_199 = vector.shape_cast %swap3A_198 : vector<16xf32> to vector<16xf32>
      %swap3A_200 = vector.shape_cast %get3A_194 : vector<16xf32> to vector<16xf32>
      tpu.vector_store %arg15[%swap3A_197], %swap3A_200 {strides = array<i32>} : memref<5120xf32, #tpu.memory_space<vmem>>, vector<16xf32>,
      %add3A_201 = arith.constant 32 : i32
      %add3A_202 = arith.addi %mul3A_176, %add3A_201 : i32
      %get3A_203 = arith.index_cast %add3A_202 : i32 to index
      %get3A_204 = tpu.vector_load %arg5[%get3A_203] {strides = array<i32>} : memref<1280xf32, #tpu.memory_space<vmem>>, vector<16xf32>,
      %get3A_205 = vector.shape_cast %get3A_204 : vector<16xf32> to vector<16xf32>
      %add3A_206 = arith.constant 32 : i32
      %add3A_207 = arith.addi %add3A_180, %add3A_206 : i32
      %swap3A_208 = arith.index_cast %add3A_207 : i32 to index
      %swap3A_209 = tpu.vector_load %arg15[%swap3A_208] {strides = array<i32>} : memref<5120xf32, #tpu.memory_space<vmem>>, vector<16xf32>,
      %swap3A_210 = vector.shape_cast %swap3A_209 : vector<16xf32> to vector<16xf32>
      %swap3A_211 = vector.shape_cast %get3A_205 : vector<16xf32> to vector<16xf32>
      tpu.vector_store %arg15[%swap3A_208], %swap3A_211 {strides = array<i32>} : memref<5120xf32, #tpu.memory_space<vmem>>, vector<16xf32>,
      %add3A_212 = arith.constant 48 : i32
      %add3A_213 = arith.addi %mul3A_176, %add3A_212 : i32
      %get3A_214 = arith.index_cast %add3A_213 : i32 to index
      %get3A_215 = tpu.vector_load %arg5[%get3A_214] {strides = array<i32>} : memref<1280xf32, #tpu.memory_space<vmem>>, vector<16xf32>,
      %get3A_216 = vector.shape_cast %get3A_215 : vector<16xf32> to vector<16xf32>
      %add3A_217 = arith.constant 48 : i32
      %add3A_218 = arith.addi %add3A_180, %add3A_217 : i32
      %swap3A_219 = arith.index_cast %add3A_218 : i32 to index
      %swap3A_220 = tpu.vector_load %arg15[%swap3A_219] {strides = array<i32>} : memref<5120xf32, #tpu.memory_space<vmem>>, vector<16xf32>,
      %swap3A_221 = vector.shape_cast %swap3A_220 : vector<16xf32> to vector<16xf32>
      %swap3A_222 = vector.shape_cast %get3A_216 : vector<16xf32> to vector<16xf32>
      tpu.vector_store %arg15[%swap3A_219], %swap3A_222 {strides = array<i32>} : memref<5120xf32, #tpu.memory_space<vmem>>, vector<16xf32>,
    }
    %scan3A_19 = arith.constant 20 : i32
    %scan3A_20 = arith.constant 0 : i32
    %scan3A_21 = arith.constant 0 : i32
    %scan3A_22 = arith.constant 20 : i32
    %scan3A_23 = arith.addi %scan3A_21, %scan3A_22 : i32
    %scan3A_24 = arith.constant 1 : i32
    scf.for %scan3A_174 = %scan3A_21 to %scan3A_23 step %scan3A_24  : i32 {
      %mul3A_175 = arith.constant 128 : i32
      %mul3A_176 = arith.muli %scan3A_174, %mul3A_175 : i32
      %add3A_177 = arith.constant 64 : i32
      %add3A_178 = arith.addi %mul3A_176, %add3A_177 : i32
      %add3A_179 = arith.constant 0 : i32
      %add3A_180 = arith.addi %add3A_178, %add3A_179 : i32
      %get3A = arith.index_cast %add3A_180 : i32 to index
      %get3A_181 = tpu.vector_load %arg15[%get3A] {strides = array<i32>} : memref<5120xf32, #tpu.memory_space<vmem>>, vector<16xf32>,
      %get3A_182 = vector.shape_cast %get3A_181 : vector<16xf32> to vector<16xf32>
      %add3A_183 = arith.constant 2560 : i32
      %add3A_184 = arith.addi %add3A_183, %add3A_178 : i32
      %add3A_185 = arith.constant 0 : i32
      %add3A_186 = arith.addi %add3A_184, %add3A_185 : i32
      %swap3A = arith.index_cast %add3A_186 : i32 to index
      %swap3A_187 = tpu.vector_load %arg15[%swap3A] {strides = array<i32>} : memref<5120xf32, #tpu.memory_space<vmem>>, vector<16xf32>,
      %swap3A_188 = vector.shape_cast %swap3A_187 : vector<16xf32> to vector<16xf32>
      %swap3A_189 = vector.shape_cast %get3A_182 : vector<16xf32> to vector<16xf32>
      tpu.vector_store %arg15[%swap3A], %swap3A_189 {strides = array<i32>} : memref<5120xf32, #tpu.memory_space<vmem>>, vector<16xf32>,
      %add3A_190 = arith.constant 16 : i32
      %add3A_191 = arith.addi %add3A_178, %add3A_190 : i32
      %get3A_192 = arith.index_cast %add3A_191 : i32 to index
      %get3A_193 = tpu.vector_load %arg15[%get3A_192] {strides = array<i32>} : memref<5120xf32, #tpu.memory_space<vmem>>, vector<16xf32>,
      %get3A_194 = vector.shape_cast %get3A_193 : vector<16xf32> to vector<16xf32>
      %add3A_195 = arith.constant 2560 : i32
      %add3A_196 = arith.addi %add3A_195, %add3A_178 : i32
      %add3A_197 = arith.constant 16 : i32
      %add3A_198 = arith.addi %add3A_196, %add3A_197 : i32
      %swap3A_199 = arith.index_cast %add3A_198 : i32 to index
      %swap3A_200 = tpu.vector_load %arg15[%swap3A_199] {strides = array<i32>} : memref<5120xf32, #tpu.memory_space<vmem>>, vector<16xf32>,
      %swap3A_201 = vector.shape_cast %swap3A_200 : vector<16xf32> to vector<16xf32>
      %swap3A_202 = vector.shape_cast %get3A_194 : vector<16xf32> to vector<16xf32>
      tpu.vector_store %arg15[%swap3A_199], %swap3A_202 {strides = array<i32>} : memref<5120xf32, #tpu.memory_space<vmem>>, vector<16xf32>,
      %add3A_203 = arith.constant 32 : i32
      %add3A_204 = arith.addi %add3A_178, %add3A_203 : i32
      %get3A_205 = arith.index_cast %add3A_204 : i32 to index
      %get3A_206 = tpu.vector_load %arg15[%get3A_205] {strides = array<i32>} : memref<5120xf32, #tpu.memory_space<vmem>>, vector<16xf32>,
      %get3A_207 = vector.shape_cast %get3A_206 : vector<16xf32> to vector<16xf32>
      %add3A_208 = arith.constant 2560 : i32
      %add3A_209 = arith.addi %add3A_208, %add3A_178 : i32
      %add3A_210 = arith.constant 32 : i32
      %add3A_211 = arith.addi %add3A_209, %add3A_210 : i32
      %swap3A_212 = arith.index_cast %add3A_211 : i32 to index
      %swap3A_213 = tpu.vector_load %arg15[%swap3A_212] {strides = array<i32>} : memref<5120xf32, #tpu.memory_space<vmem>>, vector<16xf32>,
      %swap3A_214 = vector.shape_cast %swap3A_213 : vector<16xf32> to vector<16xf32>
      %swap3A_215 = vector.shape_cast %get3A_207 : vector<16xf32> to vector<16xf32>
      tpu.vector_store %arg15[%swap3A_212], %swap3A_215 {strides = array<i32>} : memref<5120xf32, #tpu.memory_space<vmem>>, vector<16xf32>,
      %add3A_216 = arith.constant 48 : i32
      %add3A_217 = arith.addi %add3A_178, %add3A_216 : i32
      %get3A_218 = arith.index_cast %add3A_217 : i32 to index
      %get3A_219 = tpu.vector_load %arg15[%get3A_218] {strides = array<i32>} : memref<5120xf32, #tpu.memory_space<vmem>>, vector<16xf32>,
      %get3A_220 = vector.shape_cast %get3A_219 : vector<16xf32> to vector<16xf32>
      %add3A_221 = arith.constant 2560 : i32
      %add3A_222 = arith.addi %add3A_221, %add3A_178 : i32
      %add3A_223 = arith.constant 48 : i32
      %add3A_224 = arith.addi %add3A_222, %add3A_223 : i32
      %swap3A_225 = arith.index_cast %add3A_224 : i32 to index
      %swap3A_226 = tpu.vector_load %arg15[%swap3A_225] {strides = array<i32>} : memref<5120xf32, #tpu.memory_space<vmem>>, vector<16xf32>,
      %swap3A_227 = vector.shape_cast %swap3A_226 : vector<16xf32> to vector<16xf32>
      %swap3A_228 = vector.shape_cast %get3A_220 : vector<16xf32> to vector<16xf32>
      tpu.vector_store %arg15[%swap3A_225], %swap3A_228 {strides = array<i32>} : memref<5120xf32, #tpu.memory_space<vmem>>, vector<16xf32>,
    }
    %scan3A_25 = arith.constant 20 : i32
    %scan3A_26 = arith.constant 0 : i32
    %scan3A_27 = arith.constant 0 : i32
    %scan3A_28 = arith.constant 20 : i32
    %scan3A_29 = arith.addi %scan3A_27, %scan3A_28 : i32
    %scan3A_30 = arith.constant 1 : i32
    scf.for %scan3A_174 = %scan3A_27 to %scan3A_29 step %scan3A_30  : i32 {
      %mul3A_175 = arith.constant 64 : i32
      %mul3A_176 = arith.muli %scan3A_174, %mul3A_175 : i32
      %mul3A_177 = arith.constant 128 : i32
      %mul3A_178 = arith.muli %scan3A_174, %mul3A_177 : i32
      %add3A_179 = arith.constant 64 : i32
      %add3A_180 = arith.addi %mul3A_178, %add3A_179 : i32
      %add3A_181 = arith.constant 0 : i32
      %add3A_182 = arith.addi %mul3A_176, %add3A_181 : i32
      %get3A = arith.index_cast %add3A_182 : i32 to index
      %get3A_183 = tpu.vector_load %arg5[%get3A] {strides = array<i32>} : memref<1280xf32, #tpu.memory_space<vmem>>, vector<16xf32>,
      %get3A_184 = vector.shape_cast %get3A_183 : vector<16xf32> to vector<16xf32>
      %add3A_185 = arith.constant 0 : i32
      %add3A_186 = arith.addi %add3A_180, %add3A_185 : i32
      %swap3A = arith.index_cast %add3A_186 : i32 to index
      %swap3A_187 = tpu.vector_load %arg16[%swap3A] {strides = array<i32>} : memref<5120xf32, #tpu.memory_space<vmem>>, vector<16xf32>,
      %swap3A_188 = vector.shape_cast %swap3A_187 : vector<16xf32> to vector<16xf32>
      %swap3A_189 = vector.shape_cast %get3A_184 : vector<16xf32> to vector<16xf32>
      tpu.vector_store %arg16[%swap3A], %swap3A_189 {strides = array<i32>} : memref<5120xf32, #tpu.memory_space<vmem>>, vector<16xf32>,
      %add3A_190 = arith.constant 16 : i32
      %add3A_191 = arith.addi %mul3A_176, %add3A_190 : i32
      %get3A_192 = arith.index_cast %add3A_191 : i32 to index
      %get3A_193 = tpu.vector_load %arg5[%get3A_192] {strides = array<i32>} : memref<1280xf32, #tpu.memory_space<vmem>>, vector<16xf32>,
      %get3A_194 = vector.shape_cast %get3A_193 : vector<16xf32> to vector<16xf32>
      %add3A_195 = arith.constant 16 : i32
      %add3A_196 = arith.addi %add3A_180, %add3A_195 : i32
      %swap3A_197 = arith.index_cast %add3A_196 : i32 to index
      %swap3A_198 = tpu.vector_load %arg16[%swap3A_197] {strides = array<i32>} : memref<5120xf32, #tpu.memory_space<vmem>>, vector<16xf32>,
      %swap3A_199 = vector.shape_cast %swap3A_198 : vector<16xf32> to vector<16xf32>
      %swap3A_200 = vector.shape_cast %get3A_194 : vector<16xf32> to vector<16xf32>
      tpu.vector_store %arg16[%swap3A_197], %swap3A_200 {strides = array<i32>} : memref<5120xf32, #tpu.memory_space<vmem>>, vector<16xf32>,
      %add3A_201 = arith.constant 32 : i32
      %add3A_202 = arith.addi %mul3A_176, %add3A_201 : i32
      %get3A_203 = arith.index_cast %add3A_202 : i32 to index
      %get3A_204 = tpu.vector_load %arg5[%get3A_203] {strides = array<i32>} : memref<1280xf32, #tpu.memory_space<vmem>>, vector<16xf32>,
      %get3A_205 = vector.shape_cast %get3A_204 : vector<16xf32> to vector<16xf32>
      %add3A_206 = arith.constant 32 : i32
      %add3A_207 = arith.addi %add3A_180, %add3A_206 : i32
      %swap3A_208 = arith.index_cast %add3A_207 : i32 to index
      %swap3A_209 = tpu.vector_load %arg16[%swap3A_208] {strides = array<i32>} : memref<5120xf32, #tpu.memory_space<vmem>>, vector<16xf32>,
      %swap3A_210 = vector.shape_cast %swap3A_209 : vector<16xf32> to vector<16xf32>
      %swap3A_211 = vector.shape_cast %get3A_205 : vector<16xf32> to vector<16xf32>
      tpu.vector_store %arg16[%swap3A_208], %swap3A_211 {strides = array<i32>} : memref<5120xf32, #tpu.memory_space<vmem>>, vector<16xf32>,
      %add3A_212 = arith.constant 48 : i32
      %add3A_213 = arith.addi %mul3A_176, %add3A_212 : i32
      %get3A_214 = arith.index_cast %add3A_213 : i32 to index
      %get3A_215 = tpu.vector_load %arg5[%get3A_214] {strides = array<i32>} : memref<1280xf32, #tpu.memory_space<vmem>>, vector<16xf32>,
      %get3A_216 = vector.shape_cast %get3A_215 : vector<16xf32> to vector<16xf32>
      %add3A_217 = arith.constant 48 : i32
      %add3A_218 = arith.addi %add3A_180, %add3A_217 : i32
      %swap3A_219 = arith.index_cast %add3A_218 : i32 to index
      %swap3A_220 = tpu.vector_load %arg16[%swap3A_219] {strides = array<i32>} : memref<5120xf32, #tpu.memory_space<vmem>>, vector<16xf32>,
      %swap3A_221 = vector.shape_cast %swap3A_220 : vector<16xf32> to vector<16xf32>
      %swap3A_222 = vector.shape_cast %get3A_216 : vector<16xf32> to vector<16xf32>
      tpu.vector_store %arg16[%swap3A_219], %swap3A_222 {strides = array<i32>} : memref<5120xf32, #tpu.memory_space<vmem>>, vector<16xf32>,
    }
    %scan3A_31 = arith.constant 20 : i32
    %scan3A_32 = arith.constant 0 : i32
    %scan3A_33 = arith.constant 0 : i32
    %scan3A_34 = arith.constant 20 : i32
    %scan3A_35 = arith.addi %scan3A_33, %scan3A_34 : i32
    %scan3A_36 = arith.constant 1 : i32
    scf.for %scan3A_174 = %scan3A_33 to %scan3A_35 step %scan3A_36  : i32 {
      %mul3A_175 = arith.constant 128 : i32
      %mul3A_176 = arith.muli %scan3A_174, %mul3A_175 : i32
      %add3A_177 = arith.constant 64 : i32
      %add3A_178 = arith.addi %mul3A_176, %add3A_177 : i32
      %add3A_179 = arith.constant 0 : i32
      %add3A_180 = arith.addi %add3A_178, %add3A_179 : i32
      %get3A = arith.index_cast %add3A_180 : i32 to index
      %get3A_181 = tpu.vector_load %arg16[%get3A] {strides = array<i32>} : memref<5120xf32, #tpu.memory_space<vmem>>, vector<16xf32>,
      %get3A_182 = vector.shape_cast %get3A_181 : vector<16xf32> to vector<16xf32>
      %add3A_183 = arith.constant 2560 : i32
      %add3A_184 = arith.addi %add3A_183, %add3A_178 : i32
      %add3A_185 = arith.constant 0 : i32
      %add3A_186 = arith.addi %add3A_184, %add3A_185 : i32
      %swap3A = arith.index_cast %add3A_186 : i32 to index
      %swap3A_187 = tpu.vector_load %arg16[%swap3A] {strides = array<i32>} : memref<5120xf32, #tpu.memory_space<vmem>>, vector<16xf32>,
      %swap3A_188 = vector.shape_cast %swap3A_187 : vector<16xf32> to vector<16xf32>
      %swap3A_189 = vector.shape_cast %get3A_182 : vector<16xf32> to vector<16xf32>
      tpu.vector_store %arg16[%swap3A], %swap3A_189 {strides = array<i32>} : memref<5120xf32, #tpu.memory_space<vmem>>, vector<16xf32>,
      %add3A_190 = arith.constant 16 : i32
      %add3A_191 = arith.addi %add3A_178, %add3A_190 : i32
      %get3A_192 = arith.index_cast %add3A_191 : i32 to index
      %get3A_193 = tpu.vector_load %arg16[%get3A_192] {strides = array<i32>} : memref<5120xf32, #tpu.memory_space<vmem>>, vector<16xf32>,
      %get3A_194 = vector.shape_cast %get3A_193 : vector<16xf32> to vector<16xf32>
      %add3A_195 = arith.constant 2560 : i32
      %add3A_196 = arith.addi %add3A_195, %add3A_178 : i32
      %add3A_197 = arith.constant 16 : i32
      %add3A_198 = arith.addi %add3A_196, %add3A_197 : i32
      %swap3A_199 = arith.index_cast %add3A_198 : i32 to index
      %swap3A_200 = tpu.vector_load %arg16[%swap3A_199] {strides = array<i32>} : memref<5120xf32, #tpu.memory_space<vmem>>, vector<16xf32>,
      %swap3A_201 = vector.shape_cast %swap3A_200 : vector<16xf32> to vector<16xf32>
      %swap3A_202 = vector.shape_cast %get3A_194 : vector<16xf32> to vector<16xf32>
      tpu.vector_store %arg16[%swap3A_199], %swap3A_202 {strides = array<i32>} : memref<5120xf32, #tpu.memory_space<vmem>>, vector<16xf32>,
      %add3A_203 = arith.constant 32 : i32
      %add3A_204 = arith.addi %add3A_178, %add3A_203 : i32
      %get3A_205 = arith.index_cast %add3A_204 : i32 to index
      %get3A_206 = tpu.vector_load %arg16[%get3A_205] {strides = array<i32>} : memref<5120xf32, #tpu.memory_space<vmem>>, vector<16xf32>,
      %get3A_207 = vector.shape_cast %get3A_206 : vector<16xf32> to vector<16xf32>
      %add3A_208 = arith.constant 2560 : i32
      %add3A_209 = arith.addi %add3A_208, %add3A_178 : i32
      %add3A_210 = arith.constant 32 : i32
      %add3A_211 = arith.addi %add3A_209, %add3A_210 : i32
      %swap3A_212 = arith.index_cast %add3A_211 : i32 to index
      %swap3A_213 = tpu.vector_load %arg16[%swap3A_212] {strides = array<i32>} : memref<5120xf32, #tpu.memory_space<vmem>>, vector<16xf32>,
      %swap3A_214 = vector.shape_cast %swap3A_213 : vector<16xf32> to vector<16xf32>
      %swap3A_215 = vector.shape_cast %get3A_207 : vector<16xf32> to vector<16xf32>
      tpu.vector_store %arg16[%swap3A_212], %swap3A_215 {strides = array<i32>} : memref<5120xf32, #tpu.memory_space<vmem>>, vector<16xf32>,
      %add3A_216 = arith.constant 48 : i32
      %add3A_217 = arith.addi %add3A_178, %add3A_216 : i32
      %get3A_218 = arith.index_cast %add3A_217 : i32 to index
      %get3A_219 = tpu.vector_load %arg16[%get3A_218] {strides = array<i32>} : memref<5120xf32, #tpu.memory_space<vmem>>, vector<16xf32>,
      %get3A_220 = vector.shape_cast %get3A_219 : vector<16xf32> to vector<16xf32>
      %add3A_221 = arith.constant 2560 : i32
      %add3A_222 = arith.addi %add3A_221, %add3A_178 : i32
      %add3A_223 = arith.constant 48 : i32
      %add3A_224 = arith.addi %add3A_222, %add3A_223 : i32
      %swap3A_225 = arith.index_cast %add3A_224 : i32 to index
      %swap3A_226 = tpu.vector_load %arg16[%swap3A_225] {strides = array<i32>} : memref<5120xf32, #tpu.memory_space<vmem>>, vector<16xf32>,
      %swap3A_227 = vector.shape_cast %swap3A_226 : vector<16xf32> to vector<16xf32>
      %swap3A_228 = vector.shape_cast %get3A_220 : vector<16xf32> to vector<16xf32>
      tpu.vector_store %arg16[%swap3A_225], %swap3A_228 {strides = array<i32>} : memref<5120xf32, #tpu.memory_space<vmem>>, vector<16xf32>,
    }
    %scan3A_37 = arith.constant 20 : i32
    %scan3A_38 = arith.constant 0 : i32
    %scan3A_39 = arith.constant 0 : i32
    %scan3A_40 = arith.constant 20 : i32
    %scan3A_41 = arith.addi %scan3A_39, %scan3A_40 : i32
    %scan3A_42 = arith.constant 1 : i32
    scf.for %scan3A_174 = %scan3A_39 to %scan3A_41 step %scan3A_42  : i32 {
      %mul3A_175 = arith.constant 64 : i32
      %mul3A_176 = arith.muli %scan3A_174, %mul3A_175 : i32
      %mul3A_177 = arith.constant 128 : i32
      %mul3A_178 = arith.muli %scan3A_174, %mul3A_177 : i32
      %add3A_179 = arith.constant 64 : i32
      %add3A_180 = arith.addi %mul3A_178, %add3A_179 : i32
      %add3A_181 = arith.constant 0 : i32
      %add3A_182 = arith.addi %mul3A_176, %add3A_181 : i32
      %get3A = arith.index_cast %add3A_182 : i32 to index
      %get3A_183 = tpu.vector_load %arg5[%get3A] {strides = array<i32>} : memref<1280xf32, #tpu.memory_space<vmem>>, vector<16xf32>,
      %get3A_184 = vector.shape_cast %get3A_183 : vector<16xf32> to vector<16xf32>
      %add3A_185 = arith.constant 0 : i32
      %add3A_186 = arith.addi %add3A_180, %add3A_185 : i32
      %swap3A = arith.index_cast %add3A_186 : i32 to index
      %swap3A_187 = tpu.vector_load %arg17[%swap3A] {strides = array<i32>} : memref<5120xf32, #tpu.memory_space<vmem>>, vector<16xf32>,
      %swap3A_188 = vector.shape_cast %swap3A_187 : vector<16xf32> to vector<16xf32>
      %swap3A_189 = vector.shape_cast %get3A_184 : vector<16xf32> to vector<16xf32>
      tpu.vector_store %arg17[%swap3A], %swap3A_189 {strides = array<i32>} : memref<5120xf32, #tpu.memory_space<vmem>>, vector<16xf32>,
      %add3A_190 = arith.constant 16 : i32
      %add3A_191 = arith.addi %mul3A_176, %add3A_190 : i32
      %get3A_192 = arith.index_cast %add3A_191 : i32 to index
      %get3A_193 = tpu.vector_load %arg5[%get3A_192] {strides = array<i32>} : memref<1280xf32, #tpu.memory_space<vmem>>, vector<16xf32>,
      %get3A_194 = vector.shape_cast %get3A_193 : vector<16xf32> to vector<16xf32>
      %add3A_195 = arith.constant 16 : i32
      %add3A_196 = arith.addi %add3A_180, %add3A_195 : i32
      %swap3A_197 = arith.index_cast %add3A_196 : i32 to index
      %swap3A_198 = tpu.vector_load %arg17[%swap3A_197] {strides = array<i32>} : memref<5120xf32, #tpu.memory_space<vmem>>, vector<16xf32>,
      %swap3A_199 = vector.shape_cast %swap3A_198 : vector<16xf32> to vector<16xf32>
      %swap3A_200 = vector.shape_cast %get3A_194 : vector<16xf32> to vector<16xf32>
      tpu.vector_store %arg17[%swap3A_197], %swap3A_200 {strides = array<i32>} : memref<5120xf32, #tpu.memory_space<vmem>>, vector<16xf32>,
      %add3A_201 = arith.constant 32 : i32
      %add3A_202 = arith.addi %mul3A_176, %add3A_201 : i32
      %get3A_203 = arith.index_cast %add3A_202 : i32 to index
      %get3A_204 = tpu.vector_load %arg5[%get3A_203] {strides = array<i32>} : memref<1280xf32, #tpu.memory_space<vmem>>, vector<16xf32>,
      %get3A_205 = vector.shape_cast %get3A_204 : vector<16xf32> to vector<16xf32>
      %add3A_206 = arith.constant 32 : i32
      %add3A_207 = arith.addi %add3A_180, %add3A_206 : i32
      %swap3A_208 = arith.index_cast %add3A_207 : i32 to index
      %swap3A_209 = tpu.vector_load %arg17[%swap3A_208] {strides = array<i32>} : memref<5120xf32, #tpu.memory_space<vmem>>, vector<16xf32>,
      %swap3A_210 = vector.shape_cast %swap3A_209 : vector<16xf32> to vector<16xf32>
      %swap3A_211 = vector.shape_cast %get3A_205 : vector<16xf32> to vector<16xf32>
      tpu.vector_store %arg17[%swap3A_208], %swap3A_211 {strides = array<i32>} : memref<5120xf32, #tpu.memory_space<vmem>>, vector<16xf32>,
      %add3A_212 = arith.constant 48 : i32
      %add3A_213 = arith.addi %mul3A_176, %add3A_212 : i32
      %get3A_214 = arith.index_cast %add3A_213 : i32 to index
      %get3A_215 = tpu.vector_load %arg5[%get3A_214] {strides = array<i32>} : memref<1280xf32, #tpu.memory_space<vmem>>, vector<16xf32>,
      %get3A_216 = vector.shape_cast %get3A_215 : vector<16xf32> to vector<16xf32>
      %add3A_217 = arith.constant 48 : i32
      %add3A_218 = arith.addi %add3A_180, %add3A_217 : i32
      %swap3A_219 = arith.index_cast %add3A_218 : i32 to index
      %swap3A_220 = tpu.vector_load %arg17[%swap3A_219] {strides = array<i32>} : memref<5120xf32, #tpu.memory_space<vmem>>, vector<16xf32>,
      %swap3A_221 = vector.shape_cast %swap3A_220 : vector<16xf32> to vector<16xf32>
      %swap3A_222 = vector.shape_cast %get3A_216 : vector<16xf32> to vector<16xf32>
      tpu.vector_store %arg17[%swap3A_219], %swap3A_222 {strides = array<i32>} : memref<5120xf32, #tpu.memory_space<vmem>>, vector<16xf32>,
    }
    %scan3A_43 = arith.constant 20 : i32
    %scan3A_44 = arith.constant 0 : i32
    %scan3A_45 = arith.constant 0 : i32
    %scan3A_46 = arith.constant 20 : i32
    %scan3A_47 = arith.addi %scan3A_45, %scan3A_46 : i32
    %scan3A_48 = arith.constant 1 : i32
    scf.for %scan3A_174 = %scan3A_45 to %scan3A_47 step %scan3A_48  : i32 {
      %mul3A_175 = arith.constant 128 : i32
      %mul3A_176 = arith.muli %scan3A_174, %mul3A_175 : i32
      %add3A_177 = arith.constant 64 : i32
      %add3A_178 = arith.addi %mul3A_176, %add3A_177 : i32
      %add3A_179 = arith.constant 0 : i32
      %add3A_180 = arith.addi %add3A_178, %add3A_179 : i32
      %get3A = arith.index_cast %add3A_180 : i32 to index
      %get3A_181 = tpu.vector_load %arg17[%get3A] {strides = array<i32>} : memref<5120xf32, #tpu.memory_space<vmem>>, vector<16xf32>,
      %get3A_182 = vector.shape_cast %get3A_181 : vector<16xf32> to vector<16xf32>
      %add3A_183 = arith.constant 2560 : i32
      %add3A_184 = arith.addi %add3A_183, %add3A_178 : i32
      %add3A_185 = arith.constant 0 : i32
      %add3A_186 = arith.addi %add3A_184, %add3A_185 : i32
      %swap3A = arith.index_cast %add3A_186 : i32 to index
      %swap3A_187 = tpu.vector_load %arg17[%swap3A] {strides = array<i32>} : memref<5120xf32, #tpu.memory_space<vmem>>, vector<16xf32>,
      %swap3A_188 = vector.shape_cast %swap3A_187 : vector<16xf32> to vector<16xf32>
      %swap3A_189 = vector.shape_cast %get3A_182 : vector<16xf32> to vector<16xf32>
      tpu.vector_store %arg17[%swap3A], %swap3A_189 {strides = array<i32>} : memref<5120xf32, #tpu.memory_space<vmem>>, vector<16xf32>,
      %add3A_190 = arith.constant 16 : i32
      %add3A_191 = arith.addi %add3A_178, %add3A_190 : i32
      %get3A_192 = arith.index_cast %add3A_191 : i32 to index
      %get3A_193 = tpu.vector_load %arg17[%get3A_192] {strides = array<i32>} : memref<5120xf32, #tpu.memory_space<vmem>>, vector<16xf32>,
      %get3A_194 = vector.shape_cast %get3A_193 : vector<16xf32> to vector<16xf32>
      %add3A_195 = arith.constant 2560 : i32
      %add3A_196 = arith.addi %add3A_195, %add3A_178 : i32
      %add3A_197 = arith.constant 16 : i32
      %add3A_198 = arith.addi %add3A_196, %add3A_197 : i32
      %swap3A_199 = arith.index_cast %add3A_198 : i32 to index
      %swap3A_200 = tpu.vector_load %arg17[%swap3A_199] {strides = array<i32>} : memref<5120xf32, #tpu.memory_space<vmem>>, vector<16xf32>,
      %swap3A_201 = vector.shape_cast %swap3A_200 : vector<16xf32> to vector<16xf32>
      %swap3A_202 = vector.shape_cast %get3A_194 : vector<16xf32> to vector<16xf32>
      tpu.vector_store %arg17[%swap3A_199], %swap3A_202 {strides = array<i32>} : memref<5120xf32, #tpu.memory_space<vmem>>, vector<16xf32>,
      %add3A_203 = arith.constant 32 : i32
      %add3A_204 = arith.addi %add3A_178, %add3A_203 : i32
      %get3A_205 = arith.index_cast %add3A_204 : i32 to index
      %get3A_206 = tpu.vector_load %arg17[%get3A_205] {strides = array<i32>} : memref<5120xf32, #tpu.memory_space<vmem>>, vector<16xf32>,
      %get3A_207 = vector.shape_cast %get3A_206 : vector<16xf32> to vector<16xf32>
      %add3A_208 = arith.constant 2560 : i32
      %add3A_209 = arith.addi %add3A_208, %add3A_178 : i32
      %add3A_210 = arith.constant 32 : i32
      %add3A_211 = arith.addi %add3A_209, %add3A_210 : i32
      %swap3A_212 = arith.index_cast %add3A_211 : i32 to index
      %swap3A_213 = tpu.vector_load %arg17[%swap3A_212] {strides = array<i32>} : memref<5120xf32, #tpu.memory_space<vmem>>, vector<16xf32>,
      %swap3A_214 = vector.shape_cast %swap3A_213 : vector<16xf32> to vector<16xf32>
      %swap3A_215 = vector.shape_cast %get3A_207 : vector<16xf32> to vector<16xf32>
      tpu.vector_store %arg17[%swap3A_212], %swap3A_215 {strides = array<i32>} : memref<5120xf32, #tpu.memory_space<vmem>>, vector<16xf32>,
      %add3A_216 = arith.constant 48 : i32
      %add3A_217 = arith.addi %add3A_178, %add3A_216 : i32
      %get3A_218 = arith.index_cast %add3A_217 : i32 to index
      %get3A_219 = tpu.vector_load %arg17[%get3A_218] {strides = array<i32>} : memref<5120xf32, #tpu.memory_space<vmem>>, vector<16xf32>,
      %get3A_220 = vector.shape_cast %get3A_219 : vector<16xf32> to vector<16xf32>
      %add3A_221 = arith.constant 2560 : i32
      %add3A_222 = arith.addi %add3A_221, %add3A_178 : i32
      %add3A_223 = arith.constant 48 : i32
      %add3A_224 = arith.addi %add3A_222, %add3A_223 : i32
      %swap3A_225 = arith.index_cast %add3A_224 : i32 to index
      %swap3A_226 = tpu.vector_load %arg17[%swap3A_225] {strides = array<i32>} : memref<5120xf32, #tpu.memory_space<vmem>>, vector<16xf32>,
      %swap3A_227 = vector.shape_cast %swap3A_226 : vector<16xf32> to vector<16xf32>
      %swap3A_228 = vector.shape_cast %get3A_220 : vector<16xf32> to vector<16xf32>
      tpu.vector_store %arg17[%swap3A_225], %swap3A_228 {strides = array<i32>} : memref<5120xf32, #tpu.memory_space<vmem>>, vector<16xf32>,
    }
    %scan3A_49 = arith.constant 20 : i32
    %add3A_50 = arith.constant 0 : i32
    %add3A_51 = arith.addi %mul3A_2, %add3A_50 : i32
    %dma_start3A = arith.constant 0 : i32
    %dma_start3A_52 = arith.constant 0 : i32
    %dma_start3A_53 = arith.constant 0 : i32
    %dma_start3A_54 = tpu.memref_slice %arg2[%dma_start3A, %add3A_51, %dma_start3A_52, %dma_start3A_53] : memref<2x1024x520x64xf32, #tpu.memory_space<hbm>> -> memref<1x1x40x64xf32, #tpu.memory_space<hbm>>
    %dma_start3A_55 = tpu.memref_squeeze %dma_start3A_54 : memref<1x1x40x64xf32, #tpu.memory_space<hbm>> -> memref<40x64xf32, #tpu.memory_space<hbm>>
    %dma_start3A_56 = arith.constant 0 : i32
    %dma_start3A_57 = arith.constant 0 : i32
    %dma_start3A_58 = tpu.memref_slice %arg2[%dma_start3A, %add3A_51, %dma_start3A_56, %dma_start3A_57] : memref<2x1024x520x64xf32, #tpu.memory_space<hbm>> -> memref<1x1x40x64xf32, #tpu.memory_space<hbm>>
    %dma_start3A_59 = tpu.memref_squeeze %dma_start3A_58 : memref<1x1x40x64xf32, #tpu.memory_space<hbm>> -> memref<40x64xf32, #tpu.memory_space<hbm>>
    tpu.enqueue_dma source(%dma_start3A_59 : memref<40x64xf32, #tpu.memory_space<hbm>>) target(%arg6 : memref<40x64xf32, #tpu.memory_space<vmem>>) target_semaphore(%arg18 : memref<!tpu.dma_semaphore, #tpu.memory_space<semaphore_mem>>)
    %dma_start3A_60 = arith.constant 1 : i32
    %dma_start3A_61 = arith.constant 0 : i32
    %dma_start3A_62 = arith.constant 0 : i32
    %dma_start3A_63 = tpu.memref_slice %arg2[%dma_start3A_60, %add3A_51, %dma_start3A_61, %dma_start3A_62] : memref<2x1024x520x64xf32, #tpu.memory_space<hbm>> -> memref<1x1x40x64xf32, #tpu.memory_space<hbm>>
    %dma_start3A_64 = tpu.memref_squeeze %dma_start3A_63 : memref<1x1x40x64xf32, #tpu.memory_space<hbm>> -> memref<40x64xf32, #tpu.memory_space<hbm>>
    %dma_start3A_65 = arith.constant 0 : i32
    %dma_start3A_66 = arith.constant 0 : i32
    %dma_start3A_67 = tpu.memref_slice %arg2[%dma_start3A_60, %add3A_51, %dma_start3A_65, %dma_start3A_66] : memref<2x1024x520x64xf32, #tpu.memory_space<hbm>> -> memref<1x1x40x64xf32, #tpu.memory_space<hbm>>
    %dma_start3A_68 = tpu.memref_squeeze %dma_start3A_67 : memref<1x1x40x64xf32, #tpu.memory_space<hbm>> -> memref<40x64xf32, #tpu.memory_space<hbm>>
    tpu.enqueue_dma source(%dma_start3A_68 : memref<40x64xf32, #tpu.memory_space<hbm>>) target(%arg10 : memref<40x64xf32, #tpu.memory_space<vmem>>) target_semaphore(%arg22 : memref<!tpu.dma_semaphore, #tpu.memory_space<semaphore_mem>>)
    %add3A_69 = arith.constant 0 : i32
    %add3A_70 = arith.addi %mul3A_2, %add3A_69 : i32
    %dma_start3A_71 = arith.constant 0 : i32
    %dma_start3A_72 = arith.constant 40 : i32
    %dma_start3A_73 = arith.constant 0 : i32
    %dma_start3A_74 = tpu.memref_slice %arg2[%dma_start3A_71, %add3A_70, %dma_start3A_72, %dma_start3A_73] : memref<2x1024x520x64xf32, #tpu.memory_space<hbm>> -> memref<1x1x40x64xf32, #tpu.memory_space<hbm>>
    %dma_start3A_75 = tpu.memref_squeeze %dma_start3A_74 : memref<1x1x40x64xf32, #tpu.memory_space<hbm>> -> memref<40x64xf32, #tpu.memory_space<hbm>>
    %dma_start3A_76 = arith.constant 40 : i32
    %dma_start3A_77 = arith.constant 0 : i32
    %dma_start3A_78 = tpu.memref_slice %arg2[%dma_start3A_71, %add3A_70, %dma_start3A_76, %dma_start3A_77] : memref<2x1024x520x64xf32, #tpu.memory_space<hbm>> -> memref<1x1x40x64xf32, #tpu.memory_space<hbm>>
    %dma_start3A_79 = tpu.memref_squeeze %dma_start3A_78 : memref<1x1x40x64xf32, #tpu.memory_space<hbm>> -> memref<40x64xf32, #tpu.memory_space<hbm>>
    tpu.enqueue_dma source(%dma_start3A_79 : memref<40x64xf32, #tpu.memory_space<hbm>>) target(%arg7 : memref<40x64xf32, #tpu.memory_space<vmem>>) target_semaphore(%arg19 : memref<!tpu.dma_semaphore, #tpu.memory_space<semaphore_mem>>)
    %dma_start3A_80 = arith.constant 1 : i32
    %dma_start3A_81 = arith.constant 40 : i32
    %dma_start3A_82 = arith.constant 0 : i32
    %dma_start3A_83 = tpu.memref_slice %arg2[%dma_start3A_80, %add3A_70, %dma_start3A_81, %dma_start3A_82] : memref<2x1024x520x64xf32, #tpu.memory_space<hbm>> -> memref<1x1x40x64xf32, #tpu.memory_space<hbm>>
    %dma_start3A_84 = tpu.memref_squeeze %dma_start3A_83 : memref<1x1x40x64xf32, #tpu.memory_space<hbm>> -> memref<40x64xf32, #tpu.memory_space<hbm>>
    %dma_start3A_85 = arith.constant 40 : i32
    %dma_start3A_86 = arith.constant 0 : i32
    %dma_start3A_87 = tpu.memref_slice %arg2[%dma_start3A_80, %add3A_70, %dma_start3A_85, %dma_start3A_86] : memref<2x1024x520x64xf32, #tpu.memory_space<hbm>> -> memref<1x1x40x64xf32, #tpu.memory_space<hbm>>
    %dma_start3A_88 = tpu.memref_squeeze %dma_start3A_87 : memref<1x1x40x64xf32, #tpu.memory_space<hbm>> -> memref<40x64xf32, #tpu.memory_space<hbm>>
    tpu.enqueue_dma source(%dma_start3A_88 : memref<40x64xf32, #tpu.memory_space<hbm>>) target(%arg11 : memref<40x64xf32, #tpu.memory_space<vmem>>) target_semaphore(%arg23 : memref<!tpu.dma_semaphore, #tpu.memory_space<semaphore_mem>>)
    %add3A_89 = arith.constant 0 : i32
    %add3A_90 = arith.addi %mul3A_2, %add3A_89 : i32
    %dma_start3A_91 = arith.constant 0 : i32
    %dma_start3A_92 = arith.constant 80 : i32
    %dma_start3A_93 = arith.constant 0 : i32
    %dma_start3A_94 = tpu.memref_slice %arg2[%dma_start3A_91, %add3A_90, %dma_start3A_92, %dma_start3A_93] : memref<2x1024x520x64xf32, #tpu.memory_space<hbm>> -> memref<1x1x40x64xf32, #tpu.memory_space<hbm>>
    %dma_start3A_95 = tpu.memref_squeeze %dma_start3A_94 : memref<1x1x40x64xf32, #tpu.memory_space<hbm>> -> memref<40x64xf32, #tpu.memory_space<hbm>>
    %dma_start3A_96 = arith.constant 80 : i32
    %dma_start3A_97 = arith.constant 0 : i32
    %dma_start3A_98 = tpu.memref_slice %arg2[%dma_start3A_91, %add3A_90, %dma_start3A_96, %dma_start3A_97] : memref<2x1024x520x64xf32, #tpu.memory_space<hbm>> -> memref<1x1x40x64xf32, #tpu.memory_space<hbm>>
    %dma_start3A_99 = tpu.memref_squeeze %dma_start3A_98 : memref<1x1x40x64xf32, #tpu.memory_space<hbm>> -> memref<40x64xf32, #tpu.memory_space<hbm>>
    tpu.enqueue_dma source(%dma_start3A_99 : memref<40x64xf32, #tpu.memory_space<hbm>>) target(%arg8 : memref<40x64xf32, #tpu.memory_space<vmem>>) target_semaphore(%arg20 : memref<!tpu.dma_semaphore, #tpu.memory_space<semaphore_mem>>)
    %dma_start3A_100 = arith.constant 1 : i32
    %dma_start3A_101 = arith.constant 80 : i32
    %dma_start3A_102 = arith.constant 0 : i32
    %dma_start3A_103 = tpu.memref_slice %arg2[%dma_start3A_100, %add3A_90, %dma_start3A_101, %dma_start3A_102] : memref<2x1024x520x64xf32, #tpu.memory_space<hbm>> -> memref<1x1x40x64xf32, #tpu.memory_space<hbm>>
    %dma_start3A_104 = tpu.memref_squeeze %dma_start3A_103 : memref<1x1x40x64xf32, #tpu.memory_space<hbm>> -> memref<40x64xf32, #tpu.memory_space<hbm>>
    %dma_start3A_105 = arith.constant 80 : i32
    %dma_start3A_106 = arith.constant 0 : i32
    %dma_start3A_107 = tpu.memref_slice %arg2[%dma_start3A_100, %add3A_90, %dma_start3A_105, %dma_start3A_106] : memref<2x1024x520x64xf32, #tpu.memory_space<hbm>> -> memref<1x1x40x64xf32, #tpu.memory_space<hbm>>
    %dma_start3A_108 = tpu.memref_squeeze %dma_start3A_107 : memref<1x1x40x64xf32, #tpu.memory_space<hbm>> -> memref<40x64xf32, #tpu.memory_space<hbm>>
    tpu.enqueue_dma source(%dma_start3A_108 : memref<40x64xf32, #tpu.memory_space<hbm>>) target(%arg12 : memref<40x64xf32, #tpu.memory_space<vmem>>) target_semaphore(%arg24 : memref<!tpu.dma_semaphore, #tpu.memory_space<semaphore_mem>>)
    %add3A_109 = arith.constant 0 : i32
    %add3A_110 = arith.addi %mul3A_2, %add3A_109 : i32
    %dma_start3A_111 = arith.constant 0 : i32
    %dma_start3A_112 = arith.constant 120 : i32
    %dma_start3A_113 = arith.constant 0 : i32
    %dma_start3A_114 = tpu.memref_slice %arg2[%dma_start3A_111, %add3A_110, %dma_start3A_112, %dma_start3A_113] : memref<2x1024x520x64xf32, #tpu.memory_space<hbm>> -> memref<1x1x40x64xf32, #tpu.memory_space<hbm>>
    %dma_start3A_115 = tpu.memref_squeeze %dma_start3A_114 : memref<1x1x40x64xf32, #tpu.memory_space<hbm>> -> memref<40x64xf32, #tpu.memory_space<hbm>>
    %dma_start3A_116 = arith.constant 120 : i32
    %dma_start3A_117 = arith.constant 0 : i32
    %dma_start3A_118 = tpu.memref_slice %arg2[%dma_start3A_111, %add3A_110, %dma_start3A_116, %dma_start3A_117] : memref<2x1024x520x64xf32, #tpu.memory_space<hbm>> -> memref<1x1x40x64xf32, #tpu.memory_space<hbm>>
    %dma_start3A_119 = tpu.memref_squeeze %dma_start3A_118 : memref<1x1x40x64xf32, #tpu.memory_space<hbm>> -> memref<40x64xf32, #tpu.memory_space<hbm>>
    tpu.enqueue_dma source(%dma_start3A_119 : memref<40x64xf32, #tpu.memory_space<hbm>>) target(%arg9 : memref<40x64xf32, #tpu.memory_space<vmem>>) target_semaphore(%arg21 : memref<!tpu.dma_semaphore, #tpu.memory_space<semaphore_mem>>)
    %dma_start3A_120 = arith.constant 1 : i32
    %dma_start3A_121 = arith.constant 120 : i32
    %dma_start3A_122 = arith.constant 0 : i32
    %dma_start3A_123 = tpu.memref_slice %arg2[%dma_start3A_120, %add3A_110, %dma_start3A_121, %dma_start3A_122] : memref<2x1024x520x64xf32, #tpu.memory_space<hbm>> -> memref<1x1x40x64xf32, #tpu.memory_space<hbm>>
    %dma_start3A_124 = tpu.memref_squeeze %dma_start3A_123 : memref<1x1x40x64xf32, #tpu.memory_space<hbm>> -> memref<40x64xf32, #tpu.memory_space<hbm>>
    %dma_start3A_125 = arith.constant 120 : i32
    %dma_start3A_126 = arith.constant 0 : i32
    %dma_start3A_127 = tpu.memref_slice %arg2[%dma_start3A_120, %add3A_110, %dma_start3A_125, %dma_start3A_126] : memref<2x1024x520x64xf32, #tpu.memory_space<hbm>> -> memref<1x1x40x64xf32, #tpu.memory_space<hbm>>
    %dma_start3A_128 = tpu.memref_squeeze %dma_start3A_127 : memref<1x1x40x64xf32, #tpu.memory_space<hbm>> -> memref<40x64xf32, #tpu.memory_space<hbm>>
    tpu.enqueue_dma source(%dma_start3A_128 : memref<40x64xf32, #tpu.memory_space<hbm>>) target(%arg13 : memref<40x64xf32, #tpu.memory_space<vmem>>) target_semaphore(%arg25 : memref<!tpu.dma_semaphore, #tpu.memory_space<semaphore_mem>>)
    %scan3A_129 = arith.constant 0 : i32
    %scan3A_130 = arith.constant 0 : i32
    %scan3A_131 = arith.constant 104 : i32
    %scan3A_132 = arith.addi %scan3A_130, %scan3A_131 : i32
    %scan3A_133 = arith.constant 1 : i32
    scf.for %scan3A_174 = %scan3A_130 to %scan3A_132 step %scan3A_133  : i32 {
      %mul3A_175 = arith.constant 4 : i32
      %mul3A_176 = arith.muli %scan3A_174, %mul3A_175 : i32
      %add3A_177 = arith.constant 0 : i32
      %add3A_178 = arith.addi %mul3A_176, %add3A_177 : i32
      %jit3A = arith.constant 13 : i32
      %div3A = arith.divsi %add3A_178, %jit3A : i32
      %sign3A = arith.constant 0 : i32
      %sign3A_179 = arith.cmpi sgt, %add3A_178, %sign3A : i32
      %sign3A_180 = arith.extui %sign3A_179 : i1 to i32
      %sign3A_181 = arith.constant 0 : i32
      %sign3A_182 = arith.cmpi slt, %add3A_178, %sign3A_181 : i32
      %sign3A_183 = arith.extui %sign3A_182 : i1 to i32
      %sign3A_184 = arith.subi %sign3A_180, %sign3A_183 : i32
      %sign3A_185 = arith.constant 0 : i32
      %sign3A_186 = arith.cmpi sgt, %jit3A, %sign3A_185 : i32
      %sign3A_187 = arith.extui %sign3A_186 : i1 to i32
      %sign3A_188 = arith.constant 0 : i32
      %sign3A_189 = arith.cmpi slt, %jit3A, %sign3A_188 : i32
      %sign3A_190 = arith.extui %sign3A_189 : i1 to i32
      %sign3A_191 = arith.subi %sign3A_187, %sign3A_190 : i32
      %ne3A = arith.cmpi ne, %sign3A_184, %sign3A_191 : i32
      %rem3A = arith.remsi %add3A_178, %jit3A : i32
      %ne3A_192 = arith.constant 0 : i32
      %ne3A_193 = arith.cmpi ne, %rem3A, %ne3A_192 : i32
      %and3A = arith.andi %ne3A, %ne3A_193 : i1
      %sub3A = arith.constant 1 : i32
      %sub3A_194 = arith.subi %div3A, %sub3A : i32
      %select_n3A = arith.select %and3A, %sub3A_194, %div3A : i32
      %mul3A_195 = arith.constant 13 : i32
      %mul3A_196 = arith.muli %select_n3A, %mul3A_195 : i32
      %sub3A_197 = arith.subi %add3A_178, %mul3A_196 : i32
      %mul3A_198 = arith.constant 40 : i32
      %mul3A_199 = arith.muli %sub3A_197, %mul3A_198 : i32
      %add3A_200 = arith.addi %mul3A_2, %select_n3A : i32
      %ge3A = arith.constant 1 : i32
      %ge3A_201 = arith.cmpi sge, %scan3A_174, %ge3A : i32
      %convert_element_type3A = arith.extui %ge3A_201 : i1 to i32
      %cond3A = arith.constant 0 : i32
      %cond3A_202 = arith.cmpi ne, %convert_element_type3A, %cond3A : i32
      scf.if %cond3A_202 {
        %sub3A_447 = arith.constant 4 : i32
        %sub3A_448 = arith.subi %add3A_178, %sub3A_447 : i32
        %jit3A_449 = arith.constant 13 : i32
        %div3A_450 = arith.divsi %sub3A_448, %jit3A_449 : i32
        %sign3A_451 = arith.constant 0 : i32
        %sign3A_452 = arith.cmpi sgt, %sub3A_448, %sign3A_451 : i32
        %sign3A_453 = arith.extui %sign3A_452 : i1 to i32
        %sign3A_454 = arith.constant 0 : i32
        %sign3A_455 = arith.cmpi slt, %sub3A_448, %sign3A_454 : i32
        %sign3A_456 = arith.extui %sign3A_455 : i1 to i32
        %sign3A_457 = arith.subi %sign3A_453, %sign3A_456 : i32
        %sign3A_458 = arith.constant 0 : i32
        %sign3A_459 = arith.cmpi sgt, %jit3A_449, %sign3A_458 : i32
        %sign3A_460 = arith.extui %sign3A_459 : i1 to i32
        %sign3A_461 = arith.constant 0 : i32
        %sign3A_462 = arith.cmpi slt, %jit3A_449, %sign3A_461 : i32
        %sign3A_463 = arith.extui %sign3A_462 : i1 to i32
        %sign3A_464 = arith.subi %sign3A_460, %sign3A_463 : i32
        %ne3A_465 = arith.cmpi ne, %sign3A_457, %sign3A_464 : i32
        %rem3A_466 = arith.remsi %sub3A_448, %jit3A_449 : i32
        %ne3A_467 = arith.constant 0 : i32
        %ne3A_468 = arith.cmpi ne, %rem3A_466, %ne3A_467 : i32
        %and3A_469 = arith.andi %ne3A_465, %ne3A_468 : i1
        %sub3A_470 = arith.constant 1 : i32
        %sub3A_471 = arith.subi %div3A_450, %sub3A_470 : i32
        %select_n3A_472 = arith.select %and3A_469, %sub3A_471, %div3A_450 : i32
        %mul3A_473 = arith.constant 13 : i32
        %mul3A_474 = arith.muli %select_n3A_472, %mul3A_473 : i32
        %sub3A_475 = arith.subi %sub3A_448, %mul3A_474 : i32
        %mul3A_476 = arith.constant 40 : i32
        %mul3A_477 = arith.muli %sub3A_475, %mul3A_476 : i32
        %add3A_478 = arith.addi %mul3A_2, %select_n3A_472 : i32
        %mul3A_479 = arith.constant 520 : i32
        %mul3A_480 = arith.muli %add3A_478, %mul3A_479 : i32
        %add3A_481 = arith.addi %mul3A_480, %mul3A_477 : i32
        %mul3A_482 = arith.constant 128 : i32
        %mul3A_483 = arith.muli %add3A_481, %mul3A_482 : i32
        %dma_wait3A_484 = tpu.memref_slice %arg4[%mul3A_483] : memref<68157440xf32, #tpu.memory_space<hbm>> -> memref<5120xf32, #tpu.memory_space<hbm>>
        %dma_wait3A_485 = tpu.memref_slice %arg4[%mul3A_483] : memref<68157440xf32, #tpu.memory_space<hbm>> -> memref<5120xf32, #tpu.memory_space<hbm>>
        tpu.wait_dma2 semaphore(%arg26 : memref<!tpu.dma_semaphore, #tpu.memory_space<semaphore_mem>>) src(%arg14 : memref<5120xf32, #tpu.memory_space<vmem>>) dst(%dma_wait3A_485 : memref<5120xf32, #tpu.memory_space<hbm>>)
      } else {
      }
      %dma_wait3A_203 = arith.constant 0 : i32
      %dma_wait3A_204 = arith.constant 0 : i32
      %dma_wait3A_205 = tpu.memref_slice %arg2[%dma_wait3A_203, %add3A_200, %mul3A_199, %dma_wait3A_204] : memref<2x1024x520x64xf32, #tpu.memory_space<hbm>> -> memref<1x1x40x64xf32, #tpu.memory_space<hbm>>
      %dma_wait3A_206 = tpu.memref_squeeze %dma_wait3A_205 : memref<1x1x40x64xf32, #tpu.memory_space<hbm>> -> memref<40x64xf32, #tpu.memory_space<hbm>>
      %dma_wait3A_207 = arith.constant 0 : i32
      %dma_wait3A_208 = tpu.memref_slice %arg2[%dma_wait3A_203, %add3A_200, %mul3A_199, %dma_wait3A_207] : memref<2x1024x520x64xf32, #tpu.memory_space<hbm>> -> memref<1x1x40x64xf32, #tpu.memory_space<hbm>>
      %dma_wait3A_209 = tpu.memref_squeeze %dma_wait3A_208 : memref<1x1x40x64xf32, #tpu.memory_space<hbm>> -> memref<40x64xf32, #tpu.memory_space<hbm>>
      tpu.wait_dma2 semaphore(%arg18 : memref<!tpu.dma_semaphore, #tpu.memory_space<semaphore_mem>>) src(%dma_wait3A_209 : memref<40x64xf32, #tpu.memory_space<hbm>>) dst(%arg6 : memref<40x64xf32, #tpu.memory_space<vmem>>)
      %dma_wait3A_210 = arith.constant 1 : i32
      %dma_wait3A_211 = arith.constant 0 : i32
      %dma_wait3A_212 = tpu.memref_slice %arg2[%dma_wait3A_210, %add3A_200, %mul3A_199, %dma_wait3A_211] : memref<2x1024x520x64xf32, #tpu.memory_space<hbm>> -> memref<1x1x40x64xf32, #tpu.memory_space<hbm>>
      %dma_wait3A_213 = tpu.memref_squeeze %dma_wait3A_212 : memref<1x1x40x64xf32, #tpu.memory_space<hbm>> -> memref<40x64xf32, #tpu.memory_space<hbm>>
      %dma_wait3A_214 = arith.constant 0 : i32
      %dma_wait3A_215 = tpu.memref_slice %arg2[%dma_wait3A_210, %add3A_200, %mul3A_199, %dma_wait3A_214] : memref<2x1024x520x64xf32, #tpu.memory_space<hbm>> -> memref<1x1x40x64xf32, #tpu.memory_space<hbm>>
      %dma_wait3A_216 = tpu.memref_squeeze %dma_wait3A_215 : memref<1x1x40x64xf32, #tpu.memory_space<hbm>> -> memref<40x64xf32, #tpu.memory_space<hbm>>
      tpu.wait_dma2 semaphore(%arg22 : memref<!tpu.dma_semaphore, #tpu.memory_space<semaphore_mem>>) src(%dma_wait3A_216 : memref<40x64xf32, #tpu.memory_space<hbm>>) dst(%arg10 : memref<40x64xf32, #tpu.memory_space<vmem>>)
      %scan3A_217 = arith.constant 0 : i32
      %scan3A_218 = arith.constant 0 : i32
      %scan3A_219 = arith.constant 20 : i32
      %scan3A_220 = arith.addi %scan3A_218, %scan3A_219 : i32
      %scan3A_221 = arith.constant 1 : i32
      scf.for %scan3A_447 = %scan3A_218 to %scan3A_220 step %scan3A_221  : i32 {
        %mul3A_448 = arith.constant 2 : i32
        %mul3A_449 = arith.muli %scan3A_447, %mul3A_448 : i32
        %add3A_450 = arith.constant 0 : i32
        %add3A_451 = arith.addi %mul3A_449, %add3A_450 : i32
        %get3A = arith.index_cast %add3A_451 : i32 to index
        %get3A_452 = arith.constant 0 : index
        %get3A_453 = tpu.vector_load %arg6[%get3A, %get3A_452] {strides = array<i32>} : memref<40x64xf32, #tpu.memory_space<vmem>>, vector<1x16xf32>,
        %get3A_454 = vector.shape_cast %get3A_453 : vector<1x16xf32> to vector<16xf32>
        %add3A_455 = arith.constant 0 : i32
        %add3A_456 = arith.addi %mul3A_449, %add3A_455 : i32
        %get3A_457 = arith.index_cast %add3A_456 : i32 to index
        %get3A_458 = arith.constant 16 : index
        %get3A_459 = tpu.vector_load %arg6[%get3A_457, %get3A_458] {strides = array<i32>} : memref<40x64xf32, #tpu.memory_space<vmem>>, vector<1x16xf32>,
        %get3A_460 = vector.shape_cast %get3A_459 : vector<1x16xf32> to vector<16xf32>
        %add3A_461 = arith.constant 0 : i32
        %add3A_462 = arith.addi %mul3A_449, %add3A_461 : i32
        %get3A_463 = arith.index_cast %add3A_462 : i32 to index
        %get3A_464 = arith.constant 32 : index
        %get3A_465 = tpu.vector_load %arg6[%get3A_463, %get3A_464] {strides = array<i32>} : memref<40x64xf32, #tpu.memory_space<vmem>>, vector<1x16xf32>,
        %get3A_466 = vector.shape_cast %get3A_465 : vector<1x16xf32> to vector<16xf32>
        %add3A_467 = arith.constant 0 : i32
        %add3A_468 = arith.addi %mul3A_449, %add3A_467 : i32
        %get3A_469 = arith.index_cast %add3A_468 : i32 to index
        %get3A_470 = arith.constant 48 : index
        %get3A_471 = tpu.vector_load %arg6[%get3A_469, %get3A_470] {strides = array<i32>} : memref<40x64xf32, #tpu.memory_space<vmem>>, vector<1x16xf32>,
        %get3A_472 = vector.shape_cast %get3A_471 : vector<1x16xf32> to vector<16xf32>
        %add3A_473 = arith.constant 1 : i32
        %add3A_474 = arith.addi %mul3A_449, %add3A_473 : i32
        %get3A_475 = arith.index_cast %add3A_474 : i32 to index
        %get3A_476 = arith.constant 0 : index
        %get3A_477 = tpu.vector_load %arg6[%get3A_475, %get3A_476] {strides = array<i32>} : memref<40x64xf32, #tpu.memory_space<vmem>>, vector<1x16xf32>,
        %get3A_478 = vector.shape_cast %get3A_477 : vector<1x16xf32> to vector<16xf32>
        %add3A_479 = arith.constant 1 : i32
        %add3A_480 = arith.addi %mul3A_449, %add3A_479 : i32
        %get3A_481 = arith.index_cast %add3A_480 : i32 to index
        %get3A_482 = arith.constant 16 : index
        %get3A_483 = tpu.vector_load %arg6[%get3A_481, %get3A_482] {strides = array<i32>} : memref<40x64xf32, #tpu.memory_space<vmem>>, vector<1x16xf32>,
        %get3A_484 = vector.shape_cast %get3A_483 : vector<1x16xf32> to vector<16xf32>
        %add3A_485 = arith.constant 1 : i32
        %add3A_486 = arith.addi %mul3A_449, %add3A_485 : i32
        %get3A_487 = arith.index_cast %add3A_486 : i32 to index
        %get3A_488 = arith.constant 32 : index
        %get3A_489 = tpu.vector_load %arg6[%get3A_487, %get3A_488] {strides = array<i32>} : memref<40x64xf32, #tpu.memory_space<vmem>>, vector<1x16xf32>,
        %get3A_490 = vector.shape_cast %get3A_489 : vector<1x16xf32> to vector<16xf32>
        %add3A_491 = arith.constant 1 : i32
        %add3A_492 = arith.addi %mul3A_449, %add3A_491 : i32
        %get3A_493 = arith.index_cast %add3A_492 : i32 to index
        %get3A_494 = arith.constant 48 : index
        %get3A_495 = tpu.vector_load %arg6[%get3A_493, %get3A_494] {strides = array<i32>} : memref<40x64xf32, #tpu.memory_space<vmem>>, vector<1x16xf32>,
        %get3A_496 = vector.shape_cast %get3A_495 : vector<1x16xf32> to vector<16xf32>
        %add3A_497 = arith.constant 0 : i32
        %add3A_498 = arith.addi %mul3A_449, %add3A_497 : i32
        %get3A_499 = arith.index_cast %add3A_498 : i32 to index
        %get3A_500 = arith.constant 0 : index
        %get3A_501 = tpu.vector_load %arg10[%get3A_499, %get3A_500] {strides = array<i32>} : memref<40x64xf32, #tpu.memory_space<vmem>>, vector<1x16xf32>,
        %get3A_502 = vector.shape_cast %get3A_501 : vector<1x16xf32> to vector<16xf32>
        %add3A_503 = arith.constant 0 : i32
        %add3A_504 = arith.addi %mul3A_449, %add3A_503 : i32
        %get3A_505 = arith.index_cast %add3A_504 : i32 to index
        %get3A_506 = arith.constant 16 : index
        %get3A_507 = tpu.vector_load %arg10[%get3A_505, %get3A_506] {strides = array<i32>} : memref<40x64xf32, #tpu.memory_space<vmem>>, vector<1x16xf32>,
        %get3A_508 = vector.shape_cast %get3A_507 : vector<1x16xf32> to vector<16xf32>
        %add3A_509 = arith.constant 0 : i32
        %add3A_510 = arith.addi %mul3A_449, %add3A_509 : i32
        %get3A_511 = arith.index_cast %add3A_510 : i32 to index
        %get3A_512 = arith.constant 32 : index
        %get3A_513 = tpu.vector_load %arg10[%get3A_511, %get3A_512] {strides = array<i32>} : memref<40x64xf32, #tpu.memory_space<vmem>>, vector<1x16xf32>,
        %get3A_514 = vector.shape_cast %get3A_513 : vector<1x16xf32> to vector<16xf32>
        %add3A_515 = arith.constant 0 : i32
        %add3A_516 = arith.addi %mul3A_449, %add3A_515 : i32
        %get3A_517 = arith.index_cast %add3A_516 : i32 to index
        %get3A_518 = arith.constant 48 : index
        %get3A_519 = tpu.vector_load %arg10[%get3A_517, %get3A_518] {strides = array<i32>} : memref<40x64xf32, #tpu.memory_space<vmem>>, vector<1x16xf32>,
        %get3A_520 = vector.shape_cast %get3A_519 : vector<1x16xf32> to vector<16xf32>
        %add3A_521 = arith.constant 1 : i32
        %add3A_522 = arith.addi %mul3A_449, %add3A_521 : i32
        %get3A_523 = arith.index_cast %add3A_522 : i32 to index
        %get3A_524 = arith.constant 0 : index
        %get3A_525 = tpu.vector_load %arg10[%get3A_523, %get3A_524] {strides = array<i32>} : memref<40x64xf32, #tpu.memory_space<vmem>>, vector<1x16xf32>,
        %get3A_526 = vector.shape_cast %get3A_525 : vector<1x16xf32> to vector<16xf32>
        %add3A_527 = arith.constant 1 : i32
        %add3A_528 = arith.addi %mul3A_449, %add3A_527 : i32
        %get3A_529 = arith.index_cast %add3A_528 : i32 to index
        %get3A_530 = arith.constant 16 : index
        %get3A_531 = tpu.vector_load %arg10[%get3A_529, %get3A_530] {strides = array<i32>} : memref<40x64xf32, #tpu.memory_space<vmem>>, vector<1x16xf32>,
        %get3A_532 = vector.shape_cast %get3A_531 : vector<1x16xf32> to vector<16xf32>
        %add3A_533 = arith.constant 1 : i32
        %add3A_534 = arith.addi %mul3A_449, %add3A_533 : i32
        %get3A_535 = arith.index_cast %add3A_534 : i32 to index
        %get3A_536 = arith.constant 32 : index
        %get3A_537 = tpu.vector_load %arg10[%get3A_535, %get3A_536] {strides = array<i32>} : memref<40x64xf32, #tpu.memory_space<vmem>>, vector<1x16xf32>,
        %get3A_538 = vector.shape_cast %get3A_537 : vector<1x16xf32> to vector<16xf32>
        %add3A_539 = arith.constant 1 : i32
        %add3A_540 = arith.addi %mul3A_449, %add3A_539 : i32
        %get3A_541 = arith.index_cast %add3A_540 : i32 to index
        %get3A_542 = arith.constant 48 : index
        %get3A_543 = tpu.vector_load %arg10[%get3A_541, %get3A_542] {strides = array<i32>} : memref<40x64xf32, #tpu.memory_space<vmem>>, vector<1x16xf32>,
        %get3A_544 = vector.shape_cast %get3A_543 : vector<1x16xf32> to vector<16xf32>
        %add3A_545 = arith.addf %get3A_454, %get3A_502 : vector<16xf32>
        %add3A_546 = arith.addf %get3A_460, %get3A_508 : vector<16xf32>
        %add3A_547 = arith.addf %get3A_466, %get3A_514 : vector<16xf32>
        %add3A_548 = arith.addf %get3A_472, %get3A_520 : vector<16xf32>
        %add3A_549 = arith.addf %get3A_478, %get3A_526 : vector<16xf32>
        %add3A_550 = arith.addf %get3A_484, %get3A_532 : vector<16xf32>
        %add3A_551 = arith.addf %get3A_490, %get3A_538 : vector<16xf32>
        %add3A_552 = arith.addf %get3A_496, %get3A_544 : vector<16xf32>
        %mul3A_553 = arith.constant 256 : i32
        %mul3A_554 = arith.muli %scan3A_447, %mul3A_553 : i32
        %add3A_555 = arith.constant 0 : i32
        %add3A_556 = arith.addi %mul3A_554, %add3A_555 : i32
        %swap3A = arith.index_cast %add3A_556 : i32 to index
        %swap3A_557 = tpu.vector_load %arg14[%swap3A] {strides = array<i32>} : memref<5120xf32, #tpu.memory_space<vmem>>, vector<16xf32>,
        %swap3A_558 = vector.shape_cast %swap3A_557 : vector<16xf32> to vector<16xf32>
        %swap3A_559 = vector.shape_cast %add3A_545 : vector<16xf32> to vector<16xf32>
        tpu.vector_store %arg14[%swap3A], %swap3A_559 {strides = array<i32>} : memref<5120xf32, #tpu.memory_space<vmem>>, vector<16xf32>,
        %add3A_560 = arith.constant 16 : i32
        %add3A_561 = arith.addi %mul3A_554, %add3A_560 : i32
        %swap3A_562 = arith.index_cast %add3A_561 : i32 to index
        %swap3A_563 = tpu.vector_load %arg14[%swap3A_562] {strides = array<i32>} : memref<5120xf32, #tpu.memory_space<vmem>>, vector<16xf32>,
        %swap3A_564 = vector.shape_cast %swap3A_563 : vector<16xf32> to vector<16xf32>
        %swap3A_565 = vector.shape_cast %add3A_546 : vector<16xf32> to vector<16xf32>
        tpu.vector_store %arg14[%swap3A_562], %swap3A_565 {strides = array<i32>} : memref<5120xf32, #tpu.memory_space<vmem>>, vector<16xf32>,
        %add3A_566 = arith.constant 32 : i32
        %add3A_567 = arith.addi %mul3A_554, %add3A_566 : i32
        %swap3A_568 = arith.index_cast %add3A_567 : i32 to index
        %swap3A_569 = tpu.vector_load %arg14[%swap3A_568] {strides = array<i32>} : memref<5120xf32, #tpu.memory_space<vmem>>, vector<16xf32>,
        %swap3A_570 = vector.shape_cast %swap3A_569 : vector<16xf32> to vector<16xf32>
        %swap3A_571 = vector.shape_cast %add3A_547 : vector<16xf32> to vector<16xf32>
        tpu.vector_store %arg14[%swap3A_568], %swap3A_571 {strides = array<i32>} : memref<5120xf32, #tpu.memory_space<vmem>>, vector<16xf32>,
        %add3A_572 = arith.constant 48 : i32
        %add3A_573 = arith.addi %mul3A_554, %add3A_572 : i32
        %swap3A_574 = arith.index_cast %add3A_573 : i32 to index
        %swap3A_575 = tpu.vector_load %arg14[%swap3A_574] {strides = array<i32>} : memref<5120xf32, #tpu.memory_space<vmem>>, vector<16xf32>,
        %swap3A_576 = vector.shape_cast %swap3A_575 : vector<16xf32> to vector<16xf32>
        %swap3A_577 = vector.shape_cast %add3A_548 : vector<16xf32> to vector<16xf32>
        tpu.vector_store %arg14[%swap3A_574], %swap3A_577 {strides = array<i32>} : memref<5120xf32, #tpu.memory_space<vmem>>, vector<16xf32>,
        %add3A_578 = arith.constant 128 : i32
        %add3A_579 = arith.addi %mul3A_554, %add3A_578 : i32
        %add3A_580 = arith.constant 0 : i32
        %add3A_581 = arith.addi %add3A_579, %add3A_580 : i32
        %swap3A_582 = arith.index_cast %add3A_581 : i32 to index
        %swap3A_583 = tpu.vector_load %arg14[%swap3A_582] {strides = array<i32>} : memref<5120xf32, #tpu.memory_space<vmem>>, vector<16xf32>,
        %swap3A_584 = vector.shape_cast %swap3A_583 : vector<16xf32> to vector<16xf32>
        %swap3A_585 = vector.shape_cast %add3A_549 : vector<16xf32> to vector<16xf32>
        tpu.vector_store %arg14[%swap3A_582], %swap3A_585 {strides = array<i32>} : memref<5120xf32, #tpu.memory_space<vmem>>, vector<16xf32>,
        %add3A_586 = arith.constant 128 : i32
        %add3A_587 = arith.addi %mul3A_554, %add3A_586 : i32
        %add3A_588 = arith.constant 16 : i32
        %add3A_589 = arith.addi %add3A_587, %add3A_588 : i32
        %swap3A_590 = arith.index_cast %add3A_589 : i32 to index
        %swap3A_591 = tpu.vector_load %arg14[%swap3A_590] {strides = array<i32>} : memref<5120xf32, #tpu.memory_space<vmem>>, vector<16xf32>,
        %swap3A_592 = vector.shape_cast %swap3A_591 : vector<16xf32> to vector<16xf32>
        %swap3A_593 = vector.shape_cast %add3A_550 : vector<16xf32> to vector<16xf32>
        tpu.vector_store %arg14[%swap3A_590], %swap3A_593 {strides = array<i32>} : memref<5120xf32, #tpu.memory_space<vmem>>, vector<16xf32>,
        %add3A_594 = arith.constant 128 : i32
        %add3A_595 = arith.addi %mul3A_554, %add3A_594 : i32
        %add3A_596 = arith.constant 32 : i32
        %add3A_597 = arith.addi %add3A_595, %add3A_596 : i32
        %swap3A_598 = arith.index_cast %add3A_597 : i32 to index
        %swap3A_599 = tpu.vector_load %arg14[%swap3A_598] {strides = array<i32>} : memref<5120xf32, #tpu.memory_space<vmem>>, vector<16xf32>,
        %swap3A_600 = vector.shape_cast %swap3A_599 : vector<16xf32> to vector<16xf32>
        %swap3A_601 = vector.shape_cast %add3A_551 : vector<16xf32> to vector<16xf32>
        tpu.vector_store %arg14[%swap3A_598], %swap3A_601 {strides = array<i32>} : memref<5120xf32, #tpu.memory_space<vmem>>, vector<16xf32>,
        %add3A_602 = arith.constant 128 : i32
        %add3A_603 = arith.addi %mul3A_554, %add3A_602 : i32
        %add3A_604 = arith.constant 48 : i32
        %add3A_605 = arith.addi %add3A_603, %add3A_604 : i32
        %swap3A_606 = arith.index_cast %add3A_605 : i32 to index
        %swap3A_607 = tpu.vector_load %arg14[%swap3A_606] {strides = array<i32>} : memref<5120xf32, #tpu.memory_space<vmem>>, vector<16xf32>,
        %swap3A_608 = vector.shape_cast %swap3A_607 : vector<16xf32> to vector<16xf32>
        %swap3A_609 = vector.shape_cast %add3A_552 : vector<16xf32> to vector<16xf32>
        tpu.vector_store %arg14[%swap3A_606], %swap3A_609 {strides = array<i32>} : memref<5120xf32, #tpu.memory_space<vmem>>, vector<16xf32>,
      }
      %scan3A_222 = arith.constant 20 : i32
      %mul3A_223 = arith.constant 520 : i32
      %mul3A_224 = arith.muli %add3A_200, %mul3A_223 : i32
      %add3A_225 = arith.addi %mul3A_224, %mul3A_199 : i32
      %mul3A_226 = arith.constant 128 : i32
      %mul3A_227 = arith.muli %add3A_225, %mul3A_226 : i32
      %dma_start3A_228 = tpu.memref_slice %arg4[%mul3A_227] : memref<68157440xf32, #tpu.memory_space<hbm>> -> memref<5120xf32, #tpu.memory_space<hbm>>
      %dma_start3A_229 = tpu.memref_slice %arg4[%mul3A_227] : memref<68157440xf32, #tpu.memory_space<hbm>> -> memref<5120xf32, #tpu.memory_space<hbm>>
      tpu.enqueue_dma source(%arg14 : memref<5120xf32, #tpu.memory_space<vmem>>) target(%dma_start3A_229 : memref<5120xf32, #tpu.memory_space<hbm>>) target_semaphore(%arg26 : memref<!tpu.dma_semaphore, #tpu.memory_space<semaphore_mem>>)
      %lt3A = arith.constant 103 : i32
      %lt3A_230 = arith.cmpi slt, %scan3A_174, %lt3A : i32
      %convert_element_type3A_231 = arith.extui %lt3A_230 : i1 to i32
      %cond3A_232 = arith.constant 0 : i32
      %cond3A_233 = arith.cmpi ne, %convert_element_type3A_231, %cond3A_232 : i32
      scf.if %cond3A_233 {
        %add3A_447 = arith.constant 4 : i32
        %add3A_448 = arith.addi %add3A_178, %add3A_447 : i32
        %jit3A_449 = arith.constant 13 : i32
        %div3A_450 = arith.divsi %add3A_448, %jit3A_449 : i32
        %sign3A_451 = arith.constant 0 : i32
        %sign3A_452 = arith.cmpi sgt, %add3A_448, %sign3A_451 : i32
        %sign3A_453 = arith.extui %sign3A_452 : i1 to i32
        %sign3A_454 = arith.constant 0 : i32
        %sign3A_455 = arith.cmpi slt, %add3A_448, %sign3A_454 : i32
        %sign3A_456 = arith.extui %sign3A_455 : i1 to i32
        %sign3A_457 = arith.subi %sign3A_453, %sign3A_456 : i32
        %sign3A_458 = arith.constant 0 : i32
        %sign3A_459 = arith.cmpi sgt, %jit3A_449, %sign3A_458 : i32
        %sign3A_460 = arith.extui %sign3A_459 : i1 to i32
        %sign3A_461 = arith.constant 0 : i32
        %sign3A_462 = arith.cmpi slt, %jit3A_449, %sign3A_461 : i32
        %sign3A_463 = arith.extui %sign3A_462 : i1 to i32
        %sign3A_464 = arith.subi %sign3A_460, %sign3A_463 : i32
        %ne3A_465 = arith.cmpi ne, %sign3A_457, %sign3A_464 : i32
        %rem3A_466 = arith.remsi %add3A_448, %jit3A_449 : i32
        %ne3A_467 = arith.constant 0 : i32
        %ne3A_468 = arith.cmpi ne, %rem3A_466, %ne3A_467 : i32
        %and3A_469 = arith.andi %ne3A_465, %ne3A_468 : i1
        %sub3A_470 = arith.constant 1 : i32
        %sub3A_471 = arith.subi %div3A_450, %sub3A_470 : i32
        %select_n3A_472 = arith.select %and3A_469, %sub3A_471, %div3A_450 : i32
        %mul3A_473 = arith.constant 13 : i32
        %mul3A_474 = arith.muli %select_n3A_472, %mul3A_473 : i32
        %sub3A_475 = arith.subi %add3A_448, %mul3A_474 : i32
        %mul3A_476 = arith.constant 40 : i32
        %mul3A_477 = arith.muli %sub3A_475, %mul3A_476 : i32
        %add3A_478 = arith.addi %mul3A_2, %select_n3A_472 : i32
        %dma_start3A_479 = arith.constant 0 : i32
        %dma_start3A_480 = arith.constant 0 : i32
        %dma_start3A_481 = tpu.memref_slice %arg2[%dma_start3A_479, %add3A_478, %mul3A_477, %dma_start3A_480] : memref<2x1024x520x64xf32, #tpu.memory_space<hbm>> -> memref<1x1x40x64xf32, #tpu.memory_space<hbm>>
        %dma_start3A_482 = tpu.memref_squeeze %dma_start3A_481 : memref<1x1x40x64xf32, #tpu.memory_space<hbm>> -> memref<40x64xf32, #tpu.memory_space<hbm>>
        %dma_start3A_483 = arith.constant 0 : i32
        %dma_start3A_484 = tpu.memref_slice %arg2[%dma_start3A_479, %add3A_478, %mul3A_477, %dma_start3A_483] : memref<2x1024x520x64xf32, #tpu.memory_space<hbm>> -> memref<1x1x40x64xf32, #tpu.memory_space<hbm>>
        %dma_start3A_485 = tpu.memref_squeeze %dma_start3A_484 : memref<1x1x40x64xf32, #tpu.memory_space<hbm>> -> memref<40x64xf32, #tpu.memory_space<hbm>>
        tpu.enqueue_dma source(%dma_start3A_485 : memref<40x64xf32, #tpu.memory_space<hbm>>) target(%arg6 : memref<40x64xf32, #tpu.memory_space<vmem>>) target_semaphore(%arg18 : memref<!tpu.dma_semaphore, #tpu.memory_space<semaphore_mem>>)
        %dma_start3A_486 = arith.constant 1 : i32
        %dma_start3A_487 = arith.constant 0 : i32
        %dma_start3A_488 = tpu.memref_slice %arg2[%dma_start3A_486, %add3A_478, %mul3A_477, %dma_start3A_487] : memref<2x1024x520x64xf32, #tpu.memory_space<hbm>> -> memref<1x1x40x64xf32, #tpu.memory_space<hbm>>
        %dma_start3A_489 = tpu.memref_squeeze %dma_start3A_488 : memref<1x1x40x64xf32, #tpu.memory_space<hbm>> -> memref<40x64xf32, #tpu.memory_space<hbm>>
        %dma_start3A_490 = arith.constant 0 : i32
        %dma_start3A_491 = tpu.memref_slice %arg2[%dma_start3A_486, %add3A_478, %mul3A_477, %dma_start3A_490] : memref<2x1024x520x64xf32, #tpu.memory_space<hbm>> -> memref<1x1x40x64xf32, #tpu.memory_space<hbm>>
        %dma_start3A_492 = tpu.memref_squeeze %dma_start3A_491 : memref<1x1x40x64xf32, #tpu.memory_space<hbm>> -> memref<40x64xf32, #tpu.memory_space<hbm>>
        tpu.enqueue_dma source(%dma_start3A_492 : memref<40x64xf32, #tpu.memory_space<hbm>>) target(%arg10 : memref<40x64xf32, #tpu.memory_space<vmem>>) target_semaphore(%arg22 : memref<!tpu.dma_semaphore, #tpu.memory_space<semaphore_mem>>)
      } else {
      }
      %mul3A_234 = arith.constant 4 : i32
      %mul3A_235 = arith.muli %scan3A_174, %mul3A_234 : i32
      %add3A_236 = arith.constant 1 : i32
      %add3A_237 = arith.addi %mul3A_235, %add3A_236 : i32
      %jit3A_238 = arith.constant 13 : i32
      %div3A_239 = arith.divsi %add3A_237, %jit3A_238 : i32
      %sign3A_240 = arith.constant 0 : i32
      %sign3A_241 = arith.cmpi sgt, %add3A_237, %sign3A_240 : i32
      %sign3A_242 = arith.extui %sign3A_241 : i1 to i32
      %sign3A_243 = arith.constant 0 : i32
      %sign3A_244 = arith.cmpi slt, %add3A_237, %sign3A_243 : i32
      %sign3A_245 = arith.extui %sign3A_244 : i1 to i32
      %sign3A_246 = arith.subi %sign3A_242, %sign3A_245 : i32
      %sign3A_247 = arith.constant 0 : i32
      %sign3A_248 = arith.cmpi sgt, %jit3A_238, %sign3A_247 : i32
      %sign3A_249 = arith.extui %sign3A_248 : i1 to i32
      %sign3A_250 = arith.constant 0 : i32
      %sign3A_251 = arith.cmpi slt, %jit3A_238, %sign3A_250 : i32
      %sign3A_252 = arith.extui %sign3A_251 : i1 to i32
      %sign3A_253 = arith.subi %sign3A_249, %sign3A_252 : i32
      %ne3A_254 = arith.cmpi ne, %sign3A_246, %sign3A_253 : i32
      %rem3A_255 = arith.remsi %add3A_237, %jit3A_238 : i32
      %ne3A_256 = arith.constant 0 : i32
      %ne3A_257 = arith.cmpi ne, %rem3A_255, %ne3A_256 : i32
      %and3A_258 = arith.andi %ne3A_254, %ne3A_257 : i1
      %sub3A_259 = arith.constant 1 : i32
      %sub3A_260 = arith.subi %div3A_239, %sub3A_259 : i32
      %select_n3A_261 = arith.select %and3A_258, %sub3A_260, %div3A_239 : i32
      %mul3A_262 = arith.constant 13 : i32
      %mul3A_263 = arith.muli %select_n3A_261, %mul3A_262 : i32
      %sub3A_264 = arith.subi %add3A_237, %mul3A_263 : i32
      %mul3A_265 = arith.constant 40 : i32
      %mul3A_266 = arith.muli %sub3A_264, %mul3A_265 : i32
      %add3A_267 = arith.addi %mul3A_2, %select_n3A_261 : i32
      %ge3A_268 = arith.constant 1 : i32
      %ge3A_269 = arith.cmpi sge, %scan3A_174, %ge3A_268 : i32
      %convert_element_type3A_270 = arith.extui %ge3A_269 : i1 to i32
      %cond3A_271 = arith.constant 0 : i32
      %cond3A_272 = arith.cmpi ne, %convert_element_type3A_270, %cond3A_271 : i32
      scf.if %cond3A_272 {
        %sub3A_447 = arith.constant 4 : i32
        %sub3A_448 = arith.subi %add3A_237, %sub3A_447 : i32
        %jit3A_449 = arith.constant 13 : i32
        %div3A_450 = arith.divsi %sub3A_448, %jit3A_449 : i32
        %sign3A_451 = arith.constant 0 : i32
        %sign3A_452 = arith.cmpi sgt, %sub3A_448, %sign3A_451 : i32
        %sign3A_453 = arith.extui %sign3A_452 : i1 to i32
        %sign3A_454 = arith.constant 0 : i32
        %sign3A_455 = arith.cmpi slt, %sub3A_448, %sign3A_454 : i32
        %sign3A_456 = arith.extui %sign3A_455 : i1 to i32
        %sign3A_457 = arith.subi %sign3A_453, %sign3A_456 : i32
        %sign3A_458 = arith.constant 0 : i32
        %sign3A_459 = arith.cmpi sgt, %jit3A_449, %sign3A_458 : i32
        %sign3A_460 = arith.extui %sign3A_459 : i1 to i32
        %sign3A_461 = arith.constant 0 : i32
        %sign3A_462 = arith.cmpi slt, %jit3A_449, %sign3A_461 : i32
        %sign3A_463 = arith.extui %sign3A_462 : i1 to i32
        %sign3A_464 = arith.subi %sign3A_460, %sign3A_463 : i32
        %ne3A_465 = arith.cmpi ne, %sign3A_457, %sign3A_464 : i32
        %rem3A_466 = arith.remsi %sub3A_448, %jit3A_449 : i32
        %ne3A_467 = arith.constant 0 : i32
        %ne3A_468 = arith.cmpi ne, %rem3A_466, %ne3A_467 : i32
        %and3A_469 = arith.andi %ne3A_465, %ne3A_468 : i1
        %sub3A_470 = arith.constant 1 : i32
        %sub3A_471 = arith.subi %div3A_450, %sub3A_470 : i32
        %select_n3A_472 = arith.select %and3A_469, %sub3A_471, %div3A_450 : i32
        %mul3A_473 = arith.constant 13 : i32
        %mul3A_474 = arith.muli %select_n3A_472, %mul3A_473 : i32
        %sub3A_475 = arith.subi %sub3A_448, %mul3A_474 : i32
        %mul3A_476 = arith.constant 40 : i32
        %mul3A_477 = arith.muli %sub3A_475, %mul3A_476 : i32
        %add3A_478 = arith.addi %mul3A_2, %select_n3A_472 : i32
        %mul3A_479 = arith.constant 520 : i32
        %mul3A_480 = arith.muli %add3A_478, %mul3A_479 : i32
        %add3A_481 = arith.addi %mul3A_480, %mul3A_477 : i32
        %mul3A_482 = arith.constant 128 : i32
        %mul3A_483 = arith.muli %add3A_481, %mul3A_482 : i32
        %dma_wait3A_484 = tpu.memref_slice %arg4[%mul3A_483] : memref<68157440xf32, #tpu.memory_space<hbm>> -> memref<5120xf32, #tpu.memory_space<hbm>>
        %dma_wait3A_485 = tpu.memref_slice %arg4[%mul3A_483] : memref<68157440xf32, #tpu.memory_space<hbm>> -> memref<5120xf32, #tpu.memory_space<hbm>>
        tpu.wait_dma2 semaphore(%arg27 : memref<!tpu.dma_semaphore, #tpu.memory_space<semaphore_mem>>) src(%arg15 : memref<5120xf32, #tpu.memory_space<vmem>>) dst(%dma_wait3A_485 : memref<5120xf32, #tpu.memory_space<hbm>>)
      } else {
      }
      %dma_wait3A_273 = arith.constant 0 : i32
      %dma_wait3A_274 = arith.constant 0 : i32
      %dma_wait3A_275 = tpu.memref_slice %arg2[%dma_wait3A_273, %add3A_267, %mul3A_266, %dma_wait3A_274] : memref<2x1024x520x64xf32, #tpu.memory_space<hbm>> -> memref<1x1x40x64xf32, #tpu.memory_space<hbm>>
      %dma_wait3A_276 = tpu.memref_squeeze %dma_wait3A_275 : memref<1x1x40x64xf32, #tpu.memory_space<hbm>> -> memref<40x64xf32, #tpu.memory_space<hbm>>
      %dma_wait3A_277 = arith.constant 0 : i32
      %dma_wait3A_278 = tpu.memref_slice %arg2[%dma_wait3A_273, %add3A_267, %mul3A_266, %dma_wait3A_277] : memref<2x1024x520x64xf32, #tpu.memory_space<hbm>> -> memref<1x1x40x64xf32, #tpu.memory_space<hbm>>
      %dma_wait3A_279 = tpu.memref_squeeze %dma_wait3A_278 : memref<1x1x40x64xf32, #tpu.memory_space<hbm>> -> memref<40x64xf32, #tpu.memory_space<hbm>>
      tpu.wait_dma2 semaphore(%arg19 : memref<!tpu.dma_semaphore, #tpu.memory_space<semaphore_mem>>) src(%dma_wait3A_279 : memref<40x64xf32, #tpu.memory_space<hbm>>) dst(%arg7 : memref<40x64xf32, #tpu.memory_space<vmem>>)
      %dma_wait3A_280 = arith.constant 1 : i32
      %dma_wait3A_281 = arith.constant 0 : i32
      %dma_wait3A_282 = tpu.memref_slice %arg2[%dma_wait3A_280, %add3A_267, %mul3A_266, %dma_wait3A_281] : memref<2x1024x520x64xf32, #tpu.memory_space<hbm>> -> memref<1x1x40x64xf32, #tpu.memory_space<hbm>>
      %dma_wait3A_283 = tpu.memref_squeeze %dma_wait3A_282 : memref<1x1x40x64xf32, #tpu.memory_space<hbm>> -> memref<40x64xf32, #tpu.memory_space<hbm>>
      %dma_wait3A_284 = arith.constant 0 : i32
      %dma_wait3A_285 = tpu.memref_slice %arg2[%dma_wait3A_280, %add3A_267, %mul3A_266, %dma_wait3A_284] : memref<2x1024x520x64xf32, #tpu.memory_space<hbm>> -> memref<1x1x40x64xf32, #tpu.memory_space<hbm>>
      %dma_wait3A_286 = tpu.memref_squeeze %dma_wait3A_285 : memref<1x1x40x64xf32, #tpu.memory_space<hbm>> -> memref<40x64xf32, #tpu.memory_space<hbm>>
      tpu.wait_dma2 semaphore(%arg23 : memref<!tpu.dma_semaphore, #tpu.memory_space<semaphore_mem>>) src(%dma_wait3A_286 : memref<40x64xf32, #tpu.memory_space<hbm>>) dst(%arg11 : memref<40x64xf32, #tpu.memory_space<vmem>>)
      %scan3A_287 = arith.constant 0 : i32
      %scan3A_288 = arith.constant 0 : i32
      %scan3A_289 = arith.constant 20 : i32
      %scan3A_290 = arith.addi %scan3A_288, %scan3A_289 : i32
      %scan3A_291 = arith.constant 1 : i32
      scf.for %scan3A_447 = %scan3A_288 to %scan3A_290 step %scan3A_291  : i32 {
        %mul3A_448 = arith.constant 2 : i32
        %mul3A_449 = arith.muli %scan3A_447, %mul3A_448 : i32
        %add3A_450 = arith.constant 0 : i32
        %add3A_451 = arith.addi %mul3A_449, %add3A_450 : i32
        %get3A = arith.index_cast %add3A_451 : i32 to index
        %get3A_452 = arith.constant 0 : index
        %get3A_453 = tpu.vector_load %arg7[%get3A, %get3A_452] {strides = array<i32>} : memref<40x64xf32, #tpu.memory_space<vmem>>, vector<1x16xf32>,
        %get3A_454 = vector.shape_cast %get3A_453 : vector<1x16xf32> to vector<16xf32>
        %add3A_455 = arith.constant 0 : i32
        %add3A_456 = arith.addi %mul3A_449, %add3A_455 : i32
        %get3A_457 = arith.index_cast %add3A_456 : i32 to index
        %get3A_458 = arith.constant 16 : index
        %get3A_459 = tpu.vector_load %arg7[%get3A_457, %get3A_458] {strides = array<i32>} : memref<40x64xf32, #tpu.memory_space<vmem>>, vector<1x16xf32>,
        %get3A_460 = vector.shape_cast %get3A_459 : vector<1x16xf32> to vector<16xf32>
        %add3A_461 = arith.constant 0 : i32
        %add3A_462 = arith.addi %mul3A_449, %add3A_461 : i32
        %get3A_463 = arith.index_cast %add3A_462 : i32 to index
        %get3A_464 = arith.constant 32 : index
        %get3A_465 = tpu.vector_load %arg7[%get3A_463, %get3A_464] {strides = array<i32>} : memref<40x64xf32, #tpu.memory_space<vmem>>, vector<1x16xf32>,
        %get3A_466 = vector.shape_cast %get3A_465 : vector<1x16xf32> to vector<16xf32>
        %add3A_467 = arith.constant 0 : i32
        %add3A_468 = arith.addi %mul3A_449, %add3A_467 : i32
        %get3A_469 = arith.index_cast %add3A_468 : i32 to index
        %get3A_470 = arith.constant 48 : index
        %get3A_471 = tpu.vector_load %arg7[%get3A_469, %get3A_470] {strides = array<i32>} : memref<40x64xf32, #tpu.memory_space<vmem>>, vector<1x16xf32>,
        %get3A_472 = vector.shape_cast %get3A_471 : vector<1x16xf32> to vector<16xf32>
        %add3A_473 = arith.constant 1 : i32
        %add3A_474 = arith.addi %mul3A_449, %add3A_473 : i32
        %get3A_475 = arith.index_cast %add3A_474 : i32 to index
        %get3A_476 = arith.constant 0 : index
        %get3A_477 = tpu.vector_load %arg7[%get3A_475, %get3A_476] {strides = array<i32>} : memref<40x64xf32, #tpu.memory_space<vmem>>, vector<1x16xf32>,
        %get3A_478 = vector.shape_cast %get3A_477 : vector<1x16xf32> to vector<16xf32>
        %add3A_479 = arith.constant 1 : i32
        %add3A_480 = arith.addi %mul3A_449, %add3A_479 : i32
        %get3A_481 = arith.index_cast %add3A_480 : i32 to index
        %get3A_482 = arith.constant 16 : index
        %get3A_483 = tpu.vector_load %arg7[%get3A_481, %get3A_482] {strides = array<i32>} : memref<40x64xf32, #tpu.memory_space<vmem>>, vector<1x16xf32>,
        %get3A_484 = vector.shape_cast %get3A_483 : vector<1x16xf32> to vector<16xf32>
        %add3A_485 = arith.constant 1 : i32
        %add3A_486 = arith.addi %mul3A_449, %add3A_485 : i32
        %get3A_487 = arith.index_cast %add3A_486 : i32 to index
        %get3A_488 = arith.constant 32 : index
        %get3A_489 = tpu.vector_load %arg7[%get3A_487, %get3A_488] {strides = array<i32>} : memref<40x64xf32, #tpu.memory_space<vmem>>, vector<1x16xf32>,
        %get3A_490 = vector.shape_cast %get3A_489 : vector<1x16xf32> to vector<16xf32>
        %add3A_491 = arith.constant 1 : i32
        %add3A_492 = arith.addi %mul3A_449, %add3A_491 : i32
        %get3A_493 = arith.index_cast %add3A_492 : i32 to index
        %get3A_494 = arith.constant 48 : index
        %get3A_495 = tpu.vector_load %arg7[%get3A_493, %get3A_494] {strides = array<i32>} : memref<40x64xf32, #tpu.memory_space<vmem>>, vector<1x16xf32>,
        %get3A_496 = vector.shape_cast %get3A_495 : vector<1x16xf32> to vector<16xf32>
        %add3A_497 = arith.constant 0 : i32
        %add3A_498 = arith.addi %mul3A_449, %add3A_497 : i32
        %get3A_499 = arith.index_cast %add3A_498 : i32 to index
        %get3A_500 = arith.constant 0 : index
        %get3A_501 = tpu.vector_load %arg11[%get3A_499, %get3A_500] {strides = array<i32>} : memref<40x64xf32, #tpu.memory_space<vmem>>, vector<1x16xf32>,
        %get3A_502 = vector.shape_cast %get3A_501 : vector<1x16xf32> to vector<16xf32>
        %add3A_503 = arith.constant 0 : i32
        %add3A_504 = arith.addi %mul3A_449, %add3A_503 : i32
        %get3A_505 = arith.index_cast %add3A_504 : i32 to index
        %get3A_506 = arith.constant 16 : index
        %get3A_507 = tpu.vector_load %arg11[%get3A_505, %get3A_506] {strides = array<i32>} : memref<40x64xf32, #tpu.memory_space<vmem>>, vector<1x16xf32>,
        %get3A_508 = vector.shape_cast %get3A_507 : vector<1x16xf32> to vector<16xf32>
        %add3A_509 = arith.constant 0 : i32
        %add3A_510 = arith.addi %mul3A_449, %add3A_509 : i32
        %get3A_511 = arith.index_cast %add3A_510 : i32 to index
        %get3A_512 = arith.constant 32 : index
        %get3A_513 = tpu.vector_load %arg11[%get3A_511, %get3A_512] {strides = array<i32>} : memref<40x64xf32, #tpu.memory_space<vmem>>, vector<1x16xf32>,
        %get3A_514 = vector.shape_cast %get3A_513 : vector<1x16xf32> to vector<16xf32>
        %add3A_515 = arith.constant 0 : i32
        %add3A_516 = arith.addi %mul3A_449, %add3A_515 : i32
        %get3A_517 = arith.index_cast %add3A_516 : i32 to index
        %get3A_518 = arith.constant 48 : index
        %get3A_519 = tpu.vector_load %arg11[%get3A_517, %get3A_518] {strides = array<i32>} : memref<40x64xf32, #tpu.memory_space<vmem>>, vector<1x16xf32>,
        %get3A_520 = vector.shape_cast %get3A_519 : vector<1x16xf32> to vector<16xf32>
        %add3A_521 = arith.constant 1 : i32
        %add3A_522 = arith.addi %mul3A_449, %add3A_521 : i32
        %get3A_523 = arith.index_cast %add3A_522 : i32 to index
        %get3A_524 = arith.constant 0 : index
        %get3A_525 = tpu.vector_load %arg11[%get3A_523, %get3A_524] {strides = array<i32>} : memref<40x64xf32, #tpu.memory_space<vmem>>, vector<1x16xf32>,
        %get3A_526 = vector.shape_cast %get3A_525 : vector<1x16xf32> to vector<16xf32>
        %add3A_527 = arith.constant 1 : i32
        %add3A_528 = arith.addi %mul3A_449, %add3A_527 : i32
        %get3A_529 = arith.index_cast %add3A_528 : i32 to index
        %get3A_530 = arith.constant 16 : index
        %get3A_531 = tpu.vector_load %arg11[%get3A_529, %get3A_530] {strides = array<i32>} : memref<40x64xf32, #tpu.memory_space<vmem>>, vector<1x16xf32>,
        %get3A_532 = vector.shape_cast %get3A_531 : vector<1x16xf32> to vector<16xf32>
        %add3A_533 = arith.constant 1 : i32
        %add3A_534 = arith.addi %mul3A_449, %add3A_533 : i32
        %get3A_535 = arith.index_cast %add3A_534 : i32 to index
        %get3A_536 = arith.constant 32 : index
        %get3A_537 = tpu.vector_load %arg11[%get3A_535, %get3A_536] {strides = array<i32>} : memref<40x64xf32, #tpu.memory_space<vmem>>, vector<1x16xf32>,
        %get3A_538 = vector.shape_cast %get3A_537 : vector<1x16xf32> to vector<16xf32>
        %add3A_539 = arith.constant 1 : i32
        %add3A_540 = arith.addi %mul3A_449, %add3A_539 : i32
        %get3A_541 = arith.index_cast %add3A_540 : i32 to index
        %get3A_542 = arith.constant 48 : index
        %get3A_543 = tpu.vector_load %arg11[%get3A_541, %get3A_542] {strides = array<i32>} : memref<40x64xf32, #tpu.memory_space<vmem>>, vector<1x16xf32>,
        %get3A_544 = vector.shape_cast %get3A_543 : vector<1x16xf32> to vector<16xf32>
        %add3A_545 = arith.addf %get3A_454, %get3A_502 : vector<16xf32>
        %add3A_546 = arith.addf %get3A_460, %get3A_508 : vector<16xf32>
        %add3A_547 = arith.addf %get3A_466, %get3A_514 : vector<16xf32>
        %add3A_548 = arith.addf %get3A_472, %get3A_520 : vector<16xf32>
        %add3A_549 = arith.addf %get3A_478, %get3A_526 : vector<16xf32>
        %add3A_550 = arith.addf %get3A_484, %get3A_532 : vector<16xf32>
        %add3A_551 = arith.addf %get3A_490, %get3A_538 : vector<16xf32>
        %add3A_552 = arith.addf %get3A_496, %get3A_544 : vector<16xf32>
        %mul3A_553 = arith.constant 256 : i32
        %mul3A_554 = arith.muli %scan3A_447, %mul3A_553 : i32
        %add3A_555 = arith.constant 0 : i32
        %add3A_556 = arith.addi %mul3A_554, %add3A_555 : i32
        %swap3A = arith.index_cast %add3A_556 : i32 to index
        %swap3A_557 = tpu.vector_load %arg15[%swap3A] {strides = array<i32>} : memref<5120xf32, #tpu.memory_space<vmem>>, vector<16xf32>,
        %swap3A_558 = vector.shape_cast %swap3A_557 : vector<16xf32> to vector<16xf32>
        %swap3A_559 = vector.shape_cast %add3A_545 : vector<16xf32> to vector<16xf32>
        tpu.vector_store %arg15[%swap3A], %swap3A_559 {strides = array<i32>} : memref<5120xf32, #tpu.memory_space<vmem>>, vector<16xf32>,
        %add3A_560 = arith.constant 16 : i32
        %add3A_561 = arith.addi %mul3A_554, %add3A_560 : i32
        %swap3A_562 = arith.index_cast %add3A_561 : i32 to index
        %swap3A_563 = tpu.vector_load %arg15[%swap3A_562] {strides = array<i32>} : memref<5120xf32, #tpu.memory_space<vmem>>, vector<16xf32>,
        %swap3A_564 = vector.shape_cast %swap3A_563 : vector<16xf32> to vector<16xf32>
        %swap3A_565 = vector.shape_cast %add3A_546 : vector<16xf32> to vector<16xf32>
        tpu.vector_store %arg15[%swap3A_562], %swap3A_565 {strides = array<i32>} : memref<5120xf32, #tpu.memory_space<vmem>>, vector<16xf32>,
        %add3A_566 = arith.constant 32 : i32
        %add3A_567 = arith.addi %mul3A_554, %add3A_566 : i32
        %swap3A_568 = arith.index_cast %add3A_567 : i32 to index
        %swap3A_569 = tpu.vector_load %arg15[%swap3A_568] {strides = array<i32>} : memref<5120xf32, #tpu.memory_space<vmem>>, vector<16xf32>,
        %swap3A_570 = vector.shape_cast %swap3A_569 : vector<16xf32> to vector<16xf32>
        %swap3A_571 = vector.shape_cast %add3A_547 : vector<16xf32> to vector<16xf32>
        tpu.vector_store %arg15[%swap3A_568], %swap3A_571 {strides = array<i32>} : memref<5120xf32, #tpu.memory_space<vmem>>, vector<16xf32>,
        %add3A_572 = arith.constant 48 : i32
        %add3A_573 = arith.addi %mul3A_554, %add3A_572 : i32
        %swap3A_574 = arith.index_cast %add3A_573 : i32 to index
        %swap3A_575 = tpu.vector_load %arg15[%swap3A_574] {strides = array<i32>} : memref<5120xf32, #tpu.memory_space<vmem>>, vector<16xf32>,
        %swap3A_576 = vector.shape_cast %swap3A_575 : vector<16xf32> to vector<16xf32>
        %swap3A_577 = vector.shape_cast %add3A_548 : vector<16xf32> to vector<16xf32>
        tpu.vector_store %arg15[%swap3A_574], %swap3A_577 {strides = array<i32>} : memref<5120xf32, #tpu.memory_space<vmem>>, vector<16xf32>,
        %add3A_578 = arith.constant 128 : i32
        %add3A_579 = arith.addi %mul3A_554, %add3A_578 : i32
        %add3A_580 = arith.constant 0 : i32
        %add3A_581 = arith.addi %add3A_579, %add3A_580 : i32
        %swap3A_582 = arith.index_cast %add3A_581 : i32 to index
        %swap3A_583 = tpu.vector_load %arg15[%swap3A_582] {strides = array<i32>} : memref<5120xf32, #tpu.memory_space<vmem>>, vector<16xf32>,
        %swap3A_584 = vector.shape_cast %swap3A_583 : vector<16xf32> to vector<16xf32>
        %swap3A_585 = vector.shape_cast %add3A_549 : vector<16xf32> to vector<16xf32>
        tpu.vector_store %arg15[%swap3A_582], %swap3A_585 {strides = array<i32>} : memref<5120xf32, #tpu.memory_space<vmem>>, vector<16xf32>,
        %add3A_586 = arith.constant 128 : i32
        %add3A_587 = arith.addi %mul3A_554, %add3A_586 : i32
        %add3A_588 = arith.constant 16 : i32
        %add3A_589 = arith.addi %add3A_587, %add3A_588 : i32
        %swap3A_590 = arith.index_cast %add3A_589 : i32 to index
        %swap3A_591 = tpu.vector_load %arg15[%swap3A_590] {strides = array<i32>} : memref<5120xf32, #tpu.memory_space<vmem>>, vector<16xf32>,
        %swap3A_592 = vector.shape_cast %swap3A_591 : vector<16xf32> to vector<16xf32>
        %swap3A_593 = vector.shape_cast %add3A_550 : vector<16xf32> to vector<16xf32>
        tpu.vector_store %arg15[%swap3A_590], %swap3A_593 {strides = array<i32>} : memref<5120xf32, #tpu.memory_space<vmem>>, vector<16xf32>,
        %add3A_594 = arith.constant 128 : i32
        %add3A_595 = arith.addi %mul3A_554, %add3A_594 : i32
        %add3A_596 = arith.constant 32 : i32
        %add3A_597 = arith.addi %add3A_595, %add3A_596 : i32
        %swap3A_598 = arith.index_cast %add3A_597 : i32 to index
        %swap3A_599 = tpu.vector_load %arg15[%swap3A_598] {strides = array<i32>} : memref<5120xf32, #tpu.memory_space<vmem>>, vector<16xf32>,
        %swap3A_600 = vector.shape_cast %swap3A_599 : vector<16xf32> to vector<16xf32>
        %swap3A_601 = vector.shape_cast %add3A_551 : vector<16xf32> to vector<16xf32>
        tpu.vector_store %arg15[%swap3A_598], %swap3A_601 {strides = array<i32>} : memref<5120xf32, #tpu.memory_space<vmem>>, vector<16xf32>,
        %add3A_602 = arith.constant 128 : i32
        %add3A_603 = arith.addi %mul3A_554, %add3A_602 : i32
        %add3A_604 = arith.constant 48 : i32
        %add3A_605 = arith.addi %add3A_603, %add3A_604 : i32
        %swap3A_606 = arith.index_cast %add3A_605 : i32 to index
        %swap3A_607 = tpu.vector_load %arg15[%swap3A_606] {strides = array<i32>} : memref<5120xf32, #tpu.memory_space<vmem>>, vector<16xf32>,
        %swap3A_608 = vector.shape_cast %swap3A_607 : vector<16xf32> to vector<16xf32>
        %swap3A_609 = vector.shape_cast %add3A_552 : vector<16xf32> to vector<16xf32>
        tpu.vector_store %arg15[%swap3A_606], %swap3A_609 {strides = array<i32>} : memref<5120xf32, #tpu.memory_space<vmem>>, vector<16xf32>,
      }
      %scan3A_292 = arith.constant 20 : i32
      %mul3A_293 = arith.constant 520 : i32
      %mul3A_294 = arith.muli %add3A_267, %mul3A_293 : i32
      %add3A_295 = arith.addi %mul3A_294, %mul3A_266 : i32
      %mul3A_296 = arith.constant 128 : i32
      %mul3A_297 = arith.muli %add3A_295, %mul3A_296 : i32
      %dma_start3A_298 = tpu.memref_slice %arg4[%mul3A_297] : memref<68157440xf32, #tpu.memory_space<hbm>> -> memref<5120xf32, #tpu.memory_space<hbm>>
      %dma_start3A_299 = tpu.memref_slice %arg4[%mul3A_297] : memref<68157440xf32, #tpu.memory_space<hbm>> -> memref<5120xf32, #tpu.memory_space<hbm>>
      tpu.enqueue_dma source(%arg15 : memref<5120xf32, #tpu.memory_space<vmem>>) target(%dma_start3A_299 : memref<5120xf32, #tpu.memory_space<hbm>>) target_semaphore(%arg27 : memref<!tpu.dma_semaphore, #tpu.memory_space<semaphore_mem>>)
      %lt3A_300 = arith.constant 103 : i32
      %lt3A_301 = arith.cmpi slt, %scan3A_174, %lt3A_300 : i32
      %convert_element_type3A_302 = arith.extui %lt3A_301 : i1 to i32
      %cond3A_303 = arith.constant 0 : i32
      %cond3A_304 = arith.cmpi ne, %convert_element_type3A_302, %cond3A_303 : i32
      scf.if %cond3A_304 {
        %add3A_447 = arith.constant 4 : i32
        %add3A_448 = arith.addi %add3A_237, %add3A_447 : i32
        %jit3A_449 = arith.constant 13 : i32
        %div3A_450 = arith.divsi %add3A_448, %jit3A_449 : i32
        %sign3A_451 = arith.constant 0 : i32
        %sign3A_452 = arith.cmpi sgt, %add3A_448, %sign3A_451 : i32
        %sign3A_453 = arith.extui %sign3A_452 : i1 to i32
        %sign3A_454 = arith.constant 0 : i32
        %sign3A_455 = arith.cmpi slt, %add3A_448, %sign3A_454 : i32
        %sign3A_456 = arith.extui %sign3A_455 : i1 to i32
        %sign3A_457 = arith.subi %sign3A_453, %sign3A_456 : i32
        %sign3A_458 = arith.constant 0 : i32
        %sign3A_459 = arith.cmpi sgt, %jit3A_449, %sign3A_458 : i32
        %sign3A_460 = arith.extui %sign3A_459 : i1 to i32
        %sign3A_461 = arith.constant 0 : i32
        %sign3A_462 = arith.cmpi slt, %jit3A_449, %sign3A_461 : i32
        %sign3A_463 = arith.extui %sign3A_462 : i1 to i32
        %sign3A_464 = arith.subi %sign3A_460, %sign3A_463 : i32
        %ne3A_465 = arith.cmpi ne, %sign3A_457, %sign3A_464 : i32
        %rem3A_466 = arith.remsi %add3A_448, %jit3A_449 : i32
        %ne3A_467 = arith.constant 0 : i32
        %ne3A_468 = arith.cmpi ne, %rem3A_466, %ne3A_467 : i32
        %and3A_469 = arith.andi %ne3A_465, %ne3A_468 : i1
        %sub3A_470 = arith.constant 1 : i32
        %sub3A_471 = arith.subi %div3A_450, %sub3A_470 : i32
        %select_n3A_472 = arith.select %and3A_469, %sub3A_471, %div3A_450 : i32
        %mul3A_473 = arith.constant 13 : i32
        %mul3A_474 = arith.muli %select_n3A_472, %mul3A_473 : i32
        %sub3A_475 = arith.subi %add3A_448, %mul3A_474 : i32
        %mul3A_476 = arith.constant 40 : i32
        %mul3A_477 = arith.muli %sub3A_475, %mul3A_476 : i32
        %add3A_478 = arith.addi %mul3A_2, %select_n3A_472 : i32
        %dma_start3A_479 = arith.constant 0 : i32
        %dma_start3A_480 = arith.constant 0 : i32
        %dma_start3A_481 = tpu.memref_slice %arg2[%dma_start3A_479, %add3A_478, %mul3A_477, %dma_start3A_480] : memref<2x1024x520x64xf32, #tpu.memory_space<hbm>> -> memref<1x1x40x64xf32, #tpu.memory_space<hbm>>
        %dma_start3A_482 = tpu.memref_squeeze %dma_start3A_481 : memref<1x1x40x64xf32, #tpu.memory_space<hbm>> -> memref<40x64xf32, #tpu.memory_space<hbm>>
        %dma_start3A_483 = arith.constant 0 : i32
        %dma_start3A_484 = tpu.memref_slice %arg2[%dma_start3A_479, %add3A_478, %mul3A_477, %dma_start3A_483] : memref<2x1024x520x64xf32, #tpu.memory_space<hbm>> -> memref<1x1x40x64xf32, #tpu.memory_space<hbm>>
        %dma_start3A_485 = tpu.memref_squeeze %dma_start3A_484 : memref<1x1x40x64xf32, #tpu.memory_space<hbm>> -> memref<40x64xf32, #tpu.memory_space<hbm>>
        tpu.enqueue_dma source(%dma_start3A_485 : memref<40x64xf32, #tpu.memory_space<hbm>>) target(%arg7 : memref<40x64xf32, #tpu.memory_space<vmem>>) target_semaphore(%arg19 : memref<!tpu.dma_semaphore, #tpu.memory_space<semaphore_mem>>)
        %dma_start3A_486 = arith.constant 1 : i32
        %dma_start3A_487 = arith.constant 0 : i32
        %dma_start3A_488 = tpu.memref_slice %arg2[%dma_start3A_486, %add3A_478, %mul3A_477, %dma_start3A_487] : memref<2x1024x520x64xf32, #tpu.memory_space<hbm>> -> memref<1x1x40x64xf32, #tpu.memory_space<hbm>>
        %dma_start3A_489 = tpu.memref_squeeze %dma_start3A_488 : memref<1x1x40x64xf32, #tpu.memory_space<hbm>> -> memref<40x64xf32, #tpu.memory_space<hbm>>
        %dma_start3A_490 = arith.constant 0 : i32
        %dma_start3A_491 = tpu.memref_slice %arg2[%dma_start3A_486, %add3A_478, %mul3A_477, %dma_start3A_490] : memref<2x1024x520x64xf32, #tpu.memory_space<hbm>> -> memref<1x1x40x64xf32, #tpu.memory_space<hbm>>
        %dma_start3A_492 = tpu.memref_squeeze %dma_start3A_491 : memref<1x1x40x64xf32, #tpu.memory_space<hbm>> -> memref<40x64xf32, #tpu.memory_space<hbm>>
        tpu.enqueue_dma source(%dma_start3A_492 : memref<40x64xf32, #tpu.memory_space<hbm>>) target(%arg11 : memref<40x64xf32, #tpu.memory_space<vmem>>) target_semaphore(%arg23 : memref<!tpu.dma_semaphore, #tpu.memory_space<semaphore_mem>>)
      } else {
      }
      %mul3A_305 = arith.constant 4 : i32
      %mul3A_306 = arith.muli %scan3A_174, %mul3A_305 : i32
      %add3A_307 = arith.constant 2 : i32
      %add3A_308 = arith.addi %mul3A_306, %add3A_307 : i32
      %jit3A_309 = arith.constant 13 : i32
      %div3A_310 = arith.divsi %add3A_308, %jit3A_309 : i32
      %sign3A_311 = arith.constant 0 : i32
      %sign3A_312 = arith.cmpi sgt, %add3A_308, %sign3A_311 : i32
      %sign3A_313 = arith.extui %sign3A_312 : i1 to i32
      %sign3A_314 = arith.constant 0 : i32
      %sign3A_315 = arith.cmpi slt, %add3A_308, %sign3A_314 : i32
      %sign3A_316 = arith.extui %sign3A_315 : i1 to i32
      %sign3A_317 = arith.subi %sign3A_313, %sign3A_316 : i32
      %sign3A_318 = arith.constant 0 : i32
      %sign3A_319 = arith.cmpi sgt, %jit3A_309, %sign3A_318 : i32
      %sign3A_320 = arith.extui %sign3A_319 : i1 to i32
      %sign3A_321 = arith.constant 0 : i32
      %sign3A_322 = arith.cmpi slt, %jit3A_309, %sign3A_321 : i32
      %sign3A_323 = arith.extui %sign3A_322 : i1 to i32
      %sign3A_324 = arith.subi %sign3A_320, %sign3A_323 : i32
      %ne3A_325 = arith.cmpi ne, %sign3A_317, %sign3A_324 : i32
      %rem3A_326 = arith.remsi %add3A_308, %jit3A_309 : i32
      %ne3A_327 = arith.constant 0 : i32
      %ne3A_328 = arith.cmpi ne, %rem3A_326, %ne3A_327 : i32
      %and3A_329 = arith.andi %ne3A_325, %ne3A_328 : i1
      %sub3A_330 = arith.constant 1 : i32
      %sub3A_331 = arith.subi %div3A_310, %sub3A_330 : i32
      %select_n3A_332 = arith.select %and3A_329, %sub3A_331, %div3A_310 : i32
      %mul3A_333 = arith.constant 13 : i32
      %mul3A_334 = arith.muli %select_n3A_332, %mul3A_333 : i32
      %sub3A_335 = arith.subi %add3A_308, %mul3A_334 : i32
      %mul3A_336 = arith.constant 40 : i32
      %mul3A_337 = arith.muli %sub3A_335, %mul3A_336 : i32
      %add3A_338 = arith.addi %mul3A_2, %select_n3A_332 : i32
      %ge3A_339 = arith.constant 1 : i32
      %ge3A_340 = arith.cmpi sge, %scan3A_174, %ge3A_339 : i32
      %convert_element_type3A_341 = arith.extui %ge3A_340 : i1 to i32
      %cond3A_342 = arith.constant 0 : i32
      %cond3A_343 = arith.cmpi ne, %convert_element_type3A_341, %cond3A_342 : i32
      scf.if %cond3A_343 {
        %sub3A_447 = arith.constant 4 : i32
        %sub3A_448 = arith.subi %add3A_308, %sub3A_447 : i32
        %jit3A_449 = arith.constant 13 : i32
        %div3A_450 = arith.divsi %sub3A_448, %jit3A_449 : i32
        %sign3A_451 = arith.constant 0 : i32
        %sign3A_452 = arith.cmpi sgt, %sub3A_448, %sign3A_451 : i32
        %sign3A_453 = arith.extui %sign3A_452 : i1 to i32
        %sign3A_454 = arith.constant 0 : i32
        %sign3A_455 = arith.cmpi slt, %sub3A_448, %sign3A_454 : i32
        %sign3A_456 = arith.extui %sign3A_455 : i1 to i32
        %sign3A_457 = arith.subi %sign3A_453, %sign3A_456 : i32
        %sign3A_458 = arith.constant 0 : i32
        %sign3A_459 = arith.cmpi sgt, %jit3A_449, %sign3A_458 : i32
        %sign3A_460 = arith.extui %sign3A_459 : i1 to i32
        %sign3A_461 = arith.constant 0 : i32
        %sign3A_462 = arith.cmpi slt, %jit3A_449, %sign3A_461 : i32
        %sign3A_463 = arith.extui %sign3A_462 : i1 to i32
        %sign3A_464 = arith.subi %sign3A_460, %sign3A_463 : i32
        %ne3A_465 = arith.cmpi ne, %sign3A_457, %sign3A_464 : i32
        %rem3A_466 = arith.remsi %sub3A_448, %jit3A_449 : i32
        %ne3A_467 = arith.constant 0 : i32
        %ne3A_468 = arith.cmpi ne, %rem3A_466, %ne3A_467 : i32
        %and3A_469 = arith.andi %ne3A_465, %ne3A_468 : i1
        %sub3A_470 = arith.constant 1 : i32
        %sub3A_471 = arith.subi %div3A_450, %sub3A_470 : i32
        %select_n3A_472 = arith.select %and3A_469, %sub3A_471, %div3A_450 : i32
        %mul3A_473 = arith.constant 13 : i32
        %mul3A_474 = arith.muli %select_n3A_472, %mul3A_473 : i32
        %sub3A_475 = arith.subi %sub3A_448, %mul3A_474 : i32
        %mul3A_476 = arith.constant 40 : i32
        %mul3A_477 = arith.muli %sub3A_475, %mul3A_476 : i32
        %add3A_478 = arith.addi %mul3A_2, %select_n3A_472 : i32
        %mul3A_479 = arith.constant 520 : i32
        %mul3A_480 = arith.muli %add3A_478, %mul3A_479 : i32
        %add3A_481 = arith.addi %mul3A_480, %mul3A_477 : i32
        %mul3A_482 = arith.constant 128 : i32
        %mul3A_483 = arith.muli %add3A_481, %mul3A_482 : i32
        %dma_wait3A_484 = tpu.memref_slice %arg4[%mul3A_483] : memref<68157440xf32, #tpu.memory_space<hbm>> -> memref<5120xf32, #tpu.memory_space<hbm>>
        %dma_wait3A_485 = tpu.memref_slice %arg4[%mul3A_483] : memref<68157440xf32, #tpu.memory_space<hbm>> -> memref<5120xf32, #tpu.memory_space<hbm>>
        tpu.wait_dma2 semaphore(%arg28 : memref<!tpu.dma_semaphore, #tpu.memory_space<semaphore_mem>>) src(%arg16 : memref<5120xf32, #tpu.memory_space<vmem>>) dst(%dma_wait3A_485 : memref<5120xf32, #tpu.memory_space<hbm>>)
      } else {
      }
      %dma_wait3A_344 = arith.constant 0 : i32
      %dma_wait3A_345 = arith.constant 0 : i32
      %dma_wait3A_346 = tpu.memref_slice %arg2[%dma_wait3A_344, %add3A_338, %mul3A_337, %dma_wait3A_345] : memref<2x1024x520x64xf32, #tpu.memory_space<hbm>> -> memref<1x1x40x64xf32, #tpu.memory_space<hbm>>
      %dma_wait3A_347 = tpu.memref_squeeze %dma_wait3A_346 : memref<1x1x40x64xf32, #tpu.memory_space<hbm>> -> memref<40x64xf32, #tpu.memory_space<hbm>>
      %dma_wait3A_348 = arith.constant 0 : i32
      %dma_wait3A_349 = tpu.memref_slice %arg2[%dma_wait3A_344, %add3A_338, %mul3A_337, %dma_wait3A_348] : memref<2x1024x520x64xf32, #tpu.memory_space<hbm>> -> memref<1x1x40x64xf32, #tpu.memory_space<hbm>>
      %dma_wait3A_350 = tpu.memref_squeeze %dma_wait3A_349 : memref<1x1x40x64xf32, #tpu.memory_space<hbm>> -> memref<40x64xf32, #tpu.memory_space<hbm>>
      tpu.wait_dma2 semaphore(%arg20 : memref<!tpu.dma_semaphore, #tpu.memory_space<semaphore_mem>>) src(%dma_wait3A_350 : memref<40x64xf32, #tpu.memory_space<hbm>>) dst(%arg8 : memref<40x64xf32, #tpu.memory_space<vmem>>)
      %dma_wait3A_351 = arith.constant 1 : i32
      %dma_wait3A_352 = arith.constant 0 : i32
      %dma_wait3A_353 = tpu.memref_slice %arg2[%dma_wait3A_351, %add3A_338, %mul3A_337, %dma_wait3A_352] : memref<2x1024x520x64xf32, #tpu.memory_space<hbm>> -> memref<1x1x40x64xf32, #tpu.memory_space<hbm>>
      %dma_wait3A_354 = tpu.memref_squeeze %dma_wait3A_353 : memref<1x1x40x64xf32, #tpu.memory_space<hbm>> -> memref<40x64xf32, #tpu.memory_space<hbm>>
      %dma_wait3A_355 = arith.constant 0 : i32
      %dma_wait3A_356 = tpu.memref_slice %arg2[%dma_wait3A_351, %add3A_338, %mul3A_337, %dma_wait3A_355] : memref<2x1024x520x64xf32, #tpu.memory_space<hbm>> -> memref<1x1x40x64xf32, #tpu.memory_space<hbm>>
      %dma_wait3A_357 = tpu.memref_squeeze %dma_wait3A_356 : memref<1x1x40x64xf32, #tpu.memory_space<hbm>> -> memref<40x64xf32, #tpu.memory_space<hbm>>
      tpu.wait_dma2 semaphore(%arg24 : memref<!tpu.dma_semaphore, #tpu.memory_space<semaphore_mem>>) src(%dma_wait3A_357 : memref<40x64xf32, #tpu.memory_space<hbm>>) dst(%arg12 : memref<40x64xf32, #tpu.memory_space<vmem>>)
      %scan3A_358 = arith.constant 0 : i32
      %scan3A_359 = arith.constant 0 : i32
      %scan3A_360 = arith.constant 20 : i32
      %scan3A_361 = arith.addi %scan3A_359, %scan3A_360 : i32
      %scan3A_362 = arith.constant 1 : i32
      scf.for %scan3A_447 = %scan3A_359 to %scan3A_361 step %scan3A_362  : i32 {
        %mul3A_448 = arith.constant 2 : i32
        %mul3A_449 = arith.muli %scan3A_447, %mul3A_448 : i32
        %add3A_450 = arith.constant 0 : i32
        %add3A_451 = arith.addi %mul3A_449, %add3A_450 : i32
        %get3A = arith.index_cast %add3A_451 : i32 to index
        %get3A_452 = arith.constant 0 : index
        %get3A_453 = tpu.vector_load %arg8[%get3A, %get3A_452] {strides = array<i32>} : memref<40x64xf32, #tpu.memory_space<vmem>>, vector<1x16xf32>,
        %get3A_454 = vector.shape_cast %get3A_453 : vector<1x16xf32> to vector<16xf32>
        %add3A_455 = arith.constant 0 : i32
        %add3A_456 = arith.addi %mul3A_449, %add3A_455 : i32
        %get3A_457 = arith.index_cast %add3A_456 : i32 to index
        %get3A_458 = arith.constant 16 : index
        %get3A_459 = tpu.vector_load %arg8[%get3A_457, %get3A_458] {strides = array<i32>} : memref<40x64xf32, #tpu.memory_space<vmem>>, vector<1x16xf32>,
        %get3A_460 = vector.shape_cast %get3A_459 : vector<1x16xf32> to vector<16xf32>
        %add3A_461 = arith.constant 0 : i32
        %add3A_462 = arith.addi %mul3A_449, %add3A_461 : i32
        %get3A_463 = arith.index_cast %add3A_462 : i32 to index
        %get3A_464 = arith.constant 32 : index
        %get3A_465 = tpu.vector_load %arg8[%get3A_463, %get3A_464] {strides = array<i32>} : memref<40x64xf32, #tpu.memory_space<vmem>>, vector<1x16xf32>,
        %get3A_466 = vector.shape_cast %get3A_465 : vector<1x16xf32> to vector<16xf32>
        %add3A_467 = arith.constant 0 : i32
        %add3A_468 = arith.addi %mul3A_449, %add3A_467 : i32
        %get3A_469 = arith.index_cast %add3A_468 : i32 to index
        %get3A_470 = arith.constant 48 : index
        %get3A_471 = tpu.vector_load %arg8[%get3A_469, %get3A_470] {strides = array<i32>} : memref<40x64xf32, #tpu.memory_space<vmem>>, vector<1x16xf32>,
        %get3A_472 = vector.shape_cast %get3A_471 : vector<1x16xf32> to vector<16xf32>
        %add3A_473 = arith.constant 1 : i32
        %add3A_474 = arith.addi %mul3A_449, %add3A_473 : i32
        %get3A_475 = arith.index_cast %add3A_474 : i32 to index
        %get3A_476 = arith.constant 0 : index
        %get3A_477 = tpu.vector_load %arg8[%get3A_475, %get3A_476] {strides = array<i32>} : memref<40x64xf32, #tpu.memory_space<vmem>>, vector<1x16xf32>,
        %get3A_478 = vector.shape_cast %get3A_477 : vector<1x16xf32> to vector<16xf32>
        %add3A_479 = arith.constant 1 : i32
        %add3A_480 = arith.addi %mul3A_449, %add3A_479 : i32
        %get3A_481 = arith.index_cast %add3A_480 : i32 to index
        %get3A_482 = arith.constant 16 : index
        %get3A_483 = tpu.vector_load %arg8[%get3A_481, %get3A_482] {strides = array<i32>} : memref<40x64xf32, #tpu.memory_space<vmem>>, vector<1x16xf32>,
        %get3A_484 = vector.shape_cast %get3A_483 : vector<1x16xf32> to vector<16xf32>
        %add3A_485 = arith.constant 1 : i32
        %add3A_486 = arith.addi %mul3A_449, %add3A_485 : i32
        %get3A_487 = arith.index_cast %add3A_486 : i32 to index
        %get3A_488 = arith.constant 32 : index
        %get3A_489 = tpu.vector_load %arg8[%get3A_487, %get3A_488] {strides = array<i32>} : memref<40x64xf32, #tpu.memory_space<vmem>>, vector<1x16xf32>,
        %get3A_490 = vector.shape_cast %get3A_489 : vector<1x16xf32> to vector<16xf32>
        %add3A_491 = arith.constant 1 : i32
        %add3A_492 = arith.addi %mul3A_449, %add3A_491 : i32
        %get3A_493 = arith.index_cast %add3A_492 : i32 to index
        %get3A_494 = arith.constant 48 : index
        %get3A_495 = tpu.vector_load %arg8[%get3A_493, %get3A_494] {strides = array<i32>} : memref<40x64xf32, #tpu.memory_space<vmem>>, vector<1x16xf32>,
        %get3A_496 = vector.shape_cast %get3A_495 : vector<1x16xf32> to vector<16xf32>
        %add3A_497 = arith.constant 0 : i32
        %add3A_498 = arith.addi %mul3A_449, %add3A_497 : i32
        %get3A_499 = arith.index_cast %add3A_498 : i32 to index
        %get3A_500 = arith.constant 0 : index
        %get3A_501 = tpu.vector_load %arg12[%get3A_499, %get3A_500] {strides = array<i32>} : memref<40x64xf32, #tpu.memory_space<vmem>>, vector<1x16xf32>,
        %get3A_502 = vector.shape_cast %get3A_501 : vector<1x16xf32> to vector<16xf32>
        %add3A_503 = arith.constant 0 : i32
        %add3A_504 = arith.addi %mul3A_449, %add3A_503 : i32
        %get3A_505 = arith.index_cast %add3A_504 : i32 to index
        %get3A_506 = arith.constant 16 : index
        %get3A_507 = tpu.vector_load %arg12[%get3A_505, %get3A_506] {strides = array<i32>} : memref<40x64xf32, #tpu.memory_space<vmem>>, vector<1x16xf32>,
        %get3A_508 = vector.shape_cast %get3A_507 : vector<1x16xf32> to vector<16xf32>
        %add3A_509 = arith.constant 0 : i32
        %add3A_510 = arith.addi %mul3A_449, %add3A_509 : i32
        %get3A_511 = arith.index_cast %add3A_510 : i32 to index
        %get3A_512 = arith.constant 32 : index
        %get3A_513 = tpu.vector_load %arg12[%get3A_511, %get3A_512] {strides = array<i32>} : memref<40x64xf32, #tpu.memory_space<vmem>>, vector<1x16xf32>,
        %get3A_514 = vector.shape_cast %get3A_513 : vector<1x16xf32> to vector<16xf32>
        %add3A_515 = arith.constant 0 : i32
        %add3A_516 = arith.addi %mul3A_449, %add3A_515 : i32
        %get3A_517 = arith.index_cast %add3A_516 : i32 to index
        %get3A_518 = arith.constant 48 : index
        %get3A_519 = tpu.vector_load %arg12[%get3A_517, %get3A_518] {strides = array<i32>} : memref<40x64xf32, #tpu.memory_space<vmem>>, vector<1x16xf32>,
        %get3A_520 = vector.shape_cast %get3A_519 : vector<1x16xf32> to vector<16xf32>
        %add3A_521 = arith.constant 1 : i32
        %add3A_522 = arith.addi %mul3A_449, %add3A_521 : i32
        %get3A_523 = arith.index_cast %add3A_522 : i32 to index
        %get3A_524 = arith.constant 0 : index
        %get3A_525 = tpu.vector_load %arg12[%get3A_523, %get3A_524] {strides = array<i32>} : memref<40x64xf32, #tpu.memory_space<vmem>>, vector<1x16xf32>,
        %get3A_526 = vector.shape_cast %get3A_525 : vector<1x16xf32> to vector<16xf32>
        %add3A_527 = arith.constant 1 : i32
        %add3A_528 = arith.addi %mul3A_449, %add3A_527 : i32
        %get3A_529 = arith.index_cast %add3A_528 : i32 to index
        %get3A_530 = arith.constant 16 : index
        %get3A_531 = tpu.vector_load %arg12[%get3A_529, %get3A_530] {strides = array<i32>} : memref<40x64xf32, #tpu.memory_space<vmem>>, vector<1x16xf32>,
        %get3A_532 = vector.shape_cast %get3A_531 : vector<1x16xf32> to vector<16xf32>
        %add3A_533 = arith.constant 1 : i32
        %add3A_534 = arith.addi %mul3A_449, %add3A_533 : i32
        %get3A_535 = arith.index_cast %add3A_534 : i32 to index
        %get3A_536 = arith.constant 32 : index
        %get3A_537 = tpu.vector_load %arg12[%get3A_535, %get3A_536] {strides = array<i32>} : memref<40x64xf32, #tpu.memory_space<vmem>>, vector<1x16xf32>,
        %get3A_538 = vector.shape_cast %get3A_537 : vector<1x16xf32> to vector<16xf32>
        %add3A_539 = arith.constant 1 : i32
        %add3A_540 = arith.addi %mul3A_449, %add3A_539 : i32
        %get3A_541 = arith.index_cast %add3A_540 : i32 to index
        %get3A_542 = arith.constant 48 : index
        %get3A_543 = tpu.vector_load %arg12[%get3A_541, %get3A_542] {strides = array<i32>} : memref<40x64xf32, #tpu.memory_space<vmem>>, vector<1x16xf32>,
        %get3A_544 = vector.shape_cast %get3A_543 : vector<1x16xf32> to vector<16xf32>
        %add3A_545 = arith.addf %get3A_454, %get3A_502 : vector<16xf32>
        %add3A_546 = arith.addf %get3A_460, %get3A_508 : vector<16xf32>
        %add3A_547 = arith.addf %get3A_466, %get3A_514 : vector<16xf32>
        %add3A_548 = arith.addf %get3A_472, %get3A_520 : vector<16xf32>
        %add3A_549 = arith.addf %get3A_478, %get3A_526 : vector<16xf32>
        %add3A_550 = arith.addf %get3A_484, %get3A_532 : vector<16xf32>
        %add3A_551 = arith.addf %get3A_490, %get3A_538 : vector<16xf32>
        %add3A_552 = arith.addf %get3A_496, %get3A_544 : vector<16xf32>
        %mul3A_553 = arith.constant 256 : i32
        %mul3A_554 = arith.muli %scan3A_447, %mul3A_553 : i32
        %add3A_555 = arith.constant 0 : i32
        %add3A_556 = arith.addi %mul3A_554, %add3A_555 : i32
        %swap3A = arith.index_cast %add3A_556 : i32 to index
        %swap3A_557 = tpu.vector_load %arg16[%swap3A] {strides = array<i32>} : memref<5120xf32, #tpu.memory_space<vmem>>, vector<16xf32>,
        %swap3A_558 = vector.shape_cast %swap3A_557 : vector<16xf32> to vector<16xf32>
        %swap3A_559 = vector.shape_cast %add3A_545 : vector<16xf32> to vector<16xf32>
        tpu.vector_store %arg16[%swap3A], %swap3A_559 {strides = array<i32>} : memref<5120xf32, #tpu.memory_space<vmem>>, vector<16xf32>,
        %add3A_560 = arith.constant 16 : i32
        %add3A_561 = arith.addi %mul3A_554, %add3A_560 : i32
        %swap3A_562 = arith.index_cast %add3A_561 : i32 to index
        %swap3A_563 = tpu.vector_load %arg16[%swap3A_562] {strides = array<i32>} : memref<5120xf32, #tpu.memory_space<vmem>>, vector<16xf32>,
        %swap3A_564 = vector.shape_cast %swap3A_563 : vector<16xf32> to vector<16xf32>
        %swap3A_565 = vector.shape_cast %add3A_546 : vector<16xf32> to vector<16xf32>
        tpu.vector_store %arg16[%swap3A_562], %swap3A_565 {strides = array<i32>} : memref<5120xf32, #tpu.memory_space<vmem>>, vector<16xf32>,
        %add3A_566 = arith.constant 32 : i32
        %add3A_567 = arith.addi %mul3A_554, %add3A_566 : i32
        %swap3A_568 = arith.index_cast %add3A_567 : i32 to index
        %swap3A_569 = tpu.vector_load %arg16[%swap3A_568] {strides = array<i32>} : memref<5120xf32, #tpu.memory_space<vmem>>, vector<16xf32>,
        %swap3A_570 = vector.shape_cast %swap3A_569 : vector<16xf32> to vector<16xf32>
        %swap3A_571 = vector.shape_cast %add3A_547 : vector<16xf32> to vector<16xf32>
        tpu.vector_store %arg16[%swap3A_568], %swap3A_571 {strides = array<i32>} : memref<5120xf32, #tpu.memory_space<vmem>>, vector<16xf32>,
        %add3A_572 = arith.constant 48 : i32
        %add3A_573 = arith.addi %mul3A_554, %add3A_572 : i32
        %swap3A_574 = arith.index_cast %add3A_573 : i32 to index
        %swap3A_575 = tpu.vector_load %arg16[%swap3A_574] {strides = array<i32>} : memref<5120xf32, #tpu.memory_space<vmem>>, vector<16xf32>,
        %swap3A_576 = vector.shape_cast %swap3A_575 : vector<16xf32> to vector<16xf32>
        %swap3A_577 = vector.shape_cast %add3A_548 : vector<16xf32> to vector<16xf32>
        tpu.vector_store %arg16[%swap3A_574], %swap3A_577 {strides = array<i32>} : memref<5120xf32, #tpu.memory_space<vmem>>, vector<16xf32>,
        %add3A_578 = arith.constant 128 : i32
        %add3A_579 = arith.addi %mul3A_554, %add3A_578 : i32
        %add3A_580 = arith.constant 0 : i32
        %add3A_581 = arith.addi %add3A_579, %add3A_580 : i32
        %swap3A_582 = arith.index_cast %add3A_581 : i32 to index
        %swap3A_583 = tpu.vector_load %arg16[%swap3A_582] {strides = array<i32>} : memref<5120xf32, #tpu.memory_space<vmem>>, vector<16xf32>,
        %swap3A_584 = vector.shape_cast %swap3A_583 : vector<16xf32> to vector<16xf32>
        %swap3A_585 = vector.shape_cast %add3A_549 : vector<16xf32> to vector<16xf32>
        tpu.vector_store %arg16[%swap3A_582], %swap3A_585 {strides = array<i32>} : memref<5120xf32, #tpu.memory_space<vmem>>, vector<16xf32>,
        %add3A_586 = arith.constant 128 : i32
        %add3A_587 = arith.addi %mul3A_554, %add3A_586 : i32
        %add3A_588 = arith.constant 16 : i32
        %add3A_589 = arith.addi %add3A_587, %add3A_588 : i32
        %swap3A_590 = arith.index_cast %add3A_589 : i32 to index
        %swap3A_591 = tpu.vector_load %arg16[%swap3A_590] {strides = array<i32>} : memref<5120xf32, #tpu.memory_space<vmem>>, vector<16xf32>,
        %swap3A_592 = vector.shape_cast %swap3A_591 : vector<16xf32> to vector<16xf32>
        %swap3A_593 = vector.shape_cast %add3A_550 : vector<16xf32> to vector<16xf32>
        tpu.vector_store %arg16[%swap3A_590], %swap3A_593 {strides = array<i32>} : memref<5120xf32, #tpu.memory_space<vmem>>, vector<16xf32>,
        %add3A_594 = arith.constant 128 : i32
        %add3A_595 = arith.addi %mul3A_554, %add3A_594 : i32
        %add3A_596 = arith.constant 32 : i32
        %add3A_597 = arith.addi %add3A_595, %add3A_596 : i32
        %swap3A_598 = arith.index_cast %add3A_597 : i32 to index
        %swap3A_599 = tpu.vector_load %arg16[%swap3A_598] {strides = array<i32>} : memref<5120xf32, #tpu.memory_space<vmem>>, vector<16xf32>,
        %swap3A_600 = vector.shape_cast %swap3A_599 : vector<16xf32> to vector<16xf32>
        %swap3A_601 = vector.shape_cast %add3A_551 : vector<16xf32> to vector<16xf32>
        tpu.vector_store %arg16[%swap3A_598], %swap3A_601 {strides = array<i32>} : memref<5120xf32, #tpu.memory_space<vmem>>, vector<16xf32>,
        %add3A_602 = arith.constant 128 : i32
        %add3A_603 = arith.addi %mul3A_554, %add3A_602 : i32
        %add3A_604 = arith.constant 48 : i32
        %add3A_605 = arith.addi %add3A_603, %add3A_604 : i32
        %swap3A_606 = arith.index_cast %add3A_605 : i32 to index
        %swap3A_607 = tpu.vector_load %arg16[%swap3A_606] {strides = array<i32>} : memref<5120xf32, #tpu.memory_space<vmem>>, vector<16xf32>,
        %swap3A_608 = vector.shape_cast %swap3A_607 : vector<16xf32> to vector<16xf32>
        %swap3A_609 = vector.shape_cast %add3A_552 : vector<16xf32> to vector<16xf32>
        tpu.vector_store %arg16[%swap3A_606], %swap3A_609 {strides = array<i32>} : memref<5120xf32, #tpu.memory_space<vmem>>, vector<16xf32>,
      }
      %scan3A_363 = arith.constant 20 : i32
      %mul3A_364 = arith.constant 520 : i32
      %mul3A_365 = arith.muli %add3A_338, %mul3A_364 : i32
      %add3A_366 = arith.addi %mul3A_365, %mul3A_337 : i32
      %mul3A_367 = arith.constant 128 : i32
      %mul3A_368 = arith.muli %add3A_366, %mul3A_367 : i32
      %dma_start3A_369 = tpu.memref_slice %arg4[%mul3A_368] : memref<68157440xf32, #tpu.memory_space<hbm>> -> memref<5120xf32, #tpu.memory_space<hbm>>
      %dma_start3A_370 = tpu.memref_slice %arg4[%mul3A_368] : memref<68157440xf32, #tpu.memory_space<hbm>> -> memref<5120xf32, #tpu.memory_space<hbm>>
      tpu.enqueue_dma source(%arg16 : memref<5120xf32, #tpu.memory_space<vmem>>) target(%dma_start3A_370 : memref<5120xf32, #tpu.memory_space<hbm>>) target_semaphore(%arg28 : memref<!tpu.dma_semaphore, #tpu.memory_space<semaphore_mem>>)
      %lt3A_371 = arith.constant 103 : i32
      %lt3A_372 = arith.cmpi slt, %scan3A_174, %lt3A_371 : i32
      %convert_element_type3A_373 = arith.extui %lt3A_372 : i1 to i32
      %cond3A_374 = arith.constant 0 : i32
      %cond3A_375 = arith.cmpi ne, %convert_element_type3A_373, %cond3A_374 : i32
      scf.if %cond3A_375 {
        %add3A_447 = arith.constant 4 : i32
        %add3A_448 = arith.addi %add3A_308, %add3A_447 : i32
        %jit3A_449 = arith.constant 13 : i32
        %div3A_450 = arith.divsi %add3A_448, %jit3A_449 : i32
        %sign3A_451 = arith.constant 0 : i32
        %sign3A_452 = arith.cmpi sgt, %add3A_448, %sign3A_451 : i32
        %sign3A_453 = arith.extui %sign3A_452 : i1 to i32
        %sign3A_454 = arith.constant 0 : i32
        %sign3A_455 = arith.cmpi slt, %add3A_448, %sign3A_454 : i32
        %sign3A_456 = arith.extui %sign3A_455 : i1 to i32
        %sign3A_457 = arith.subi %sign3A_453, %sign3A_456 : i32
        %sign3A_458 = arith.constant 0 : i32
        %sign3A_459 = arith.cmpi sgt, %jit3A_449, %sign3A_458 : i32
        %sign3A_460 = arith.extui %sign3A_459 : i1 to i32
        %sign3A_461 = arith.constant 0 : i32
        %sign3A_462 = arith.cmpi slt, %jit3A_449, %sign3A_461 : i32
        %sign3A_463 = arith.extui %sign3A_462 : i1 to i32
        %sign3A_464 = arith.subi %sign3A_460, %sign3A_463 : i32
        %ne3A_465 = arith.cmpi ne, %sign3A_457, %sign3A_464 : i32
        %rem3A_466 = arith.remsi %add3A_448, %jit3A_449 : i32
        %ne3A_467 = arith.constant 0 : i32
        %ne3A_468 = arith.cmpi ne, %rem3A_466, %ne3A_467 : i32
        %and3A_469 = arith.andi %ne3A_465, %ne3A_468 : i1
        %sub3A_470 = arith.constant 1 : i32
        %sub3A_471 = arith.subi %div3A_450, %sub3A_470 : i32
        %select_n3A_472 = arith.select %and3A_469, %sub3A_471, %div3A_450 : i32
        %mul3A_473 = arith.constant 13 : i32
        %mul3A_474 = arith.muli %select_n3A_472, %mul3A_473 : i32
        %sub3A_475 = arith.subi %add3A_448, %mul3A_474 : i32
        %mul3A_476 = arith.constant 40 : i32
        %mul3A_477 = arith.muli %sub3A_475, %mul3A_476 : i32
        %add3A_478 = arith.addi %mul3A_2, %select_n3A_472 : i32
        %dma_start3A_479 = arith.constant 0 : i32
        %dma_start3A_480 = arith.constant 0 : i32
        %dma_start3A_481 = tpu.memref_slice %arg2[%dma_start3A_479, %add3A_478, %mul3A_477, %dma_start3A_480] : memref<2x1024x520x64xf32, #tpu.memory_space<hbm>> -> memref<1x1x40x64xf32, #tpu.memory_space<hbm>>
        %dma_start3A_482 = tpu.memref_squeeze %dma_start3A_481 : memref<1x1x40x64xf32, #tpu.memory_space<hbm>> -> memref<40x64xf32, #tpu.memory_space<hbm>>
        %dma_start3A_483 = arith.constant 0 : i32
        %dma_start3A_484 = tpu.memref_slice %arg2[%dma_start3A_479, %add3A_478, %mul3A_477, %dma_start3A_483] : memref<2x1024x520x64xf32, #tpu.memory_space<hbm>> -> memref<1x1x40x64xf32, #tpu.memory_space<hbm>>
        %dma_start3A_485 = tpu.memref_squeeze %dma_start3A_484 : memref<1x1x40x64xf32, #tpu.memory_space<hbm>> -> memref<40x64xf32, #tpu.memory_space<hbm>>
        tpu.enqueue_dma source(%dma_start3A_485 : memref<40x64xf32, #tpu.memory_space<hbm>>) target(%arg8 : memref<40x64xf32, #tpu.memory_space<vmem>>) target_semaphore(%arg20 : memref<!tpu.dma_semaphore, #tpu.memory_space<semaphore_mem>>)
        %dma_start3A_486 = arith.constant 1 : i32
        %dma_start3A_487 = arith.constant 0 : i32
        %dma_start3A_488 = tpu.memref_slice %arg2[%dma_start3A_486, %add3A_478, %mul3A_477, %dma_start3A_487] : memref<2x1024x520x64xf32, #tpu.memory_space<hbm>> -> memref<1x1x40x64xf32, #tpu.memory_space<hbm>>
        %dma_start3A_489 = tpu.memref_squeeze %dma_start3A_488 : memref<1x1x40x64xf32, #tpu.memory_space<hbm>> -> memref<40x64xf32, #tpu.memory_space<hbm>>
        %dma_start3A_490 = arith.constant 0 : i32
        %dma_start3A_491 = tpu.memref_slice %arg2[%dma_start3A_486, %add3A_478, %mul3A_477, %dma_start3A_490] : memref<2x1024x520x64xf32, #tpu.memory_space<hbm>> -> memref<1x1x40x64xf32, #tpu.memory_space<hbm>>
        %dma_start3A_492 = tpu.memref_squeeze %dma_start3A_491 : memref<1x1x40x64xf32, #tpu.memory_space<hbm>> -> memref<40x64xf32, #tpu.memory_space<hbm>>
        tpu.enqueue_dma source(%dma_start3A_492 : memref<40x64xf32, #tpu.memory_space<hbm>>) target(%arg12 : memref<40x64xf32, #tpu.memory_space<vmem>>) target_semaphore(%arg24 : memref<!tpu.dma_semaphore, #tpu.memory_space<semaphore_mem>>)
      } else {
      }
      %mul3A_376 = arith.constant 4 : i32
      %mul3A_377 = arith.muli %scan3A_174, %mul3A_376 : i32
      %add3A_378 = arith.constant 3 : i32
      %add3A_379 = arith.addi %mul3A_377, %add3A_378 : i32
      %jit3A_380 = arith.constant 13 : i32
      %div3A_381 = arith.divsi %add3A_379, %jit3A_380 : i32
      %sign3A_382 = arith.constant 0 : i32
      %sign3A_383 = arith.cmpi sgt, %add3A_379, %sign3A_382 : i32
      %sign3A_384 = arith.extui %sign3A_383 : i1 to i32
      %sign3A_385 = arith.constant 0 : i32
      %sign3A_386 = arith.cmpi slt, %add3A_379, %sign3A_385 : i32
      %sign3A_387 = arith.extui %sign3A_386 : i1 to i32
      %sign3A_388 = arith.subi %sign3A_384, %sign3A_387 : i32
      %sign3A_389 = arith.constant 0 : i32
      %sign3A_390 = arith.cmpi sgt, %jit3A_380, %sign3A_389 : i32
      %sign3A_391 = arith.extui %sign3A_390 : i1 to i32
      %sign3A_392 = arith.constant 0 : i32
      %sign3A_393 = arith.cmpi slt, %jit3A_380, %sign3A_392 : i32
      %sign3A_394 = arith.extui %sign3A_393 : i1 to i32
      %sign3A_395 = arith.subi %sign3A_391, %sign3A_394 : i32
      %ne3A_396 = arith.cmpi ne, %sign3A_388, %sign3A_395 : i32
      %rem3A_397 = arith.remsi %add3A_379, %jit3A_380 : i32
      %ne3A_398 = arith.constant 0 : i32
      %ne3A_399 = arith.cmpi ne, %rem3A_397, %ne3A_398 : i32
      %and3A_400 = arith.andi %ne3A_396, %ne3A_399 : i1
      %sub3A_401 = arith.constant 1 : i32
      %sub3A_402 = arith.subi %div3A_381, %sub3A_401 : i32
      %select_n3A_403 = arith.select %and3A_400, %sub3A_402, %div3A_381 : i32
      %mul3A_404 = arith.constant 13 : i32
      %mul3A_405 = arith.muli %select_n3A_403, %mul3A_404 : i32
      %sub3A_406 = arith.subi %add3A_379, %mul3A_405 : i32
      %mul3A_407 = arith.constant 40 : i32
      %mul3A_408 = arith.muli %sub3A_406, %mul3A_407 : i32
      %add3A_409 = arith.addi %mul3A_2, %select_n3A_403 : i32
      %ge3A_410 = arith.constant 1 : i32
      %ge3A_411 = arith.cmpi sge, %scan3A_174, %ge3A_410 : i32
      %convert_element_type3A_412 = arith.extui %ge3A_411 : i1 to i32
      %cond3A_413 = arith.constant 0 : i32
      %cond3A_414 = arith.cmpi ne, %convert_element_type3A_412, %cond3A_413 : i32
      scf.if %cond3A_414 {
        %sub3A_447 = arith.constant 4 : i32
        %sub3A_448 = arith.subi %add3A_379, %sub3A_447 : i32
        %jit3A_449 = arith.constant 13 : i32
        %div3A_450 = arith.divsi %sub3A_448, %jit3A_449 : i32
        %sign3A_451 = arith.constant 0 : i32
        %sign3A_452 = arith.cmpi sgt, %sub3A_448, %sign3A_451 : i32
        %sign3A_453 = arith.extui %sign3A_452 : i1 to i32
        %sign3A_454 = arith.constant 0 : i32
        %sign3A_455 = arith.cmpi slt, %sub3A_448, %sign3A_454 : i32
        %sign3A_456 = arith.extui %sign3A_455 : i1 to i32
        %sign3A_457 = arith.subi %sign3A_453, %sign3A_456 : i32
        %sign3A_458 = arith.constant 0 : i32
        %sign3A_459 = arith.cmpi sgt, %jit3A_449, %sign3A_458 : i32
        %sign3A_460 = arith.extui %sign3A_459 : i1 to i32
        %sign3A_461 = arith.constant 0 : i32
        %sign3A_462 = arith.cmpi slt, %jit3A_449, %sign3A_461 : i32
        %sign3A_463 = arith.extui %sign3A_462 : i1 to i32
        %sign3A_464 = arith.subi %sign3A_460, %sign3A_463 : i32
        %ne3A_465 = arith.cmpi ne, %sign3A_457, %sign3A_464 : i32
        %rem3A_466 = arith.remsi %sub3A_448, %jit3A_449 : i32
        %ne3A_467 = arith.constant 0 : i32
        %ne3A_468 = arith.cmpi ne, %rem3A_466, %ne3A_467 : i32
        %and3A_469 = arith.andi %ne3A_465, %ne3A_468 : i1
        %sub3A_470 = arith.constant 1 : i32
        %sub3A_471 = arith.subi %div3A_450, %sub3A_470 : i32
        %select_n3A_472 = arith.select %and3A_469, %sub3A_471, %div3A_450 : i32
        %mul3A_473 = arith.constant 13 : i32
        %mul3A_474 = arith.muli %select_n3A_472, %mul3A_473 : i32
        %sub3A_475 = arith.subi %sub3A_448, %mul3A_474 : i32
        %mul3A_476 = arith.constant 40 : i32
        %mul3A_477 = arith.muli %sub3A_475, %mul3A_476 : i32
        %add3A_478 = arith.addi %mul3A_2, %select_n3A_472 : i32
        %mul3A_479 = arith.constant 520 : i32
        %mul3A_480 = arith.muli %add3A_478, %mul3A_479 : i32
        %add3A_481 = arith.addi %mul3A_480, %mul3A_477 : i32
        %mul3A_482 = arith.constant 128 : i32
        %mul3A_483 = arith.muli %add3A_481, %mul3A_482 : i32
        %dma_wait3A_484 = tpu.memref_slice %arg4[%mul3A_483] : memref<68157440xf32, #tpu.memory_space<hbm>> -> memref<5120xf32, #tpu.memory_space<hbm>>
        %dma_wait3A_485 = tpu.memref_slice %arg4[%mul3A_483] : memref<68157440xf32, #tpu.memory_space<hbm>> -> memref<5120xf32, #tpu.memory_space<hbm>>
        tpu.wait_dma2 semaphore(%arg29 : memref<!tpu.dma_semaphore, #tpu.memory_space<semaphore_mem>>) src(%arg17 : memref<5120xf32, #tpu.memory_space<vmem>>) dst(%dma_wait3A_485 : memref<5120xf32, #tpu.memory_space<hbm>>)
      } else {
      }
      %dma_wait3A_415 = arith.constant 0 : i32
      %dma_wait3A_416 = arith.constant 0 : i32
      %dma_wait3A_417 = tpu.memref_slice %arg2[%dma_wait3A_415, %add3A_409, %mul3A_408, %dma_wait3A_416] : memref<2x1024x520x64xf32, #tpu.memory_space<hbm>> -> memref<1x1x40x64xf32, #tpu.memory_space<hbm>>
      %dma_wait3A_418 = tpu.memref_squeeze %dma_wait3A_417 : memref<1x1x40x64xf32, #tpu.memory_space<hbm>> -> memref<40x64xf32, #tpu.memory_space<hbm>>
      %dma_wait3A_419 = arith.constant 0 : i32
      %dma_wait3A_420 = tpu.memref_slice %arg2[%dma_wait3A_415, %add3A_409, %mul3A_408, %dma_wait3A_419] : memref<2x1024x520x64xf32, #tpu.memory_space<hbm>> -> memref<1x1x40x64xf32, #tpu.memory_space<hbm>>
      %dma_wait3A_421 = tpu.memref_squeeze %dma_wait3A_420 : memref<1x1x40x64xf32, #tpu.memory_space<hbm>> -> memref<40x64xf32, #tpu.memory_space<hbm>>
      tpu.wait_dma2 semaphore(%arg21 : memref<!tpu.dma_semaphore, #tpu.memory_space<semaphore_mem>>) src(%dma_wait3A_421 : memref<40x64xf32, #tpu.memory_space<hbm>>) dst(%arg9 : memref<40x64xf32, #tpu.memory_space<vmem>>)
      %dma_wait3A_422 = arith.constant 1 : i32
      %dma_wait3A_423 = arith.constant 0 : i32
      %dma_wait3A_424 = tpu.memref_slice %arg2[%dma_wait3A_422, %add3A_409, %mul3A_408, %dma_wait3A_423] : memref<2x1024x520x64xf32, #tpu.memory_space<hbm>> -> memref<1x1x40x64xf32, #tpu.memory_space<hbm>>
      %dma_wait3A_425 = tpu.memref_squeeze %dma_wait3A_424 : memref<1x1x40x64xf32, #tpu.memory_space<hbm>> -> memref<40x64xf32, #tpu.memory_space<hbm>>
      %dma_wait3A_426 = arith.constant 0 : i32
      %dma_wait3A_427 = tpu.memref_slice %arg2[%dma_wait3A_422, %add3A_409, %mul3A_408, %dma_wait3A_426] : memref<2x1024x520x64xf32, #tpu.memory_space<hbm>> -> memref<1x1x40x64xf32, #tpu.memory_space<hbm>>
      %dma_wait3A_428 = tpu.memref_squeeze %dma_wait3A_427 : memref<1x1x40x64xf32, #tpu.memory_space<hbm>> -> memref<40x64xf32, #tpu.memory_space<hbm>>
      tpu.wait_dma2 semaphore(%arg25 : memref<!tpu.dma_semaphore, #tpu.memory_space<semaphore_mem>>) src(%dma_wait3A_428 : memref<40x64xf32, #tpu.memory_space<hbm>>) dst(%arg13 : memref<40x64xf32, #tpu.memory_space<vmem>>)
      %scan3A_429 = arith.constant 0 : i32
      %scan3A_430 = arith.constant 0 : i32
      %scan3A_431 = arith.constant 20 : i32
      %scan3A_432 = arith.addi %scan3A_430, %scan3A_431 : i32
      %scan3A_433 = arith.constant 1 : i32
      scf.for %scan3A_447 = %scan3A_430 to %scan3A_432 step %scan3A_433  : i32 {
        %mul3A_448 = arith.constant 2 : i32
        %mul3A_449 = arith.muli %scan3A_447, %mul3A_448 : i32
        %add3A_450 = arith.constant 0 : i32
        %add3A_451 = arith.addi %mul3A_449, %add3A_450 : i32
        %get3A = arith.index_cast %add3A_451 : i32 to index
        %get3A_452 = arith.constant 0 : index
        %get3A_453 = tpu.vector_load %arg9[%get3A, %get3A_452] {strides = array<i32>} : memref<40x64xf32, #tpu.memory_space<vmem>>, vector<1x16xf32>,
        %get3A_454 = vector.shape_cast %get3A_453 : vector<1x16xf32> to vector<16xf32>
        %add3A_455 = arith.constant 0 : i32
        %add3A_456 = arith.addi %mul3A_449, %add3A_455 : i32
        %get3A_457 = arith.index_cast %add3A_456 : i32 to index
        %get3A_458 = arith.constant 16 : index
        %get3A_459 = tpu.vector_load %arg9[%get3A_457, %get3A_458] {strides = array<i32>} : memref<40x64xf32, #tpu.memory_space<vmem>>, vector<1x16xf32>,
        %get3A_460 = vector.shape_cast %get3A_459 : vector<1x16xf32> to vector<16xf32>
        %add3A_461 = arith.constant 0 : i32
        %add3A_462 = arith.addi %mul3A_449, %add3A_461 : i32
        %get3A_463 = arith.index_cast %add3A_462 : i32 to index
        %get3A_464 = arith.constant 32 : index
        %get3A_465 = tpu.vector_load %arg9[%get3A_463, %get3A_464] {strides = array<i32>} : memref<40x64xf32, #tpu.memory_space<vmem>>, vector<1x16xf32>,
        %get3A_466 = vector.shape_cast %get3A_465 : vector<1x16xf32> to vector<16xf32>
        %add3A_467 = arith.constant 0 : i32
        %add3A_468 = arith.addi %mul3A_449, %add3A_467 : i32
        %get3A_469 = arith.index_cast %add3A_468 : i32 to index
        %get3A_470 = arith.constant 48 : index
        %get3A_471 = tpu.vector_load %arg9[%get3A_469, %get3A_470] {strides = array<i32>} : memref<40x64xf32, #tpu.memory_space<vmem>>, vector<1x16xf32>,
        %get3A_472 = vector.shape_cast %get3A_471 : vector<1x16xf32> to vector<16xf32>
        %add3A_473 = arith.constant 1 : i32
        %add3A_474 = arith.addi %mul3A_449, %add3A_473 : i32
        %get3A_475 = arith.index_cast %add3A_474 : i32 to index
        %get3A_476 = arith.constant 0 : index
        %get3A_477 = tpu.vector_load %arg9[%get3A_475, %get3A_476] {strides = array<i32>} : memref<40x64xf32, #tpu.memory_space<vmem>>, vector<1x16xf32>,
        %get3A_478 = vector.shape_cast %get3A_477 : vector<1x16xf32> to vector<16xf32>
        %add3A_479 = arith.constant 1 : i32
        %add3A_480 = arith.addi %mul3A_449, %add3A_479 : i32
        %get3A_481 = arith.index_cast %add3A_480 : i32 to index
        %get3A_482 = arith.constant 16 : index
        %get3A_483 = tpu.vector_load %arg9[%get3A_481, %get3A_482] {strides = array<i32>} : memref<40x64xf32, #tpu.memory_space<vmem>>, vector<1x16xf32>,
        %get3A_484 = vector.shape_cast %get3A_483 : vector<1x16xf32> to vector<16xf32>
        %add3A_485 = arith.constant 1 : i32
        %add3A_486 = arith.addi %mul3A_449, %add3A_485 : i32
        %get3A_487 = arith.index_cast %add3A_486 : i32 to index
        %get3A_488 = arith.constant 32 : index
        %get3A_489 = tpu.vector_load %arg9[%get3A_487, %get3A_488] {strides = array<i32>} : memref<40x64xf32, #tpu.memory_space<vmem>>, vector<1x16xf32>,
        %get3A_490 = vector.shape_cast %get3A_489 : vector<1x16xf32> to vector<16xf32>
        %add3A_491 = arith.constant 1 : i32
        %add3A_492 = arith.addi %mul3A_449, %add3A_491 : i32
        %get3A_493 = arith.index_cast %add3A_492 : i32 to index
        %get3A_494 = arith.constant 48 : index
        %get3A_495 = tpu.vector_load %arg9[%get3A_493, %get3A_494] {strides = array<i32>} : memref<40x64xf32, #tpu.memory_space<vmem>>, vector<1x16xf32>,
        %get3A_496 = vector.shape_cast %get3A_495 : vector<1x16xf32> to vector<16xf32>
        %add3A_497 = arith.constant 0 : i32
        %add3A_498 = arith.addi %mul3A_449, %add3A_497 : i32
        %get3A_499 = arith.index_cast %add3A_498 : i32 to index
        %get3A_500 = arith.constant 0 : index
        %get3A_501 = tpu.vector_load %arg13[%get3A_499, %get3A_500] {strides = array<i32>} : memref<40x64xf32, #tpu.memory_space<vmem>>, vector<1x16xf32>,
        %get3A_502 = vector.shape_cast %get3A_501 : vector<1x16xf32> to vector<16xf32>
        %add3A_503 = arith.constant 0 : i32
        %add3A_504 = arith.addi %mul3A_449, %add3A_503 : i32
        %get3A_505 = arith.index_cast %add3A_504 : i32 to index
        %get3A_506 = arith.constant 16 : index
        %get3A_507 = tpu.vector_load %arg13[%get3A_505, %get3A_506] {strides = array<i32>} : memref<40x64xf32, #tpu.memory_space<vmem>>, vector<1x16xf32>,
        %get3A_508 = vector.shape_cast %get3A_507 : vector<1x16xf32> to vector<16xf32>
        %add3A_509 = arith.constant 0 : i32
        %add3A_510 = arith.addi %mul3A_449, %add3A_509 : i32
        %get3A_511 = arith.index_cast %add3A_510 : i32 to index
        %get3A_512 = arith.constant 32 : index
        %get3A_513 = tpu.vector_load %arg13[%get3A_511, %get3A_512] {strides = array<i32>} : memref<40x64xf32, #tpu.memory_space<vmem>>, vector<1x16xf32>,
        %get3A_514 = vector.shape_cast %get3A_513 : vector<1x16xf32> to vector<16xf32>
        %add3A_515 = arith.constant 0 : i32
        %add3A_516 = arith.addi %mul3A_449, %add3A_515 : i32
        %get3A_517 = arith.index_cast %add3A_516 : i32 to index
        %get3A_518 = arith.constant 48 : index
        %get3A_519 = tpu.vector_load %arg13[%get3A_517, %get3A_518] {strides = array<i32>} : memref<40x64xf32, #tpu.memory_space<vmem>>, vector<1x16xf32>,
        %get3A_520 = vector.shape_cast %get3A_519 : vector<1x16xf32> to vector<16xf32>
        %add3A_521 = arith.constant 1 : i32
        %add3A_522 = arith.addi %mul3A_449, %add3A_521 : i32
        %get3A_523 = arith.index_cast %add3A_522 : i32 to index
        %get3A_524 = arith.constant 0 : index
        %get3A_525 = tpu.vector_load %arg13[%get3A_523, %get3A_524] {strides = array<i32>} : memref<40x64xf32, #tpu.memory_space<vmem>>, vector<1x16xf32>,
        %get3A_526 = vector.shape_cast %get3A_525 : vector<1x16xf32> to vector<16xf32>
        %add3A_527 = arith.constant 1 : i32
        %add3A_528 = arith.addi %mul3A_449, %add3A_527 : i32
        %get3A_529 = arith.index_cast %add3A_528 : i32 to index
        %get3A_530 = arith.constant 16 : index
        %get3A_531 = tpu.vector_load %arg13[%get3A_529, %get3A_530] {strides = array<i32>} : memref<40x64xf32, #tpu.memory_space<vmem>>, vector<1x16xf32>,
        %get3A_532 = vector.shape_cast %get3A_531 : vector<1x16xf32> to vector<16xf32>
        %add3A_533 = arith.constant 1 : i32
        %add3A_534 = arith.addi %mul3A_449, %add3A_533 : i32
        %get3A_535 = arith.index_cast %add3A_534 : i32 to index
        %get3A_536 = arith.constant 32 : index
        %get3A_537 = tpu.vector_load %arg13[%get3A_535, %get3A_536] {strides = array<i32>} : memref<40x64xf32, #tpu.memory_space<vmem>>, vector<1x16xf32>,
        %get3A_538 = vector.shape_cast %get3A_537 : vector<1x16xf32> to vector<16xf32>
        %add3A_539 = arith.constant 1 : i32
        %add3A_540 = arith.addi %mul3A_449, %add3A_539 : i32
        %get3A_541 = arith.index_cast %add3A_540 : i32 to index
        %get3A_542 = arith.constant 48 : index
        %get3A_543 = tpu.vector_load %arg13[%get3A_541, %get3A_542] {strides = array<i32>} : memref<40x64xf32, #tpu.memory_space<vmem>>, vector<1x16xf32>,
        %get3A_544 = vector.shape_cast %get3A_543 : vector<1x16xf32> to vector<16xf32>
        %add3A_545 = arith.addf %get3A_454, %get3A_502 : vector<16xf32>
        %add3A_546 = arith.addf %get3A_460, %get3A_508 : vector<16xf32>
        %add3A_547 = arith.addf %get3A_466, %get3A_514 : vector<16xf32>
        %add3A_548 = arith.addf %get3A_472, %get3A_520 : vector<16xf32>
        %add3A_549 = arith.addf %get3A_478, %get3A_526 : vector<16xf32>
        %add3A_550 = arith.addf %get3A_484, %get3A_532 : vector<16xf32>
        %add3A_551 = arith.addf %get3A_490, %get3A_538 : vector<16xf32>
        %add3A_552 = arith.addf %get3A_496, %get3A_544 : vector<16xf32>
        %mul3A_553 = arith.constant 256 : i32
        %mul3A_554 = arith.muli %scan3A_447, %mul3A_553 : i32
        %add3A_555 = arith.constant 0 : i32
        %add3A_556 = arith.addi %mul3A_554, %add3A_555 : i32
        %swap3A = arith.index_cast %add3A_556 : i32 to index
        %swap3A_557 = tpu.vector_load %arg17[%swap3A] {strides = array<i32>} : memref<5120xf32, #tpu.memory_space<vmem>>, vector<16xf32>,
        %swap3A_558 = vector.shape_cast %swap3A_557 : vector<16xf32> to vector<16xf32>
        %swap3A_559 = vector.shape_cast %add3A_545 : vector<16xf32> to vector<16xf32>
        tpu.vector_store %arg17[%swap3A], %swap3A_559 {strides = array<i32>} : memref<5120xf32, #tpu.memory_space<vmem>>, vector<16xf32>,
        %add3A_560 = arith.constant 16 : i32
        %add3A_561 = arith.addi %mul3A_554, %add3A_560 : i32
        %swap3A_562 = arith.index_cast %add3A_561 : i32 to index
        %swap3A_563 = tpu.vector_load %arg17[%swap3A_562] {strides = array<i32>} : memref<5120xf32, #tpu.memory_space<vmem>>, vector<16xf32>,
        %swap3A_564 = vector.shape_cast %swap3A_563 : vector<16xf32> to vector<16xf32>
        %swap3A_565 = vector.shape_cast %add3A_546 : vector<16xf32> to vector<16xf32>
        tpu.vector_store %arg17[%swap3A_562], %swap3A_565 {strides = array<i32>} : memref<5120xf32, #tpu.memory_space<vmem>>, vector<16xf32>,
        %add3A_566 = arith.constant 32 : i32
        %add3A_567 = arith.addi %mul3A_554, %add3A_566 : i32
        %swap3A_568 = arith.index_cast %add3A_567 : i32 to index
        %swap3A_569 = tpu.vector_load %arg17[%swap3A_568] {strides = array<i32>} : memref<5120xf32, #tpu.memory_space<vmem>>, vector<16xf32>,
        %swap3A_570 = vector.shape_cast %swap3A_569 : vector<16xf32> to vector<16xf32>
        %swap3A_571 = vector.shape_cast %add3A_547 : vector<16xf32> to vector<16xf32>
        tpu.vector_store %arg17[%swap3A_568], %swap3A_571 {strides = array<i32>} : memref<5120xf32, #tpu.memory_space<vmem>>, vector<16xf32>,
        %add3A_572 = arith.constant 48 : i32
        %add3A_573 = arith.addi %mul3A_554, %add3A_572 : i32
        %swap3A_574 = arith.index_cast %add3A_573 : i32 to index
        %swap3A_575 = tpu.vector_load %arg17[%swap3A_574] {strides = array<i32>} : memref<5120xf32, #tpu.memory_space<vmem>>, vector<16xf32>,
        %swap3A_576 = vector.shape_cast %swap3A_575 : vector<16xf32> to vector<16xf32>
        %swap3A_577 = vector.shape_cast %add3A_548 : vector<16xf32> to vector<16xf32>
        tpu.vector_store %arg17[%swap3A_574], %swap3A_577 {strides = array<i32>} : memref<5120xf32, #tpu.memory_space<vmem>>, vector<16xf32>,
        %add3A_578 = arith.constant 128 : i32
        %add3A_579 = arith.addi %mul3A_554, %add3A_578 : i32
        %add3A_580 = arith.constant 0 : i32
        %add3A_581 = arith.addi %add3A_579, %add3A_580 : i32
        %swap3A_582 = arith.index_cast %add3A_581 : i32 to index
        %swap3A_583 = tpu.vector_load %arg17[%swap3A_582] {strides = array<i32>} : memref<5120xf32, #tpu.memory_space<vmem>>, vector<16xf32>,
        %swap3A_584 = vector.shape_cast %swap3A_583 : vector<16xf32> to vector<16xf32>
        %swap3A_585 = vector.shape_cast %add3A_549 : vector<16xf32> to vector<16xf32>
        tpu.vector_store %arg17[%swap3A_582], %swap3A_585 {strides = array<i32>} : memref<5120xf32, #tpu.memory_space<vmem>>, vector<16xf32>,
        %add3A_586 = arith.constant 128 : i32
        %add3A_587 = arith.addi %mul3A_554, %add3A_586 : i32
        %add3A_588 = arith.constant 16 : i32
        %add3A_589 = arith.addi %add3A_587, %add3A_588 : i32
        %swap3A_590 = arith.index_cast %add3A_589 : i32 to index
        %swap3A_591 = tpu.vector_load %arg17[%swap3A_590] {strides = array<i32>} : memref<5120xf32, #tpu.memory_space<vmem>>, vector<16xf32>,
        %swap3A_592 = vector.shape_cast %swap3A_591 : vector<16xf32> to vector<16xf32>
        %swap3A_593 = vector.shape_cast %add3A_550 : vector<16xf32> to vector<16xf32>
        tpu.vector_store %arg17[%swap3A_590], %swap3A_593 {strides = array<i32>} : memref<5120xf32, #tpu.memory_space<vmem>>, vector<16xf32>,
        %add3A_594 = arith.constant 128 : i32
        %add3A_595 = arith.addi %mul3A_554, %add3A_594 : i32
        %add3A_596 = arith.constant 32 : i32
        %add3A_597 = arith.addi %add3A_595, %add3A_596 : i32
        %swap3A_598 = arith.index_cast %add3A_597 : i32 to index
        %swap3A_599 = tpu.vector_load %arg17[%swap3A_598] {strides = array<i32>} : memref<5120xf32, #tpu.memory_space<vmem>>, vector<16xf32>,
        %swap3A_600 = vector.shape_cast %swap3A_599 : vector<16xf32> to vector<16xf32>
        %swap3A_601 = vector.shape_cast %add3A_551 : vector<16xf32> to vector<16xf32>
        tpu.vector_store %arg17[%swap3A_598], %swap3A_601 {strides = array<i32>} : memref<5120xf32, #tpu.memory_space<vmem>>, vector<16xf32>,
        %add3A_602 = arith.constant 128 : i32
        %add3A_603 = arith.addi %mul3A_554, %add3A_602 : i32
        %add3A_604 = arith.constant 48 : i32
        %add3A_605 = arith.addi %add3A_603, %add3A_604 : i32
        %swap3A_606 = arith.index_cast %add3A_605 : i32 to index
        %swap3A_607 = tpu.vector_load %arg17[%swap3A_606] {strides = array<i32>} : memref<5120xf32, #tpu.memory_space<vmem>>, vector<16xf32>,
        %swap3A_608 = vector.shape_cast %swap3A_607 : vector<16xf32> to vector<16xf32>
        %swap3A_609 = vector.shape_cast %add3A_552 : vector<16xf32> to vector<16xf32>
        tpu.vector_store %arg17[%swap3A_606], %swap3A_609 {strides = array<i32>} : memref<5120xf32, #tpu.memory_space<vmem>>, vector<16xf32>,
      }
      %scan3A_434 = arith.constant 20 : i32
      %mul3A_435 = arith.constant 520 : i32
      %mul3A_436 = arith.muli %add3A_409, %mul3A_435 : i32
      %add3A_437 = arith.addi %mul3A_436, %mul3A_408 : i32
      %mul3A_438 = arith.constant 128 : i32
      %mul3A_439 = arith.muli %add3A_437, %mul3A_438 : i32
      %dma_start3A_440 = tpu.memref_slice %arg4[%mul3A_439] : memref<68157440xf32, #tpu.memory_space<hbm>> -> memref<5120xf32, #tpu.memory_space<hbm>>
      %dma_start3A_441 = tpu.memref_slice %arg4[%mul3A_439] : memref<68157440xf32, #tpu.memory_space<hbm>> -> memref<5120xf32, #tpu.memory_space<hbm>>
      tpu.enqueue_dma source(%arg17 : memref<5120xf32, #tpu.memory_space<vmem>>) target(%dma_start3A_441 : memref<5120xf32, #tpu.memory_space<hbm>>) target_semaphore(%arg29 : memref<!tpu.dma_semaphore, #tpu.memory_space<semaphore_mem>>)
      %lt3A_442 = arith.constant 103 : i32
      %lt3A_443 = arith.cmpi slt, %scan3A_174, %lt3A_442 : i32
      %convert_element_type3A_444 = arith.extui %lt3A_443 : i1 to i32
      %cond3A_445 = arith.constant 0 : i32
      %cond3A_446 = arith.cmpi ne, %convert_element_type3A_444, %cond3A_445 : i32
      scf.if %cond3A_446 {
        %add3A_447 = arith.constant 4 : i32
        %add3A_448 = arith.addi %add3A_379, %add3A_447 : i32
        %jit3A_449 = arith.constant 13 : i32
        %div3A_450 = arith.divsi %add3A_448, %jit3A_449 : i32
        %sign3A_451 = arith.constant 0 : i32
        %sign3A_452 = arith.cmpi sgt, %add3A_448, %sign3A_451 : i32
        %sign3A_453 = arith.extui %sign3A_452 : i1 to i32
        %sign3A_454 = arith.constant 0 : i32
        %sign3A_455 = arith.cmpi slt, %add3A_448, %sign3A_454 : i32
        %sign3A_456 = arith.extui %sign3A_455 : i1 to i32
        %sign3A_457 = arith.subi %sign3A_453, %sign3A_456 : i32
        %sign3A_458 = arith.constant 0 : i32
        %sign3A_459 = arith.cmpi sgt, %jit3A_449, %sign3A_458 : i32
        %sign3A_460 = arith.extui %sign3A_459 : i1 to i32
        %sign3A_461 = arith.constant 0 : i32
        %sign3A_462 = arith.cmpi slt, %jit3A_449, %sign3A_461 : i32
        %sign3A_463 = arith.extui %sign3A_462 : i1 to i32
        %sign3A_464 = arith.subi %sign3A_460, %sign3A_463 : i32
        %ne3A_465 = arith.cmpi ne, %sign3A_457, %sign3A_464 : i32
        %rem3A_466 = arith.remsi %add3A_448, %jit3A_449 : i32
        %ne3A_467 = arith.constant 0 : i32
        %ne3A_468 = arith.cmpi ne, %rem3A_466, %ne3A_467 : i32
        %and3A_469 = arith.andi %ne3A_465, %ne3A_468 : i1
        %sub3A_470 = arith.constant 1 : i32
        %sub3A_471 = arith.subi %div3A_450, %sub3A_470 : i32
        %select_n3A_472 = arith.select %and3A_469, %sub3A_471, %div3A_450 : i32
        %mul3A_473 = arith.constant 13 : i32
        %mul3A_474 = arith.muli %select_n3A_472, %mul3A_473 : i32
        %sub3A_475 = arith.subi %add3A_448, %mul3A_474 : i32
        %mul3A_476 = arith.constant 40 : i32
        %mul3A_477 = arith.muli %sub3A_475, %mul3A_476 : i32
        %add3A_478 = arith.addi %mul3A_2, %select_n3A_472 : i32
        %dma_start3A_479 = arith.constant 0 : i32
        %dma_start3A_480 = arith.constant 0 : i32
        %dma_start3A_481 = tpu.memref_slice %arg2[%dma_start3A_479, %add3A_478, %mul3A_477, %dma_start3A_480] : memref<2x1024x520x64xf32, #tpu.memory_space<hbm>> -> memref<1x1x40x64xf32, #tpu.memory_space<hbm>>
        %dma_start3A_482 = tpu.memref_squeeze %dma_start3A_481 : memref<1x1x40x64xf32, #tpu.memory_space<hbm>> -> memref<40x64xf32, #tpu.memory_space<hbm>>
        %dma_start3A_483 = arith.constant 0 : i32
        %dma_start3A_484 = tpu.memref_slice %arg2[%dma_start3A_479, %add3A_478, %mul3A_477, %dma_start3A_483] : memref<2x1024x520x64xf32, #tpu.memory_space<hbm>> -> memref<1x1x40x64xf32, #tpu.memory_space<hbm>>
        %dma_start3A_485 = tpu.memref_squeeze %dma_start3A_484 : memref<1x1x40x64xf32, #tpu.memory_space<hbm>> -> memref<40x64xf32, #tpu.memory_space<hbm>>
        tpu.enqueue_dma source(%dma_start3A_485 : memref<40x64xf32, #tpu.memory_space<hbm>>) target(%arg9 : memref<40x64xf32, #tpu.memory_space<vmem>>) target_semaphore(%arg21 : memref<!tpu.dma_semaphore, #tpu.memory_space<semaphore_mem>>)
        %dma_start3A_486 = arith.constant 1 : i32
        %dma_start3A_487 = arith.constant 0 : i32
        %dma_start3A_488 = tpu.memref_slice %arg2[%dma_start3A_486, %add3A_478, %mul3A_477, %dma_start3A_487] : memref<2x1024x520x64xf32, #tpu.memory_space<hbm>> -> memref<1x1x40x64xf32, #tpu.memory_space<hbm>>
        %dma_start3A_489 = tpu.memref_squeeze %dma_start3A_488 : memref<1x1x40x64xf32, #tpu.memory_space<hbm>> -> memref<40x64xf32, #tpu.memory_space<hbm>>
        %dma_start3A_490 = arith.constant 0 : i32
        %dma_start3A_491 = tpu.memref_slice %arg2[%dma_start3A_486, %add3A_478, %mul3A_477, %dma_start3A_490] : memref<2x1024x520x64xf32, #tpu.memory_space<hbm>> -> memref<1x1x40x64xf32, #tpu.memory_space<hbm>>
        %dma_start3A_492 = tpu.memref_squeeze %dma_start3A_491 : memref<1x1x40x64xf32, #tpu.memory_space<hbm>> -> memref<40x64xf32, #tpu.memory_space<hbm>>
        tpu.enqueue_dma source(%dma_start3A_492 : memref<40x64xf32, #tpu.memory_space<hbm>>) target(%arg13 : memref<40x64xf32, #tpu.memory_space<vmem>>) target_semaphore(%arg25 : memref<!tpu.dma_semaphore, #tpu.memory_space<semaphore_mem>>)
      } else {
      }
    }
    %scan3A_134 = arith.constant 104 : i32
    %add3A_135 = arith.constant 31 : i32
    %add3A_136 = arith.addi %mul3A_2, %add3A_135 : i32
    %mul3A_137 = arith.constant 520 : i32
    %mul3A_138 = arith.muli %add3A_136, %mul3A_137 : i32
    %add3A_139 = arith.constant 360 : i32
    %add3A_140 = arith.addi %mul3A_138, %add3A_139 : i32
    %mul3A_141 = arith.constant 128 : i32
    %mul3A_142 = arith.muli %add3A_140, %mul3A_141 : i32
    %dma_wait3A = tpu.memref_slice %arg4[%mul3A_142] : memref<68157440xf32, #tpu.memory_space<hbm>> -> memref<5120xf32, #tpu.memory_space<hbm>>
    %dma_wait3A_143 = tpu.memref_slice %arg4[%mul3A_142] : memref<68157440xf32, #tpu.memory_space<hbm>> -> memref<5120xf32, #tpu.memory_space<hbm>>
    tpu.wait_dma2 semaphore(%arg26 : memref<!tpu.dma_semaphore, #tpu.memory_space<semaphore_mem>>) src(%arg14 : memref<5120xf32, #tpu.memory_space<vmem>>) dst(%dma_wait3A_143 : memref<5120xf32, #tpu.memory_space<hbm>>)
    %add3A_144 = arith.constant 31 : i32
    %add3A_145 = arith.addi %mul3A_2, %add3A_144 : i32
    %mul3A_146 = arith.constant 520 : i32
    %mul3A_147 = arith.muli %add3A_145, %mul3A_146 : i32
    %add3A_148 = arith.constant 400 : i32
    %add3A_149 = arith.addi %mul3A_147, %add3A_148 : i32
    %mul3A_150 = arith.constant 128 : i32
    %mul3A_151 = arith.muli %add3A_149, %mul3A_150 : i32
    %dma_wait3A_152 = tpu.memref_slice %arg4[%mul3A_151] : memref<68157440xf32, #tpu.memory_space<hbm>> -> memref<5120xf32, #tpu.memory_space<hbm>>
    %dma_wait3A_153 = tpu.memref_slice %arg4[%mul3A_151] : memref<68157440xf32, #tpu.memory_space<hbm>> -> memref<5120xf32, #tpu.memory_space<hbm>>
    tpu.wait_dma2 semaphore(%arg27 : memref<!tpu.dma_semaphore, #tpu.memory_space<semaphore_mem>>) src(%arg15 : memref<5120xf32, #tpu.memory_space<vmem>>) dst(%dma_wait3A_153 : memref<5120xf32, #tpu.memory_space<hbm>>)
    %add3A_154 = arith.constant 31 : i32
    %add3A_155 = arith.addi %mul3A_2, %add3A_154 : i32
    %mul3A_156 = arith.constant 520 : i32
    %mul3A_157 = arith.muli %add3A_155, %mul3A_156 : i32
    %add3A_158 = arith.constant 440 : i32
    %add3A_159 = arith.addi %mul3A_157, %add3A_158 : i32
    %mul3A_160 = arith.constant 128 : i32
    %mul3A_161 = arith.muli %add3A_159, %mul3A_160 : i32
    %dma_wait3A_162 = tpu.memref_slice %arg4[%mul3A_161] : memref<68157440xf32, #tpu.memory_space<hbm>> -> memref<5120xf32, #tpu.memory_space<hbm>>
    %dma_wait3A_163 = tpu.memref_slice %arg4[%mul3A_161] : memref<68157440xf32, #tpu.memory_space<hbm>> -> memref<5120xf32, #tpu.memory_space<hbm>>
    tpu.wait_dma2 semaphore(%arg28 : memref<!tpu.dma_semaphore, #tpu.memory_space<semaphore_mem>>) src(%arg16 : memref<5120xf32, #tpu.memory_space<vmem>>) dst(%dma_wait3A_163 : memref<5120xf32, #tpu.memory_space<hbm>>)
    %add3A_164 = arith.constant 31 : i32
    %add3A_165 = arith.addi %mul3A_2, %add3A_164 : i32
    %mul3A_166 = arith.constant 520 : i32
    %mul3A_167 = arith.muli %add3A_165, %mul3A_166 : i32
    %add3A_168 = arith.constant 480 : i32
    %add3A_169 = arith.addi %mul3A_167, %add3A_168 : i32
    %mul3A_170 = arith.constant 128 : i32
    %mul3A_171 = arith.muli %add3A_169, %mul3A_170 : i32
    %dma_wait3A_172 = tpu.memref_slice %arg4[%mul3A_171] : memref<68157440xf32, #tpu.memory_space<hbm>> -> memref<5120xf32, #tpu.memory_space<hbm>>
    %dma_wait3A_173 = tpu.memref_slice %arg4[%mul3A_171] : memref<68157440xf32, #tpu.memory_space<hbm>> -> memref<5120xf32, #tpu.memory_space<hbm>>
    tpu.wait_dma2 semaphore(%arg29 : memref<!tpu.dma_semaphore, #tpu.memory_space<semaphore_mem>>) src(%arg17 : memref<5120xf32, #tpu.memory_space<vmem>>) dst(%dma_wait3A_173 : memref<5120xf32, #tpu.memory_space<hbm>>)
    return
  }
}

</mosaic_0001>

<sc_bundles>
// kernel: kernel.3.cloned.1.call-start
scs
__scs_entry_jumppad:
0x0: {  	(pc) =	sbr.rel $0x88, $3  }
0x1: {  	(tag) =	ssettag $0x0;
	lr =	simm.s32 $0x1  }
0x2: {  	[smem:$0x3F9F] =	sst lr;
	_ =	strace $0xD0000000  }
0x3: {  	_ = 	snop  }
0x4: {  	_ = 	snop  }
0x5: {  	_ = 	snop  }
0x6: {  	_ = 	snop  }
0x7: {  	_ = 	snop  }
__scs_overlays_trampoline_lowered:
0x8: {  	[smem:$0x3FAE] =	sst s0  }
0x9: {  	[smem:$0x3FAF] =	sst s1  }
0xa: {  	[smem:$0x3FB0] =	sst s2  }
0xb: {  	[smem:$0x3FB1] =	sst s3  }
0xc: {  	[smem:$0x3FB2] =	sst s4  }
0xd: {  	[smem:$0x3FB3] =	sst s5  }
0xe: {  	[smem:$0x3FB4] =	sst s6  }
0xf: {  	[smem:$0x3FB5] =	sst s7  }
0x10: {  	[smem:$0x3FB6] =	sst s8  }
0x11: {  	[smem:$0x3FB7] =	sst s9;
	s0 =	simm.s32 @!p0 $0x0  }
0x12: {  	s1 =	sld [smem:$0x3F9D];
	s0 =	simm.s32 @p0 $0x1  }
0x13: {  	[smem:$0x3FB8] =	sst s0;
	s0 =	simm.s32 @!p1 $0x0  }
0x14: {  	s2 =	sld [smem:$0x3F9C];
	s0 =	simm.s32 @p1 $0x1  }
0x15: {  	[smem:$0x3FB9] =	sst s0;
	s0 =	simm.s32 @!p2 $0x0  }
0x16: {  	s3 =	sld [smem:$0x3FDB];
	s0 =	simm.s32 @p2 $0x1  }
0x17: {  	s4 =	simm.s32 $0x1BF5;
	[smem:$0x3FBB] =	sst s0  }
0x18: {  	s0 =	sld [smem:$0x3F9E];
	_ =	swait.ge [sflag:s4], $0x0  }
0x19: {  	s7 =	sld [smem:$0x3F9F]  }
0x1a: {  	s8 =	sadd.s32 $0xFFFFE003, lr  }
0x1b: {  	s9 =	sadd.s32 $0xFFFFFEF7, lr;
	s5 =	simm.s32 $0xFFFFFFFF;
	p2 =	slt.u32 s8, $0xFFFFF086  }
0x1c: {  	p1 =	slt.u32 s9, $0xF7A;
	s5 =	simm.s32 @!p2 $0x0  }
0x1d: {  	s5 =	simm.s32 @p1 $0x1;
	p0 =	seq.s32 s7, s2  }
0x1e: {  	s7 =	smul.u32 @!p0 $0xF7A, s2;
	p2 =	seq.s32 @!p0 s5, $0x0  }
0x1f: {  	s9 =	smul.u32 $0xF7A, s1;
	s8 =	simm.s32 @!p0 $0x1BF5;
	p2 =	por !p2, p0  }
0x20: {  	[sflag:s8] =	ssyncset.s32 @!p0 $0xFFFFF086;
	s6 =	sadd.s32 @!p0 s3, s7;
	s7 =	simm.s32 @!p0 $0x108  }
0x21: {  	s3 =	sadd.s32 s3, s9;
	s6 =	sadd.s32 @!p0 $0x88, s6;
	s7 =	simm.s32 @p2 $0x1082  }
0x22: {  	[simem:s7], [sflag:s8] =	dma.local @!p0 [hbm:s6], $0xF7A  }
0x23: {  	s9 =	sor.u32 $0xD0000000, s2;
	s6 =	simm.s32 $0x108;
	_ =	swait.ge @!p0 [sflag:s8], $0x0  }
0x24: {  	s3 =	sadd.s32 $0x88, s3;
	s6 =	simm.s32 @!p1 $0x1082;
	[sflag:s4] =	ssyncset.s32 $0xFFFFF086  }
0x25: {  	[simem:s6], [sflag:s4] =	dma.local [hbm:s3], $0xF7A  }
0x26: {  	[smem:$0x3F9F] =	sst s1;
	(tag) =	ssettag s2;
	_ =	strace s9  }
0x27: {  	s1 =	sld [smem:$0x3FAF]  }
0x28: {  	s2 =	sld [smem:$0x3FB0]  }
0x29: {  	s4 =	sld [smem:$0x3FB2]  }
0x2a: {  	p0 =	seq.s32 s5, $0x0;
	s5 =	sld [smem:$0x3FB3]  }
0x2b: {  	s6 =	sld [smem:$0x3FB4]  }
0x2c: {  	s7 =	sld [smem:$0x3FB5]  }
0x2d: {  	s3 =	simm.s32 $0x108;
	s8 =	sld [smem:$0x3FB6]  }
0x2e: {  	s3 =	simm.s32 @!p0 $0x1082;
	s9 =	sld [smem:$0x3FB7]  }
0x2f: {  	lr =	sadd.s32 s0, s3;
	s0 =	sld [smem:$0x3FAE]  }
0x30: {  	s3 =	sld [smem:$0x3FB1]  }
0x31: {  	[smem:$0x3FBA] =	sst s10  }
0x32: {  	s10 =	sld [smem:$0x3FB8];
	_ =	sdelay $0x3  }
0x33: {  	p0 =	seq.s32 s10, $0x1;
	s10 =	sld [smem:$0x3FBA];
	_ =	sdelay $0x3  }
0x34: {  	[smem:$0x3FBA] =	sst s10  }
0x35: {  	s10 =	sld [smem:$0x3FB9];
	_ =	sdelay $0x3  }
0x36: {  	p1 =	seq.s32 s10, $0x1;
	s10 =	sld [smem:$0x3FBA];
	_ =	sdelay $0x3  }
0x37: {  	[smem:$0x3FBA] =	sst s10  }
0x38: {  	s10 =	sld [smem:$0x3FBB]  }
0x39: {  	_ = 	snop;
	(pc) =	sbr.ind lr, $3  }
0x3a: {  	_ = 	snop  }
0x3b: {  	_ = 	snop  }
0x3c: {  	p2 =	seq.s32 s10, $0x1;
	s10 =	sld [smem:$0x3FBA]  }
0x3d: {  	_ =	shalt  }
0x3e: {  	_ =	shalt  }
0x3f: {  	_ =	shalt  }
0x40: {  	_ =	shalt  }
0x41: {  	_ =	shalt  }
0x42: {  	_ =	shalt  }
0x43: {  	_ =	shalt  }
0x44: {  	_ =	shalt  }
0x45: {  	_ =	shalt  }
0x46: {  	_ =	shalt  }
0x47: {  	_ =	shalt  }
0x48: {  	_ =	shalt  }
0x49: {  	_ =	shalt  }
0x4a: {  	_ =	shalt  }
0x4b: {  	_ =	shalt  }
0x4c: {  	_ =	shalt  }
0x4d: {  	_ =	shalt  }
0x4e: {  	_ =	shalt  }
0x4f: {  	_ =	shalt  }
0x50: {  	_ =	shalt  }
0x51: {  	_ =	shalt  }
0x52: {  	_ =	shalt  }
0x53: {  	_ =	shalt  }
0x54: {  	_ =	shalt  }
0x55: {  	_ =	shalt  }
0x56: {  	_ =	shalt  }
0x57: {  	_ =	shalt  }
0x58: {  	_ =	shalt  }
0x59: {  	_ =	shalt  }
0x5a: {  	_ =	shalt  }
0x5b: {  	_ =	shalt  }
0x5c: {  	_ =	shalt  }
0x5d: {  	_ =	shalt  }
0x5e: {  	_ =	shalt  }
0x5f: {  	_ =	shalt  }
0x60: {  	_ =	shalt  }
0x61: {  	_ =	shalt  }
0x62: {  	_ =	shalt  }
0x63: {  	_ =	shalt  }
0x64: {  	_ =	shalt  }
0x65: {  	_ =	shalt  }
0x66: {  	_ =	shalt  }
0x67: {  	_ =	shalt  }
0x68: {  	_ =	shalt  }
0x69: {  	_ =	shalt  }
0x6a: {  	_ =	shalt  }
0x6b: {  	_ =	shalt  }
0x6c: {  	_ =	shalt  }
0x6d: {  	_ =	shalt  }
0x6e: {  	_ =	shalt  }
0x6f: {  	_ =	shalt  }
0x70: {  	_ =	shalt  }
0x71: {  	_ =	shalt  }
0x72: {  	_ =	shalt  }
0x73: {  	_ =	shalt  }
0x74: {  	_ =	shalt  }
0x75: {  	_ =	shalt  }
0x76: {  	_ =	shalt  }
0x77: {  	_ =	shalt  }
0x78: {  	_ =	shalt  }
0x79: {  	_ =	shalt  }
0x7a: {  	_ =	shalt  }
0x7b: {  	_ =	shalt  }
0x7c: {  	_ =	shalt  }
0x7d: {  	_ =	shalt  }
0x7e: {  	_ =	shalt  }
0x7f: {  	_ =	shalt  }
0x80: {  	_ =	shalt  }
0x81: {  	_ =	shalt  }
0x82: {  	_ =	shalt  }
0x83: {  	_ =	shalt  }
0x84: {  	_ =	shalt  }
0x85: {  	_ =	shalt  }
0x86: {  	_ =	shalt  }
0x87: {  	_ =	shalt  }
.Lfunc_end0:
.L_simem_size_0:
called_computation_lowered:
.L_overlay_start_0:
0x88: {  	s2 =	sld [smem:$0x3FD9]  }
0x89: {  	s3 =	sld [smem:$0x3FFE];
	_ =	sdelay $0x1  }
0x8a: {  	s1 =	srdreg.scid  }
0x8b: {  	s0 =	sand.u32 $0x1, s1  }
0x8c: {  	s17 =	sshll.u32 s0, $0xA;
	s2 =	sadd.s32 s3, s2  }
0x8d: {  	s2 =	sadd.s32 s2, s17  }
0x8e: {  	[smem:$0x3FC6] =	sst s2  }
0x8f: {  	_ = 	snop  }
0x90: {  	s2 =	sld [smem:$0x3FD0];
	(tm) =	ssettm $0x1  }
0x91: {  	s18 =	sld [smem:$0x3FFB];
	_ =	sdelay $0x3  }
0x92: {  	_ =	strace s18  }
0x93: {  	s3 =	sld [smem:$0x3FFC];
	_ =	sdelay $0x3  }
0x94: {  	_ =	strace s3  }
0x95: {  	s3 =	sld [smem:$0x3FFD];
	_ =	sdelay $0x3  }
0x96: {  	_ =	strace s3  }
0x97: {  	_ =	strace $0x8FFFFFFF  }
0x98: {  	s19 =	sld [smem:$0x3FDB];
	_ =	sdelay $0x1  }
0x99: {  	s4 =	simm.s32 $_scs_section_size  }
0x9a: {  	s5 =	simm.s32 $_size__tile_overlayer_lowered;
	s6 =	simm.s32 $_tile_overlayer_lowered  }
0x9b: {  	s22 =	simm.s32 $0x1BFF;
	s21 =	sshll.u32 s6, $0x1;
	s3 =	sadd.s32 s4, s19  }
0x9c: {  	s7 =	simm.s32 $0x0;
	s20 =	sshll.u32 s5, $0x1;
	s5 =	sadd.s32 s21, s3  }
0x9d: {  	[timem:s7], [sflag:s22] =	dma.local [hbm:s5], s20  }
0x9e: {  	_ =	swait.ge [sflag:s22], s20  }
0x9f: {  	s4 =	ssub.s32 $0x0, s20;
	[sflag:s22] =	ssyncset.done $0x0  }
0xa0: {  	[sflag:s22] =	ssyncadd.s32 s4;
	_ =	sdelay $0x1  }
0xa1: {  	s23 =	simm.s32 $0x1B8B  }
0xa2: {  	_ =	swait.ge [sflag:s23], $0x1  }
0xa3: {  	[sflag:s23] =	ssyncset.done $0x0  }
0xa4: {  	s25 =	simm.s32 $0x1B8E;
	s24 =	sld [smem:$0x3FFE];
	[sflag:s23] =	ssyncadd.s32 $0xFFFFFFFF  }
0xa5: {  	s26 =	simm.s32 $execute0_lowered;
	[smem:$0x3FD2] =	sst s25  }
0xa6: {  	s5 =	sshll.u32 s26, $0x1;
	_ =	strace $0x80000046;
	[dreg:$0x1] =	wrdreg $0xFFFFFFFF  }
0xa7: {  	s28 =	simm.s32 $_size_execute0_lowered;
	s3 =	sadd.s32 s3, s5;
	[dreg:$0x0] =	wrdreg $0x0  }
0xa8: {  	s5 =	sshll.u32 s28, $0x1;
	[dreg:$0x2] =	wrdreg s3  }
0xa9: {  	[dreg:$0x3] =	wrdreg s5  }
0xaa: {  	[dreg:$0x4] =	wrdreg $0xC0  }
0xab: {  	_ =	task [dreg:s7], $0x5FFFF  }
0xac: {  	[dreg:$0x1] =	wrdreg $0xFFFFFFFF  }
0xad: {  	[dreg:$0x0] =	wrdreg $0x60  }
0xae: {  	[dreg:$0x2] =	wrdreg s24  }
0xaf: {  	[dreg:$0x3] =	wrdreg s2  }
0xb0: {  	[dreg:$0x4] =	wrdreg $0x9  }
0xb1: {  	_ =	task.clear_ibuf [dreg:s7], $0x5FFFF;
	_ =	strace $0x90000046  }
0xb2: {  	s29 =	simm.s32 $0x9;
	_ =	strace $0x80000048  }
0xb3: {  	_ =	swait.ge [sflag:s29], $0x1  }
0xb4: {  	[sflag:s29] =	ssyncadd.s32 $0xFFFFFFFF  }
0xb5: {  	_ =	strace $0x90000048  }
0xb6: {  	_ =	sfence  }
0xb7: {  	s30 =	sld [smem:$0x0];
	_ =	sdelay $0x2  }
0xb8: {  	s31 =	sshll.u32 s1, $0xD;
	s1 =	sshrl.u32 s1, $0x2  }
0xb9: {  	s3 =	sand.u32 $0x4000, s31;
	s1 =	sadd.s32 s1, s30  }
0xba: {  	s0 =	sor.u32 s3, s0;
	s1 =	sshll.u32 s1, $0x11  }
0xbb: {  	s0 =	sor.u32 s1, s0  }
0xbc: {  	s0 =	sadd.s32 $0x8F2B, s0  }
0xbd: {  	[sflag:s0] =	ssyncadd.remote.s32 $0x1  }
0xbe: {  	_ =	sfence.sel $0xFFFF  }
0xbf: {  	[dreg:$0x0] =	wrdreg $0xFFFFFFFF;
	(pc) =	sbr.abs _section_cstart, $3  }
0xc0: {  	[dreg:$0x1] =	wrdreg $0xFFFFFFFF  }
0xc1: {  	_ =	task.clear_ibuf [dreg:s7], $0x2FFFF;
	_ =	strace $0x9FFFFFFF  }
0xc2: {  	(tm) =	ssettm $0x7FFFFFFF  }
0xc3: {  	_ =	shalt  }
tec
execute0_lowered:
.L_overlay_start_1:
0x0: {  	(tag) =	ssettag $0x1  }
0x1: {  	s0 =	srdreg.scid  }
0x2: {  	s1 =	rddreg [dreg:$0x0];
	s3 =	stileid.u32  }
0x3: {  	s2 =	rddreg [dreg:$0x1];
	s28 =	simm.s32 $0x5;
	s29 =	simm.s32 $0xA500  }
0x4: {  	s30 =	simm.s32 $0x2;
	s31 =	simm.s32 $0x6;
	s0 =	sand.u32 $0x1, s0  }
0x5: {  	s4 =	sshll.u32 s3, $0x6;
	s3 =	simm.s32 $0x0;
	s5 =	sshll.u32 s0, $0x5  }
0x6: {  	[smem:$0x7FF] =	sst s3;
	s0 =	ssub.s32 $0x2, s0;
	s4 =	sor.u32 s5, s4  }
0x7: {  	_ =	strace $0x80000047;
	s19 =	sshrl.u32 s0, $0x1;
	s6 =	smul.u32 $0x10400, s4  }
0x8: {  	s5 =	sadd.s32 $0x600, s1;
	s1 =	sadd.s32 $0x400, s1;
	s0 =	ssub.s32 s0, s19  }
0x9: {  	[dreg:$0x3] =	wrdreg s1;
	s0 =	smax.u32 s0, $0x1;
	s6 =	sshrl.u32 s6, $0x3  }
0xa: {  	s18 =	simm.s32 $0x7;
	[dreg:$0xc] =	wrdreg s0;
	s6 =	sadd.s32 s5, s6  }
0xb: {  	s8 =	simm.s32 $0xB;
	s20 =	sadd.s32 $0x820000, s6;
	[dreg:$0x4] =	wrdreg s6  }
0xc: {  	s9 =	simm.s32 $0xC;
	s21 =	sadd.s32 $0x280, s6;
	[dreg:$0x5] =	wrdreg s20  }
0xd: {  	s10 =	simm.s32 $0x0;
	s22 =	sadd.s32 $0x820280, s6;
	[dreg:$0x6] =	wrdreg s21  }
0xe: {  	s15 =	sor.u32 $0x1F, s4;
	s23 =	sadd.s32 $0x500, s6;
	[dreg:$0x7] =	wrdreg s22  }
0xf: {  	s1 =	simm.s32 $0xB900;
	s24 =	sadd.s32 $0x820500, s6;
	[dreg:$0x8] =	wrdreg s23  }
.Ltmp0:
0x10: {  	s25 =	sadd.s32 $0x780, s6;
	[dreg:$0x9] =	wrdreg s24;
	(pc) =	sbr.rel .LBB2_1-.Ltmp0, $4  }
0x11: {  	s19 =	simm.s32 $0xCD00;
	s26 =	sadd.s32 $0x820780, s6;
	[dreg:$0xa] =	wrdreg s25  }
0x12: {  	s0 =	simm.s32 $0x3;
	s6 =	simm.s32 $0xA;
	[dreg:$0xb] =	wrdreg s26  }
0x13: {  	s24 =	simm.s32 $0x4100;
	s25 =	simm.s32 $0x9100;
	s26 =	simm.s32 $0x1  }
0x14: {  	s20 =	simm.s32 $0x4;
	s21 =	simm.s32 $0x8;
	s22 =	simm.s32 $0xE100  }
.LBB2_34:
0x15: {  	s7 =	simm.s32 $0x9  }
0x16: {  	_ =	swait.ge [sflag:s7], $0x1400  }
0x17: {  	[sflag:s7] =	ssyncset.done $0x0  }
0x18: {  	[sflag:s7] =	ssyncadd.s32 $0xFFFFEC00  }
0x19: {  	_ =	swait.ge [sflag:s6], $0x1400  }
0x1a: {  	[sflag:s6] =	ssyncset.done $0x0  }
0x1b: {  	[sflag:s6] =	ssyncadd.s32 $0xFFFFEC00  }
0x1c: {  	_ =	swait.ge [sflag:s8], $0x1400  }
0x1d: {  	[sflag:s8] =	ssyncset.done $0x0  }
0x1e: {  	[sflag:s8] =	ssyncadd.s32 $0xFFFFEC00  }
0x1f: {  	_ =	swait.ge [sflag:s9], $0x1400  }
0x20: {  	s10 =	sadd.s32 $0x1, s10;
	s23 =	rddreg [dreg:$0xc]  }
0x21: {  	p0 =	sne.s32 s10, s23  }
.Ltmp1:
0x22: {  	_ = 	snop;
	(pc) =	sbr.rel @!p0 .LBB2_35-.Ltmp1, $3  }
0x23: {  	_ =	sdelay $0x1  }
0x24: {  	[sflag:s9] =	ssyncset.done $0x0  }
0x25: {  	[sflag:s9] =	ssyncadd.s32 $0xFFFFEC00  }
.LBB2_1:
0x26: {  	s7 =	rddreg [dreg:$0x3];
	s23 =	simm.s32 $0xD  }
0x27: {  	[tilespmem:s3], [sflag:$0xD] =	stream.linear.gather [hbm4b:s7+s3], $0x500, $0x38;
	[tilespmem:$0xF500] =	vst v63  }
0x28: {  	_ =	swait.ge [sflag:s23], $0x500  }
0x29: {  	[sflag:s23] =	ssyncset.done $0x0  }
0x2a: {  	s11 =	simm.s32 $0x0;
	[sflag:s23] =	ssyncadd.s32 $0xFFFFFB00  }
0x2b: {  	v0 =	vld [tilespmem:s11+$0x0];
	_ =	sdelay $0x3  }
0x2c: {  	s7 =	simm.s32 $0xA570  }
0x2d: {  	[tilespmem:s7+$0xFFFFFFD0] =	vst v0  }
0x2e: {  	v0 =	vld [tilespmem:s11+$0x10];
	_ =	sdelay $0x4  }
0x2f: {  	[tilespmem:s7+$0xFFFFFFE0] =	vst v0  }
0x30: {  	v0 =	vld [tilespmem:s11+$0x20];
	_ =	sdelay $0x4  }
0x31: {  	[tilespmem:s7+$0xFFFFFFF0] =	vst v0  }
0x32: {  	v0 =	vld [tilespmem:s11+$0x30];
	_ =	sdelay $0x4  }
0x33: {  	s12 =	simm.s32 $0x200;
	s11 =	simm.s32 $0x40;
	[tilespmem:s7+$0x0] =	vst v0  }
.LBB2_2:
0x34: {  	p0 =	sne.s32 s12, $0x1300;
	v0 =	vld [tilespmem:s11+$0x0];
	_ =	sdelay $0x3  }
0x35: {  	s7 =	sadd.s32 $0x80, s7  }
0x36: {  	[tilespmem:s7+$0xFFFFFFD0] =	vst v0  }
0x37: {  	v0 =	vld [tilespmem:s11+$0x10];
	_ =	sdelay $0x4  }
0x38: {  	[tilespmem:s7+$0xFFFFFFE0] =	vst v0  }
0x39: {  	v0 =	vld [tilespmem:s11+$0x20];
	_ =	sdelay $0x4  }
0x3a: {  	[tilespmem:s7+$0xFFFFFFF0] =	vst v0  }
0x3b: {  	v0 =	vld [tilespmem:s11+$0x30]  }
.Ltmp2:
0x3c: {  	(pc) =	sbr.rel @p0 .LBB2_2-.Ltmp2, $2  }
0x3d: {  	_ =	sdelay $0x2  }
0x3e: {  	s11 =	sshra.s32 s12, $0x2;
	s12 =	sadd.s32 $0x100, s12;
	[tilespmem:s7+$0x0] =	vst v0  }
0x3f: {  	v0 =	vld [tilespmem:s11+$0x0];
	_ =	sdelay $0x3  }
0x40: {  	s7 =	sadd.s32 $0x80, s7  }
0x41: {  	[tilespmem:s7+$0xFFFFFFD0] =	vst v0  }
0x42: {  	v0 =	vld [tilespmem:s11+$0x10];
	_ =	sdelay $0x4  }
0x43: {  	[tilespmem:s7+$0xFFFFFFE0] =	vst v0  }
0x44: {  	v0 =	vld [tilespmem:s11+$0x20];
	_ =	sdelay $0x4  }
0x45: {  	[tilespmem:s7+$0xFFFFFFF0] =	vst v0  }
0x46: {  	v0 =	vld [tilespmem:s11+$0x30];
	_ =	sdelay $0x4  }
0x47: {  	[tilespmem:s7+$0x0] =	vst v0;
	s7 =	simm.s32 $0xFFFFF600  }
0x48: {  	v0 =	vld [tilespmem:s7+$0xAF70]  }
0x49: {  	v1 =	vld [tilespmem:s7+$0xAF40]  }
0x4a: {  	v2 =	vld [tilespmem:s7+$0xAF50]  }
0x4b: {  	s11 =	simm.s32 $0xFFFFDA00;
	v3 =	vld [tilespmem:s7+$0xAF60]  }
.LBB2_4:
0x4c: {  	p0 =	sne.s32 s11, $0xFFFFFE00  }
.Ltmp3:
0x4d: {  	s12 =	sshra.s32 s11, $0x2;
	s11 =	sadd.s32 $0x200, s11;
	[tilespmem:s7+$0xB970] =	vst v0;
	(pc) =	sbr.rel @p0 .LBB2_4-.Ltmp3, $4  }
0x4e: {  	v0 =	vld [tilespmem:s12+$0xAF70];
	[tilespmem:s7+$0xB940] =	vst v1  }
0x4f: {  	v1 =	vld [tilespmem:s12+$0xAF40];
	[tilespmem:s7+$0xB950] =	vst v2  }
0x50: {  	v2 =	vld [tilespmem:s12+$0xAF50];
	[tilespmem:s7+$0xB960] =	vst v3;
	s7 =	smov.u32 s12  }
0x51: {  	v3 =	vld [tilespmem:s7+$0xAF60]  }
0x52: {  	_ = 	snop  }
0x53: {  	[tilespmem:s7+$0xB970] =	vst v0  }
0x54: {  	[tilespmem:s7+$0xB940] =	vst v1  }
0x55: {  	[tilespmem:s7+$0xB950] =	vst v2  }
0x56: {  	s11 =	simm.s32 $0x0;
	[tilespmem:s7+$0xB960] =	vst v3  }
0x57: {  	v0 =	vld [tilespmem:s11+$0x0];
	_ =	sdelay $0x3  }
0x58: {  	s7 =	simm.s32 $0xB970  }
0x59: {  	[tilespmem:s7+$0xFFFFFFD0] =	vst v0  }
0x5a: {  	v0 =	vld [tilespmem:s11+$0x10];
	_ =	sdelay $0x4  }
0x5b: {  	[tilespmem:s7+$0xFFFFFFE0] =	vst v0  }
0x5c: {  	v0 =	vld [tilespmem:s11+$0x20];
	_ =	sdelay $0x4  }
0x5d: {  	[tilespmem:s7+$0xFFFFFFF0] =	vst v0  }
0x5e: {  	v0 =	vld [tilespmem:s11+$0x30];
	_ =	sdelay $0x4  }
0x5f: {  	s12 =	simm.s32 $0x200;
	s11 =	simm.s32 $0x40;
	[tilespmem:s7+$0x0] =	vst v0  }
.LBB2_6:
0x60: {  	p0 =	sne.s32 s12, $0x1300;
	v0 =	vld [tilespmem:s11+$0x0];
	_ =	sdelay $0x3  }
0x61: {  	s7 =	sadd.s32 $0x80, s7  }
0x62: {  	[tilespmem:s7+$0xFFFFFFD0] =	vst v0  }
0x63: {  	v0 =	vld [tilespmem:s11+$0x10];
	_ =	sdelay $0x4  }
0x64: {  	[tilespmem:s7+$0xFFFFFFE0] =	vst v0  }
0x65: {  	v0 =	vld [tilespmem:s11+$0x20];
	_ =	sdelay $0x4  }
0x66: {  	[tilespmem:s7+$0xFFFFFFF0] =	vst v0  }
0x67: {  	v0 =	vld [tilespmem:s11+$0x30]  }
.Ltmp4:
0x68: {  	(pc) =	sbr.rel @p0 .LBB2_6-.Ltmp4, $2  }
0x69: {  	_ =	sdelay $0x2  }
0x6a: {  	s11 =	sshra.s32 s12, $0x2;
	s12 =	sadd.s32 $0x100, s12;
	[tilespmem:s7+$0x0] =	vst v0  }
0x6b: {  	v0 =	vld [tilespmem:s11+$0x0];
	_ =	sdelay $0x3  }
0x6c: {  	s7 =	sadd.s32 $0x80, s7  }
0x6d: {  	[tilespmem:s7+$0xFFFFFFD0] =	vst v0  }
0x6e: {  	v0 =	vld [tilespmem:s11+$0x10];
	_ =	sdelay $0x4  }
0x6f: {  	[tilespmem:s7+$0xFFFFFFE0] =	vst v0  }
0x70: {  	v0 =	vld [tilespmem:s11+$0x20];
	_ =	sdelay $0x4  }
0x71: {  	[tilespmem:s7+$0xFFFFFFF0] =	vst v0  }
0x72: {  	v0 =	vld [tilespmem:s11+$0x30];
	_ =	sdelay $0x4  }
0x73: {  	[tilespmem:s7+$0x0] =	vst v0;
	s7 =	simm.s32 $0xFFFFF600  }
0x74: {  	v0 =	vld [tilespmem:s7+$0xC370]  }
0x75: {  	v1 =	vld [tilespmem:s7+$0xC340]  }
0x76: {  	v2 =	vld [tilespmem:s7+$0xC350]  }
0x77: {  	s11 =	simm.s32 $0xFFFFDA00;
	v3 =	vld [tilespmem:s7+$0xC360]  }
.LBB2_8:
0x78: {  	p0 =	sne.s32 s11, $0xFFFFFE00  }
.Ltmp5:
0x79: {  	s12 =	sshra.s32 s11, $0x2;
	s11 =	sadd.s32 $0x200, s11;
	[tilespmem:s7+$0xCD70] =	vst v0;
	(pc) =	sbr.rel @p0 .LBB2_8-.Ltmp5, $4  }
0x7a: {  	v0 =	vld [tilespmem:s12+$0xC370];
	[tilespmem:s7+$0xCD40] =	vst v1  }
0x7b: {  	v1 =	vld [tilespmem:s12+$0xC340];
	[tilespmem:s7+$0xCD50] =	vst v2  }
0x7c: {  	v2 =	vld [tilespmem:s12+$0xC350];
	[tilespmem:s7+$0xCD60] =	vst v3;
	s7 =	smov.u32 s12  }
0x7d: {  	v3 =	vld [tilespmem:s7+$0xC360]  }
0x7e: {  	_ = 	snop  }
0x7f: {  	[tilespmem:s7+$0xCD70] =	vst v0  }
0x80: {  	[tilespmem:s7+$0xCD40] =	vst v1  }
0x81: {  	[tilespmem:s7+$0xCD50] =	vst v2  }
0x82: {  	s11 =	simm.s32 $0x0;
	[tilespmem:s7+$0xCD60] =	vst v3  }
0x83: {  	v0 =	vld [tilespmem:s11+$0x0];
	_ =	sdelay $0x3  }
0x84: {  	s7 =	simm.s32 $0xCD70  }
0x85: {  	[tilespmem:s7+$0xFFFFFFD0] =	vst v0  }
0x86: {  	v0 =	vld [tilespmem:s11+$0x10];
	_ =	sdelay $0x4  }
0x87: {  	[tilespmem:s7+$0xFFFFFFE0] =	vst v0  }
0x88: {  	v0 =	vld [tilespmem:s11+$0x20];
	_ =	sdelay $0x4  }
0x89: {  	[tilespmem:s7+$0xFFFFFFF0] =	vst v0  }
0x8a: {  	v0 =	vld [tilespmem:s11+$0x30];
	_ =	sdelay $0x4  }
0x8b: {  	s12 =	simm.s32 $0x200;
	s11 =	simm.s32 $0x40;
	[tilespmem:s7+$0x0] =	vst v0  }
.LBB2_10:
0x8c: {  	p0 =	sne.s32 s12, $0x1300;
	v0 =	vld [tilespmem:s11+$0x0];
	_ =	sdelay $0x3  }
0x8d: {  	s7 =	sadd.s32 $0x80, s7  }
0x8e: {  	[tilespmem:s7+$0xFFFFFFD0] =	vst v0  }
0x8f: {  	v0 =	vld [tilespmem:s11+$0x10];
	_ =	sdelay $0x4  }
0x90: {  	[tilespmem:s7+$0xFFFFFFE0] =	vst v0  }
0x91: {  	v0 =	vld [tilespmem:s11+$0x20];
	_ =	sdelay $0x4  }
0x92: {  	[tilespmem:s7+$0xFFFFFFF0] =	vst v0  }
0x93: {  	v0 =	vld [tilespmem:s11+$0x30]  }
.Ltmp6:
0x94: {  	(pc) =	sbr.rel @p0 .LBB2_10-.Ltmp6, $2  }
0x95: {  	_ =	sdelay $0x2  }
0x96: {  	s11 =	sshra.s32 s12, $0x2;
	s12 =	sadd.s32 $0x100, s12;
	[tilespmem:s7+$0x0] =	vst v0  }
0x97: {  	v0 =	vld [tilespmem:s11+$0x0];
	_ =	sdelay $0x3  }
0x98: {  	s7 =	sadd.s32 $0x80, s7  }
0x99: {  	[tilespmem:s7+$0xFFFFFFD0] =	vst v0  }
0x9a: {  	v0 =	vld [tilespmem:s11+$0x10];
	_ =	sdelay $0x4  }
0x9b: {  	[tilespmem:s7+$0xFFFFFFE0] =	vst v0  }
0x9c: {  	v0 =	vld [tilespmem:s11+$0x20];
	_ =	sdelay $0x4  }
0x9d: {  	[tilespmem:s7+$0xFFFFFFF0] =	vst v0  }
0x9e: {  	v0 =	vld [tilespmem:s11+$0x30];
	_ =	sdelay $0x4  }
0x9f: {  	[tilespmem:s7+$0x0] =	vst v0;
	s7 =	simm.s32 $0xFFFFF600  }
0xa0: {  	v0 =	vld [tilespmem:s7+$0xD770]  }
0xa1: {  	v1 =	vld [tilespmem:s7+$0xD740]  }
0xa2: {  	v2 =	vld [tilespmem:s7+$0xD750]  }
0xa3: {  	s11 =	simm.s32 $0xFFFFDA00;
	v3 =	vld [tilespmem:s7+$0xD760]  }
.LBB2_12:
0xa4: {  	p0 =	sne.s32 s11, $0xFFFFFE00  }
.Ltmp7:
0xa5: {  	s12 =	sshra.s32 s11, $0x2;
	s11 =	sadd.s32 $0x200, s11;
	[tilespmem:s7+$0xE170] =	vst v0;
	(pc) =	sbr.rel @p0 .LBB2_12-.Ltmp7, $4  }
0xa6: {  	v0 =	vld [tilespmem:s12+$0xD770];
	[tilespmem:s7+$0xE140] =	vst v1  }
0xa7: {  	v1 =	vld [tilespmem:s12+$0xD740];
	[tilespmem:s7+$0xE150] =	vst v2  }
0xa8: {  	v2 =	vld [tilespmem:s12+$0xD750];
	[tilespmem:s7+$0xE160] =	vst v3;
	s7 =	smov.u32 s12  }
0xa9: {  	v3 =	vld [tilespmem:s7+$0xD760]  }
0xaa: {  	_ = 	snop  }
0xab: {  	[tilespmem:s7+$0xE170] =	vst v0  }
0xac: {  	[tilespmem:s7+$0xE140] =	vst v1  }
0xad: {  	[tilespmem:s7+$0xE150] =	vst v2  }
0xae: {  	s11 =	simm.s32 $0x0;
	[tilespmem:s7+$0xE160] =	vst v3  }
0xaf: {  	v0 =	vld [tilespmem:s11+$0x0];
	_ =	sdelay $0x3  }
0xb0: {  	s7 =	simm.s32 $0xE170  }
0xb1: {  	[tilespmem:s7+$0xFFFFFFD0] =	vst v0  }
0xb2: {  	v0 =	vld [tilespmem:s11+$0x10];
	_ =	sdelay $0x4  }
0xb3: {  	[tilespmem:s7+$0xFFFFFFE0] =	vst v0  }
0xb4: {  	v0 =	vld [tilespmem:s11+$0x20];
	_ =	sdelay $0x4  }
0xb5: {  	[tilespmem:s7+$0xFFFFFFF0] =	vst v0  }
0xb6: {  	v0 =	vld [tilespmem:s11+$0x30];
	_ =	sdelay $0x4  }
0xb7: {  	s12 =	simm.s32 $0x200;
	s11 =	simm.s32 $0x40;
	[tilespmem:s7+$0x0] =	vst v0  }
.LBB2_14:
0xb8: {  	p0 =	sne.s32 s12, $0x1300;
	v0 =	vld [tilespmem:s11+$0x0];
	_ =	sdelay $0x3  }
0xb9: {  	s7 =	sadd.s32 $0x80, s7  }
0xba: {  	[tilespmem:s7+$0xFFFFFFD0] =	vst v0  }
0xbb: {  	v0 =	vld [tilespmem:s11+$0x10];
	_ =	sdelay $0x4  }
0xbc: {  	[tilespmem:s7+$0xFFFFFFE0] =	vst v0  }
0xbd: {  	v0 =	vld [tilespmem:s11+$0x20];
	_ =	sdelay $0x4  }
0xbe: {  	[tilespmem:s7+$0xFFFFFFF0] =	vst v0  }
0xbf: {  	v0 =	vld [tilespmem:s11+$0x30]  }
.Ltmp8:
0xc0: {  	(pc) =	sbr.rel @p0 .LBB2_14-.Ltmp8, $2  }
0xc1: {  	_ =	sdelay $0x2  }
0xc2: {  	s11 =	sshra.s32 s12, $0x2;
	s12 =	sadd.s32 $0x100, s12;
	[tilespmem:s7+$0x0] =	vst v0  }
0xc3: {  	v0 =	vld [tilespmem:s11+$0x0];
	_ =	sdelay $0x3  }
0xc4: {  	s7 =	sadd.s32 $0x80, s7  }
0xc5: {  	[tilespmem:s7+$0xFFFFFFD0] =	vst v0  }
0xc6: {  	v0 =	vld [tilespmem:s11+$0x10];
	_ =	sdelay $0x4  }
0xc7: {  	[tilespmem:s7+$0xFFFFFFE0] =	vst v0  }
0xc8: {  	v0 =	vld [tilespmem:s11+$0x20];
	_ =	sdelay $0x4  }
0xc9: {  	[tilespmem:s7+$0xFFFFFFF0] =	vst v0  }
0xca: {  	v0 =	vld [tilespmem:s11+$0x30];
	_ =	sdelay $0x4  }
0xcb: {  	[tilespmem:s7+$0x0] =	vst v0;
	s7 =	simm.s32 $0xFFFFF600  }
0xcc: {  	v0 =	vld [tilespmem:s7+$0xEB70]  }
0xcd: {  	v1 =	vld [tilespmem:s7+$0xEB40]  }
0xce: {  	v2 =	vld [tilespmem:s7+$0xEB50]  }
0xcf: {  	s11 =	simm.s32 $0xFFFFDA00;
	v3 =	vld [tilespmem:s7+$0xEB60]  }
.LBB2_16:
0xd0: {  	p0 =	sne.s32 s11, $0xFFFFFE00  }
.Ltmp9:
0xd1: {  	s12 =	sshra.s32 s11, $0x2;
	s11 =	sadd.s32 $0x200, s11;
	[tilespmem:s7+$0xF570] =	vst v0;
	(pc) =	sbr.rel @p0 .LBB2_16-.Ltmp9, $4  }
0xd2: {  	v0 =	vld [tilespmem:s12+$0xEB70];
	[tilespmem:s7+$0xF540] =	vst v1  }
0xd3: {  	v1 =	vld [tilespmem:s12+$0xEB40];
	[tilespmem:s7+$0xF550] =	vst v2  }
0xd4: {  	v2 =	vld [tilespmem:s12+$0xEB50];
	[tilespmem:s7+$0xF560] =	vst v3;
	s7 =	smov.u32 s12  }
0xd5: {  	v3 =	vld [tilespmem:s7+$0xEB60]  }
0xd6: {  	_ = 	snop  }
0xd7: {  	[tilespmem:s7+$0xF570] =	vst v0  }
0xd8: {  	[tilespmem:s7+$0xF540] =	vst v1  }
0xd9: {  	[tilespmem:s7+$0xF550] =	vst v2  }
0xda: {  	s11 =	simm.s32 $0x0;
	s23 =	rddreg [dreg:$0x4];
	s12 =	simm.s32 $0x500;
	[tilespmem:s7+$0xF560] =	vst v3  }
0xdb: {  	[tilespmem:s12], [sflag:$0x1] =	stream.linear.gather [hbm4b:s23+s11], $0x1400, $0x38;
	[tilespmem:$0xF500] =	vst v63  }
0xdc: {  	s13 =	simm.s32 $0x5500;
	s12 =	rddreg [dreg:$0x5]  }
0xdd: {  	[tilespmem:s13], [sflag:$0x5] =	stream.linear.gather [hbm4b:s12+s11], $0x1400, $0x38;
	[tilespmem:$0xF500] =	vst v63  }
0xde: {  	s14 =	rddreg [dreg:$0x6];
	s16 =	simm.s32 $0x1900  }
0xdf: {  	[tilespmem:s16], [sflag:$0x2] =	stream.linear.gather [hbm4b:s14+s11], $0x1400, $0x38;
	[tilespmem:$0xF500] =	vst v63  }
0xe0: {  	s17 =	rddreg [dreg:$0x7];
	s23 =	simm.s32 $0x6900  }
0xe1: {  	[tilespmem:s23], [sflag:$0x6] =	stream.linear.gather [hbm4b:s17+s11], $0x1400, $0x38;
	[tilespmem:$0xF500] =	vst v63  }
0xe2: {  	s12 =	rddreg [dreg:$0x8];
	s13 =	simm.s32 $0x2D00  }
0xe3: {  	[tilespmem:s13], [sflag:$0x3] =	stream.linear.gather [hbm4b:s12+s11], $0x1400, $0x38;
	[tilespmem:$0xF500] =	vst v63  }
0xe4: {  	s14 =	rddreg [dreg:$0x9];
	s16 =	simm.s32 $0x7D00  }
0xe5: {  	[tilespmem:s16], [sflag:$0x7] =	stream.linear.gather [hbm4b:s14+s11], $0x1400, $0x38;
	[tilespmem:$0xF500] =	vst v63  }
0xe6: {  	s17 =	rddreg [dreg:$0xa]  }
0xe7: {  	[tilespmem:s24], [sflag:$0x4] =	stream.linear.gather [hbm4b:s17+s11], $0x1400, $0x38;
	[tilespmem:$0xF500] =	vst v63  }
0xe8: {  	s23 =	rddreg [dreg:$0xb]  }
0xe9: {  	[tilespmem:s25], [sflag:$0x8] =	stream.linear.gather [hbm4b:s23+s11], $0x1400, $0x38;
	[tilespmem:$0xF500] =	vst v63  }
.LBB2_18:
0xea: {  	p0 =	seq.s32 s11, $0x0  }
0xeb: {  	s7 =	simm.s32 @!p0 $0x9  }
0xec: {  	_ =	swait.ge @!p0 [sflag:s7], $0x1400  }
0xed: {  	[sflag:s7] =	ssyncset.done @!p0 $0x0  }
0xee: {  	[sflag:s7] =	ssyncadd.s32 @!p0 $0xFFFFEC00  }
0xef: {  	_ =	swait.ge [sflag:s26], $0x1400  }
0xf0: {  	[sflag:s26] =	ssyncset.done $0x0  }
0xf1: {  	[sflag:s26] =	ssyncadd.s32 $0xFFFFEC00  }
0xf2: {  	_ =	swait.ge [sflag:s28], $0x1400  }
0xf3: {  	[sflag:s28] =	ssyncset.done $0x0  }
0xf4: {  	s13 =	simm.s32 $0x0;
	[sflag:s28] =	ssyncadd.s32 $0xFFFFEC00  }
0xf5: {  	v0 =	vld [tilespmem:s13+$0x5B0]  }
0xf6: {  	v2 =	vld [tilespmem:s13+$0x55B0]  }
0xf7: {  	v4 =	vld [tilespmem:s13+$0x500]  }
0xf8: {  	v9 =	vld [tilespmem:s13+$0x510]  }
0xf9: {  	v10 =	vld [tilespmem:s13+$0x520]  }
0xfa: {  	v3 =	vld [tilespmem:s13+$0x530]  }
0xfb: {  	v1 =	vld [tilespmem:s13+$0x580]  }
0xfc: {  	v6 =	vld [tilespmem:s13+$0x5500]  }
0xfd: {  	v11 =	vld [tilespmem:s13+$0x5510]  }
0xfe: {  	v12 =	vld [tilespmem:s13+$0x5520]  }
0xff: {  	s23 =	smul.u32 $0x13B14, s11;
	v8 =	vld [tilespmem:s13+$0x5530]  }
0x100: {  	v7 =	vld [tilespmem:s13+$0x5580]  }
0x101: {  	s7 =	sshrl.u32 s23, $0x12;
	v5 =	vadd.f32 v2, v0;
	v2 =	vld [tilespmem:s13+$0x590]  }
0x102: {  	s14 =	smul.u32 $0x1FFFFF3, s7;
	v0 =	vld [tilespmem:s13+$0x5A0]  }
0x103: {  	s12 =	sshll.u32 s11, $0x2;
	v13 =	vadd.f32 v6, v4;
	[tilespmem:s13+$0xA5B0] =	vst v5;
	v5 =	vld [tilespmem:s13+$0x5590]  }
0x104: {  	s16 =	simm.s32 $0x100;
	s14 =	sadd.s32 s12, s14;
	v6 =	vld [tilespmem:s13+$0x55A0];
	v9 =	vadd.f32 v11, v9  }
0x105: {  	s17 =	simm.s32 $0x800;
	s7 =	sadd.s32 s7, s4;
	s14 =	smul.u32 $0x28, s14;
	v10 =	vadd.f32 v12, v10;
	v4 =	vld [tilespmem:s16+$0x5B0];
	[tilespmem:s13+$0xA500] =	vst v13  }
.LBB2_19:
0x106: {  	p0 =	sne.s32 s17, $0x4C00;
	v11 =	vld [tilespmem:s16+$0x55B0];
	v3 =	vadd.f32 v8, v3;
	[tilespmem:s13+$0xA510] =	vst v9  }
0x107: {  	v9 =	vld [tilespmem:s16+$0x500];
	v1 =	vadd.f32 v7, v1;
	[tilespmem:s13+$0xA520] =	vst v10  }
0x108: {  	v10 =	vld [tilespmem:s16+$0x510];
	v2 =	vadd.f32 v5, v2;
	[tilespmem:s13+$0xA530] =	vst v3  }
0x109: {  	v12 =	vld [tilespmem:s16+$0x520];
	v0 =	vadd.f32 v6, v0;
	[tilespmem:s13+$0xA580] =	vst v1  }
0x10a: {  	v3 =	vld [tilespmem:s16+$0x530];
	[tilespmem:s13+$0xA590] =	vst v2  }
0x10b: {  	v1 =	vld [tilespmem:s16+$0x580];
	v4 =	vadd.f32 v11, v4;
	[tilespmem:s13+$0xA5A0] =	vst v0;
	s13 =	smov.u32 s16  }
0x10c: {  	v2 =	vld [tilespmem:s13+$0x590]  }
0x10d: {  	v0 =	vld [tilespmem:s13+$0x5A0];
	[tilespmem:s13+$0xA5B0] =	vst v4  }
0x10e: {  	v4 =	vld [tilespmem:s13+$0x5500]  }
0x10f: {  	v11 =	vld [tilespmem:s13+$0x5510]  }
0x110: {  	v13 =	vld [tilespmem:s13+$0x5520]  }
.Ltmp10:
0x111: {  	v8 =	vld [tilespmem:s13+$0x5530];
	(pc) =	sbr.rel @p0 .LBB2_19-.Ltmp10, $4  }
0x112: {  	v7 =	vld [tilespmem:s13+$0x5580]  }
0x113: {  	v5 =	vld [tilespmem:s13+$0x5590];
	v14 =	vadd.f32 v4, v9  }
0x114: {  	s16 =	sshra.s32 s17, $0x2;
	v6 =	vld [tilespmem:s13+$0x55A0];
	v9 =	vadd.f32 v11, v10  }
0x115: {  	s17 =	sadd.s32 $0x400, s17;
	v4 =	vld [tilespmem:s16+$0x5B0];
	v10 =	vadd.f32 v13, v12;
	[tilespmem:s13+$0xA500] =	vst v14  }
0x116: {  	v11 =	vld [tilespmem:s16+$0x55B0];
	[tilespmem:s13+$0xA510] =	vst v9;
	v3 =	vadd.f32 v8, v3  }
0x117: {  	v9 =	vld [tilespmem:s16+$0x500];
	[tilespmem:s13+$0xA520] =	vst v10;
	v1 =	vadd.f32 v7, v1  }
0x118: {  	v51 =	vld [tilespmem:s16+$0x510];
	[tilespmem:s13+$0xA530] =	vst v3;
	v2 =	vadd.f32 v5, v2  }
0x119: {  	v3 =	vld [tilespmem:s16+$0x520];
	[tilespmem:s13+$0xA580] =	vst v1;
	v0 =	vadd.f32 v6, v0  }
0x11a: {  	v1 =	vld [tilespmem:s16+$0x530];
	[tilespmem:s13+$0xA590] =	vst v2  }
0x11b: {  	v2 =	vld [tilespmem:s16+$0x580];
	[tilespmem:s13+$0xA5A0] =	vst v0  }
0x11c: {  	v53 =	vld [tilespmem:s16+$0x590]  }
0x11d: {  	v54 =	vld [tilespmem:s16+$0x5A0]  }
0x11e: {  	v55 =	vld [tilespmem:s16+$0x5500]  }
0x11f: {  	v56 =	vld [tilespmem:s16+$0x5510]  }
0x120: {  	v57 =	vld [tilespmem:s16+$0x5520]  }
0x121: {  	v10 =	vld [tilespmem:s16+$0x5530]  }
0x122: {  	v52 =	vadd.f32 v11, v4;
	v58 =	vld [tilespmem:s16+$0x5580]  }
0x123: {  	p0 =	seq.s32 s11, $0x67;
	v12 =	vld [tilespmem:s16+$0x5590];
	v0 =	vadd.f32 v55, v9  }
0x124: {  	s13 =	sadd.s32 @!p0 $0x4, s12;
	v59 =	vld [tilespmem:s16+$0x55A0];
	[tilespmem:s16+$0xA5B0] =	vst v52;
	v6 =	vadd.f32 v56, v51  }
0x125: {  	s17 =	smulhi.u32 @!p0 $0x4EC4EC4F, s13;
	v3 =	vadd.f32 v57, v3;
	[tilespmem:s16+$0xA500] =	vst v0  }
0x126: {  	s7 =	smul.u32 $0x208, s7;
	v60 =	vadd.f32 v10, v1;
	[tilespmem:s16+$0xA510] =	vst v6  }
0x127: {  	s17 =	sshrl.u32 @!p0 s17, $0x2;
	v61 =	vadd.f32 v58, v2;
	[tilespmem:s16+$0xA520] =	vst v3  }
0x128: {  	s7 =	sadd.s32 s7, s14;
	s14 =	smul.u32 @!p0 $0xFFFFFFF3, s17;
	v62 =	vadd.f32 v12, v53;
	[tilespmem:s16+$0xA530] =	vst v60  }
0x129: {  	s7 =	sshll.u32 s7, $0x4;
	s17 =	sadd.s32 @!p0 s4, s17;
	v63 =	vadd.f32 v59, v54;
	[tilespmem:s16+$0xA580] =	vst v61  }
0x12a: {  	s7 =	sand.u32 $0x1FFFFF80, s7;
	s17 =	smul.u32 @!p0 $0x10400, s17;
	s13 =	sadd.s32 @!p0 s13, s14;
	[tilespmem:s16+$0xA590] =	vst v62  }
0x12b: {  	s7 =	sadd.s32 s2, s7;
	s13 =	smul.u32 @!p0 $0x1400, s13;
	[tilespmem:s16+$0xA5A0] =	vst v63  }
0x12c: {  	[hbm4b:s7+s3] =	stream.linear.scatter [tilespmem:s29], [sflag:$0x9], $0x1400, $0x38;
	[tilespmem:$0xF500] =	vst v63  }
0x12d: {  	s7 =	sadd.s32 @!p0 s17, s13  }
0x12e: {  	p1 =	seq.s32 @!p0 s11, $0x0;
	s14 =	simm.s32 @!p0 $0x0;
	s13 =	sshrl.u32 @!p0 s7, $0x3  }
0x12f: {  	s16 =	simm.s32 @!p0 $0x500;
	s7 =	sadd.s32 @!p0 $0x4100000, s7;
	s13 =	sadd.s32 @!p0 s5, s13  }
0x130: {  	[tilespmem:s16], [sflag:$0x1] =	stream.linear.gather @!p0 [hbm4b:s13+s14], $0x1400, $0x38;
	[tilespmem:$0xF500] =	vst v63  }
0x131: {  	p1 =	por p0, !p1;
	s7 =	sshrl.u32 @!p0 s7, $0x3;
	s13 =	sor.u32 @!p0 $0x1, s12  }
0x132: {  	s7 =	sadd.s32 @!p0 s5, s7;
	s16 =	simm.s32 @!p0 $0x5500;
	s17 =	smulhi.u32 @!p0 $0x4EC4EC4F, s13  }
0x133: {  	[tilespmem:s16], [sflag:$0x5] =	stream.linear.gather @!p0 [hbm4b:s7+s14], $0x1400, $0x38;
	[tilespmem:$0xF500] =	vst v63  }
.Ltmp11:
0x134: {  	s7 =	sshrl.u32 @!p0 s17, $0x2;
	(pc) =	sbr.rel @!p1 .LBB2_22-.Ltmp11, $3  }
0x135: {  	s14 =	smul.u32 @!p0 $0x1FFFFF3, s7;
	_ =	sdelay $0x1  }
0x136: {  	s13 =	sadd.s32 @!p0 s13, s14  }
0x137: {  	s14 =	sadd.s32 @!p0 s4, s7;
	s13 =	smul.u32 @!p0 $0x28, s13  }
0x138: {  	_ =	swait.ge [sflag:s6], $0x1400  }
0x139: {  	[sflag:s6] =	ssyncset.done $0x0  }
0x13a: {  	s14 =	smov.u32 @p0 s15;
	s13 =	simm.s32 @p0 $0xB0000190;
	[sflag:s6] =	ssyncadd.s32 $0xFFFFEC00  }
.LBB2_22:
0x13b: {  	_ =	swait.ge [sflag:s30], $0x1400  }
0x13c: {  	[sflag:s30] =	ssyncset.done $0x0  }
0x13d: {  	[sflag:s30] =	ssyncadd.s32 $0xFFFFEC00  }
0x13e: {  	_ =	swait.ge [sflag:s31], $0x1400  }
0x13f: {  	[sflag:s31] =	ssyncset.done $0x0  }
0x140: {  	s16 =	simm.s32 $0x0;
	[sflag:s31] =	ssyncadd.s32 $0xFFFFEC00  }
0x141: {  	v0 =	vld [tilespmem:s16+$0x19B0]  }
0x142: {  	v2 =	vld [tilespmem:s16+$0x69B0]  }
0x143: {  	v4 =	vld [tilespmem:s16+$0x1900]  }
0x144: {  	v9 =	vld [tilespmem:s16+$0x1910]  }
0x145: {  	v11 =	vld [tilespmem:s16+$0x1920]  }
0x146: {  	v3 =	vld [tilespmem:s16+$0x1930]  }
0x147: {  	v1 =	vld [tilespmem:s16+$0x1980]  }
0x148: {  	v6 =	vld [tilespmem:s16+$0x6900]  }
0x149: {  	v10 =	vld [tilespmem:s16+$0x6910]  }
0x14a: {  	v12 =	vld [tilespmem:s16+$0x6920]  }
0x14b: {  	v8 =	vld [tilespmem:s16+$0x6930]  }
0x14c: {  	v7 =	vld [tilespmem:s16+$0x6980]  }
0x14d: {  	v5 =	vadd.f32 v2, v0;
	v2 =	vld [tilespmem:s16+$0x1990]  }
0x14e: {  	v0 =	vld [tilespmem:s16+$0x19A0]  }
0x14f: {  	v13 =	vadd.f32 v6, v4;
	[tilespmem:s16+$0xB9B0] =	vst v5;
	v5 =	vld [tilespmem:s16+$0x6990]  }
0x150: {  	s7 =	simm.s32 $0x100;
	v6 =	vld [tilespmem:s16+$0x69A0];
	v10 =	vadd.f32 v10, v9  }
0x151: {  	s17 =	simm.s32 $0x800;
	v9 =	vadd.f32 v12, v11;
	v4 =	vld [tilespmem:s7+$0x19B0];
	[tilespmem:s16+$0xB900] =	vst v13  }
.LBB2_23:
0x152: {  	p2 =	sne.s32 s17, $0x4C00;
	v11 =	vld [tilespmem:s7+$0x69B0];
	v3 =	vadd.f32 v8, v3;
	[tilespmem:s16+$0xB910] =	vst v10  }
0x153: {  	v10 =	vld [tilespmem:s7+$0x1900];
	v1 =	vadd.f32 v7, v1;
	[tilespmem:s16+$0xB920] =	vst v9  }
0x154: {  	v9 =	vld [tilespmem:s7+$0x1910];
	v2 =	vadd.f32 v5, v2;
	[tilespmem:s16+$0xB930] =	vst v3  }
0x155: {  	v12 =	vld [tilespmem:s7+$0x1920];
	v0 =	vadd.f32 v6, v0;
	[tilespmem:s16+$0xB980] =	vst v1  }
0x156: {  	v3 =	vld [tilespmem:s7+$0x1930];
	[tilespmem:s16+$0xB990] =	vst v2  }
0x157: {  	v1 =	vld [tilespmem:s7+$0x1980];
	v4 =	vadd.f32 v11, v4;
	[tilespmem:s16+$0xB9A0] =	vst v0;
	s16 =	smov.u32 s7  }
0x158: {  	v2 =	vld [tilespmem:s16+$0x1990]  }
0x159: {  	v0 =	vld [tilespmem:s16+$0x19A0];
	[tilespmem:s16+$0xB9B0] =	vst v4  }
0x15a: {  	v4 =	vld [tilespmem:s16+$0x6900]  }
0x15b: {  	v11 =	vld [tilespmem:s16+$0x6910]  }
0x15c: {  	v13 =	vld [tilespmem:s16+$0x6920]  }
.Ltmp12:
0x15d: {  	v8 =	vld [tilespmem:s16+$0x6930];
	(pc) =	sbr.rel @p2 .LBB2_23-.Ltmp12, $4  }
0x15e: {  	v7 =	vld [tilespmem:s16+$0x6980]  }
0x15f: {  	v5 =	vld [tilespmem:s16+$0x6990];
	v14 =	vadd.f32 v4, v10  }
0x160: {  	s7 =	sshra.s32 s17, $0x2;
	v6 =	vld [tilespmem:s16+$0x69A0];
	v10 =	vadd.f32 v11, v9  }
0x161: {  	s17 =	sadd.s32 $0x400, s17;
	v4 =	vld [tilespmem:s7+$0x19B0];
	v9 =	vadd.f32 v13, v12;
	[tilespmem:s16+$0xB900] =	vst v14  }
0x162: {  	v11 =	vld [tilespmem:s7+$0x69B0];
	[tilespmem:s16+$0xB910] =	vst v10;
	v3 =	vadd.f32 v8, v3  }
0x163: {  	v10 =	vld [tilespmem:s7+$0x1900];
	[tilespmem:s16+$0xB920] =	vst v9;
	v1 =	vadd.f32 v7, v1  }
0x164: {  	v51 =	vld [tilespmem:s7+$0x1910];
	[tilespmem:s16+$0xB930] =	vst v3;
	v2 =	vadd.f32 v5, v2  }
0x165: {  	v3 =	vld [tilespmem:s7+$0x1920];
	[tilespmem:s16+$0xB980] =	vst v1;
	v0 =	vadd.f32 v6, v0  }
0x166: {  	v1 =	vld [tilespmem:s7+$0x1930];
	[tilespmem:s16+$0xB990] =	vst v2  }
0x167: {  	v2 =	vld [tilespmem:s7+$0x1980];
	[tilespmem:s16+$0xB9A0] =	vst v0  }
0x168: {  	v53 =	vld [tilespmem:s7+$0x1990]  }
0x169: {  	v54 =	vld [tilespmem:s7+$0x19A0]  }
0x16a: {  	v55 =	vld [tilespmem:s7+$0x6900]  }
0x16b: {  	v56 =	vld [tilespmem:s7+$0x6910]  }
0x16c: {  	v57 =	vld [tilespmem:s7+$0x6920]  }
0x16d: {  	v9 =	vld [tilespmem:s7+$0x6930]  }
0x16e: {  	v52 =	vadd.f32 v11, v4;
	v58 =	vld [tilespmem:s7+$0x6980]  }
0x16f: {  	v12 =	vld [tilespmem:s7+$0x6990];
	v0 =	vadd.f32 v55, v10  }
0x170: {  	s16 =	sadd.s32 @!p0 $0x5, s12;
	v59 =	vld [tilespmem:s7+$0x69A0];
	[tilespmem:s7+$0xB9B0] =	vst v52;
	v6 =	vadd.f32 v56, v51  }
0x171: {  	s17 =	smulhi.u32 @!p0 $0x4EC4EC4F, s16;
	v3 =	vadd.f32 v57, v3;
	[tilespmem:s7+$0xB900] =	vst v0  }
0x172: {  	s14 =	smul.u32 $0x208, s14;
	v60 =	vadd.f32 v9, v1;
	[tilespmem:s7+$0xB910] =	vst v6  }
0x173: {  	s17 =	sshrl.u32 @!p0 s17, $0x2;
	v61 =	vadd.f32 v58, v2;
	[tilespmem:s7+$0xB920] =	vst v3  }
0x174: {  	s13 =	sadd.s32 s13, s14;
	s14 =	smul.u32 @!p0 $0xFFFFFFF3, s17;
	v62 =	vadd.f32 v12, v53;
	[tilespmem:s7+$0xB930] =	vst v60  }
0x175: {  	s13 =	sshll.u32 s13, $0x4;
	s17 =	sadd.s32 @!p0 s4, s17;
	v63 =	vadd.f32 v59, v54;
	[tilespmem:s7+$0xB980] =	vst v61  }
0x176: {  	s13 =	sand.u32 $0x1FFFFF80, s13;
	s17 =	smul.u32 @!p0 $0x10400, s17;
	s14 =	sadd.s32 @!p0 s16, s14;
	[tilespmem:s7+$0xB990] =	vst v62  }
0x177: {  	s23 =	sadd.s32 s2, s13;
	s13 =	smul.u32 @!p0 $0x1400, s14;
	[tilespmem:s7+$0xB9A0] =	vst v63  }
0x178: {  	[hbm4b:s23+s3] =	stream.linear.scatter [tilespmem:s1], [sflag:$0xA], $0x1400, $0x38;
	[tilespmem:$0xF500] =	vst v63  }
0x179: {  	s7 =	sadd.s32 @!p0 s17, s13  }
0x17a: {  	s13 =	sshrl.u32 @!p0 s7, $0x3  }
0x17b: {  	s16 =	simm.s32 @!p0 $0x1900;
	s14 =	simm.s32 @!p0 $0x0;
	s13 =	sadd.s32 @!p0 s5, s13  }
0x17c: {  	[tilespmem:s16], [sflag:$0x2] =	stream.linear.gather @!p0 [hbm4b:s13+s14], $0x1400, $0x38;
	[tilespmem:$0xF500] =	vst v63  }
0x17d: {  	s13 =	sor.u32 @!p0 $0x2, s12  }
0x17e: {  	s16 =	smulhi.u32 @!p0 $0x4EC4EC4F, s13  }
0x17f: {  	s7 =	sadd.s32 @!p0 $0x4100000, s7  }
.Ltmp13:
0x180: {  	s7 =	sshrl.u32 @!p0 s7, $0x3;
	s16 =	sshrl.u32 @!p0 s16, $0x2;
	(pc) =	sbr.rel @!p1 .LBB2_26-.Ltmp13, $4  }
0x181: {  	s17 =	simm.s32 @!p0 $0x6900;
	s7 =	sadd.s32 @!p0 s5, s7;
	s23 =	smul.u32 @!p0 $0x1FFFFF3, s16  }
0x182: {  	[tilespmem:s17], [sflag:$0x6] =	stream.linear.gather @!p0 [hbm4b:s7+s14], $0x1400, $0x38;
	[tilespmem:$0xF500] =	vst v63  }
0x183: {  	s7 =	sadd.s32 @!p0 s13, s23  }
0x184: {  	s14 =	sadd.s32 @!p0 s4, s16;
	s13 =	smul.u32 @!p0 $0x28, s7  }
0x185: {  	_ =	swait.ge [sflag:s8], $0x1400  }
0x186: {  	[sflag:s8] =	ssyncset.done $0x0  }
0x187: {  	s14 =	smov.u32 @p0 s15;
	s13 =	simm.s32 @p0 $0xB00001B8;
	[sflag:s8] =	ssyncadd.s32 $0xFFFFEC00  }
.LBB2_26:
0x188: {  	_ =	swait.ge [sflag:s0], $0x1400  }
0x189: {  	[sflag:s0] =	ssyncset.done $0x0  }
0x18a: {  	[sflag:s0] =	ssyncadd.s32 $0xFFFFEC00  }
0x18b: {  	_ =	swait.ge [sflag:s18], $0x1400  }
0x18c: {  	[sflag:s18] =	ssyncset.done $0x0  }
0x18d: {  	s16 =	simm.s32 $0x0;
	[sflag:s18] =	ssyncadd.s32 $0xFFFFEC00  }
0x18e: {  	v0 =	vld [tilespmem:s16+$0x2DB0]  }
0x18f: {  	v2 =	vld [tilespmem:s16+$0x7DB0]  }
0x190: {  	v4 =	vld [tilespmem:s16+$0x2D00]  }
0x191: {  	v9 =	vld [tilespmem:s16+$0x2D10]  }
0x192: {  	v11 =	vld [tilespmem:s16+$0x2D20]  }
0x193: {  	v3 =	vld [tilespmem:s16+$0x2D30]  }
0x194: {  	v1 =	vld [tilespmem:s16+$0x2D80]  }
0x195: {  	v6 =	vld [tilespmem:s16+$0x7D00]  }
0x196: {  	v10 =	vld [tilespmem:s16+$0x7D10]  }
0x197: {  	v12 =	vld [tilespmem:s16+$0x7D20]  }
0x198: {  	v8 =	vld [tilespmem:s16+$0x7D30]  }
0x199: {  	v7 =	vld [tilespmem:s16+$0x7D80]  }
0x19a: {  	v5 =	vadd.f32 v2, v0;
	v2 =	vld [tilespmem:s16+$0x2D90]  }
0x19b: {  	v0 =	vld [tilespmem:s16+$0x2DA0]  }
0x19c: {  	v13 =	vadd.f32 v6, v4;
	[tilespmem:s16+$0xCDB0] =	vst v5;
	v5 =	vld [tilespmem:s16+$0x7D90]  }
0x19d: {  	s7 =	simm.s32 $0x100;
	v6 =	vld [tilespmem:s16+$0x7DA0];
	v10 =	vadd.f32 v10, v9  }
0x19e: {  	s17 =	simm.s32 $0x800;
	v9 =	vadd.f32 v12, v11;
	v4 =	vld [tilespmem:s7+$0x2DB0];
	[tilespmem:s16+$0xCD00] =	vst v13  }
.LBB2_27:
0x19f: {  	p2 =	sne.s32 s17, $0x4C00;
	v11 =	vld [tilespmem:s7+$0x7DB0];
	v3 =	vadd.f32 v8, v3;
	[tilespmem:s16+$0xCD10] =	vst v10  }
0x1a0: {  	v10 =	vld [tilespmem:s7+$0x2D00];
	v1 =	vadd.f32 v7, v1;
	[tilespmem:s16+$0xCD20] =	vst v9  }
0x1a1: {  	v9 =	vld [tilespmem:s7+$0x2D10];
	v2 =	vadd.f32 v5, v2;
	[tilespmem:s16+$0xCD30] =	vst v3  }
0x1a2: {  	v12 =	vld [tilespmem:s7+$0x2D20];
	v0 =	vadd.f32 v6, v0;
	[tilespmem:s16+$0xCD80] =	vst v1  }
0x1a3: {  	v3 =	vld [tilespmem:s7+$0x2D30];
	[tilespmem:s16+$0xCD90] =	vst v2  }
0x1a4: {  	v1 =	vld [tilespmem:s7+$0x2D80];
	v4 =	vadd.f32 v11, v4;
	[tilespmem:s16+$0xCDA0] =	vst v0;
	s16 =	smov.u32 s7  }
0x1a5: {  	v2 =	vld [tilespmem:s16+$0x2D90]  }
0x1a6: {  	v0 =	vld [tilespmem:s16+$0x2DA0];
	[tilespmem:s16+$0xCDB0] =	vst v4  }
0x1a7: {  	v4 =	vld [tilespmem:s16+$0x7D00]  }
0x1a8: {  	v11 =	vld [tilespmem:s16+$0x7D10]  }
0x1a9: {  	v13 =	vld [tilespmem:s16+$0x7D20]  }
.Ltmp14:
0x1aa: {  	v8 =	vld [tilespmem:s16+$0x7D30];
	(pc) =	sbr.rel @p2 .LBB2_27-.Ltmp14, $4  }
0x1ab: {  	v7 =	vld [tilespmem:s16+$0x7D80]  }
0x1ac: {  	v5 =	vld [tilespmem:s16+$0x7D90];
	v14 =	vadd.f32 v4, v10  }
0x1ad: {  	s7 =	sshra.s32 s17, $0x2;
	v6 =	vld [tilespmem:s16+$0x7DA0];
	v10 =	vadd.f32 v11, v9  }
0x1ae: {  	s17 =	sadd.s32 $0x400, s17;
	v4 =	vld [tilespmem:s7+$0x2DB0];
	v9 =	vadd.f32 v13, v12;
	[tilespmem:s16+$0xCD00] =	vst v14  }
0x1af: {  	v11 =	vld [tilespmem:s7+$0x7DB0];
	[tilespmem:s16+$0xCD10] =	vst v10;
	v3 =	vadd.f32 v8, v3  }
0x1b0: {  	v10 =	vld [tilespmem:s7+$0x2D00];
	[tilespmem:s16+$0xCD20] =	vst v9;
	v1 =	vadd.f32 v7, v1  }
0x1b1: {  	v51 =	vld [tilespmem:s7+$0x2D10];
	[tilespmem:s16+$0xCD30] =	vst v3;
	v2 =	vadd.f32 v5, v2  }
0x1b2: {  	v3 =	vld [tilespmem:s7+$0x2D20];
	[tilespmem:s16+$0xCD80] =	vst v1;
	v0 =	vadd.f32 v6, v0  }
0x1b3: {  	v1 =	vld [tilespmem:s7+$0x2D30];
	[tilespmem:s16+$0xCD90] =	vst v2  }
0x1b4: {  	v2 =	vld [tilespmem:s7+$0x2D80];
	[tilespmem:s16+$0xCDA0] =	vst v0  }
0x1b5: {  	v53 =	vld [tilespmem:s7+$0x2D90]  }
0x1b6: {  	v54 =	vld [tilespmem:s7+$0x2DA0]  }
0x1b7: {  	v55 =	vld [tilespmem:s7+$0x7D00]  }
0x1b8: {  	v56 =	vld [tilespmem:s7+$0x7D10]  }
0x1b9: {  	v57 =	vld [tilespmem:s7+$0x7D20]  }
0x1ba: {  	v9 =	vld [tilespmem:s7+$0x7D30]  }
0x1bb: {  	v52 =	vadd.f32 v11, v4;
	v58 =	vld [tilespmem:s7+$0x7D80]  }
0x1bc: {  	v12 =	vld [tilespmem:s7+$0x7D90];
	v0 =	vadd.f32 v55, v10  }
0x1bd: {  	s16 =	sadd.s32 @!p0 $0x6, s12;
	v59 =	vld [tilespmem:s7+$0x7DA0];
	[tilespmem:s7+$0xCDB0] =	vst v52;
	v6 =	vadd.f32 v56, v51  }
0x1be: {  	s17 =	smulhi.u32 @!p0 $0x4EC4EC4F, s16;
	v3 =	vadd.f32 v57, v3;
	[tilespmem:s7+$0xCD00] =	vst v0  }
0x1bf: {  	s14 =	smul.u32 $0x208, s14;
	v60 =	vadd.f32 v9, v1;
	[tilespmem:s7+$0xCD10] =	vst v6  }
0x1c0: {  	s17 =	sshrl.u32 @!p0 s17, $0x2;
	v61 =	vadd.f32 v58, v2;
	[tilespmem:s7+$0xCD20] =	vst v3  }
0x1c1: {  	s13 =	sadd.s32 s13, s14;
	s14 =	smul.u32 @!p0 $0xFFFFFFF3, s17;
	v62 =	vadd.f32 v12, v53;
	[tilespmem:s7+$0xCD30] =	vst v60  }
0x1c2: {  	s13 =	sshll.u32 s13, $0x4;
	s17 =	sadd.s32 @!p0 s4, s17;
	v63 =	vadd.f32 v59, v54;
	[tilespmem:s7+$0xCD80] =	vst v61  }
0x1c3: {  	s13 =	sand.u32 $0x1FFFFF80, s13;
	s17 =	smul.u32 @!p0 $0x10400, s17;
	s14 =	sadd.s32 @!p0 s16, s14;
	[tilespmem:s7+$0xCD90] =	vst v62  }
0x1c4: {  	s23 =	sadd.s32 s2, s13;
	s13 =	smul.u32 @!p0 $0x1400, s14;
	[tilespmem:s7+$0xCDA0] =	vst v63  }
0x1c5: {  	[hbm4b:s23+s3] =	stream.linear.scatter [tilespmem:s19], [sflag:$0xB], $0x1400, $0x38;
	[tilespmem:$0xF500] =	vst v63  }
0x1c6: {  	s7 =	sadd.s32 @!p0 s17, s13  }
0x1c7: {  	s13 =	sshrl.u32 @!p0 s7, $0x3  }
0x1c8: {  	s16 =	simm.s32 @!p0 $0x2D00;
	s14 =	simm.s32 @!p0 $0x0;
	s13 =	sadd.s32 @!p0 s5, s13  }
0x1c9: {  	[tilespmem:s16], [sflag:$0x3] =	stream.linear.gather @!p0 [hbm4b:s13+s14], $0x1400, $0x38;
	[tilespmem:$0xF500] =	vst v63  }
0x1ca: {  	s13 =	sor.u32 @!p0 $0x3, s12  }
0x1cb: {  	s16 =	smulhi.u32 @!p0 $0x4EC4EC4F, s13  }
0x1cc: {  	s7 =	sadd.s32 @!p0 $0x4100000, s7  }
.Ltmp15:
0x1cd: {  	s7 =	sshrl.u32 @!p0 s7, $0x3;
	s16 =	sshrl.u32 @!p0 s16, $0x2;
	(pc) =	sbr.rel @!p1 .LBB2_30-.Ltmp15, $4  }
0x1ce: {  	s17 =	simm.s32 @!p0 $0x7D00;
	s7 =	sadd.s32 @!p0 s5, s7;
	s23 =	smul.u32 @!p0 $0x1FFFFF3, s16  }
0x1cf: {  	[tilespmem:s17], [sflag:$0x7] =	stream.linear.gather @!p0 [hbm4b:s7+s14], $0x1400, $0x38;
	[tilespmem:$0xF500] =	vst v63  }
0x1d0: {  	s7 =	sadd.s32 @!p0 s13, s23  }
0x1d1: {  	s14 =	sadd.s32 @!p0 s4, s16;
	s13 =	smul.u32 @!p0 $0x28, s7  }
0x1d2: {  	_ =	swait.ge [sflag:s9], $0x1400  }
0x1d3: {  	[sflag:s9] =	ssyncset.done $0x0  }
0x1d4: {  	s14 =	smov.u32 @p0 s15;
	s13 =	simm.s32 @p0 $0xB00001E0;
	[sflag:s9] =	ssyncadd.s32 $0xFFFFEC00  }
.LBB2_30:
0x1d5: {  	_ =	swait.ge [sflag:s20], $0x1400  }
0x1d6: {  	[sflag:s20] =	ssyncset.done $0x0  }
0x1d7: {  	[sflag:s20] =	ssyncadd.s32 $0xFFFFEC00  }
0x1d8: {  	_ =	swait.ge [sflag:s21], $0x1400  }
0x1d9: {  	[sflag:s21] =	ssyncset.done $0x0  }
0x1da: {  	s16 =	simm.s32 $0x0;
	[sflag:s21] =	ssyncadd.s32 $0xFFFFEC00  }
0x1db: {  	v0 =	vld [tilespmem:s16+$0x41B0]  }
0x1dc: {  	v2 =	vld [tilespmem:s16+$0x91B0]  }
0x1dd: {  	v4 =	vld [tilespmem:s16+$0x4100]  }
0x1de: {  	v9 =	vld [tilespmem:s16+$0x4110]  }
0x1df: {  	v11 =	vld [tilespmem:s16+$0x4120]  }
0x1e0: {  	v3 =	vld [tilespmem:s16+$0x4130]  }
0x1e1: {  	v1 =	vld [tilespmem:s16+$0x4180]  }
0x1e2: {  	v6 =	vld [tilespmem:s16+$0x9100]  }
0x1e3: {  	v10 =	vld [tilespmem:s16+$0x9110]  }
0x1e4: {  	v12 =	vld [tilespmem:s16+$0x9120]  }
0x1e5: {  	v8 =	vld [tilespmem:s16+$0x9130]  }
0x1e6: {  	v7 =	vld [tilespmem:s16+$0x9180]  }
0x1e7: {  	v5 =	vadd.f32 v2, v0;
	v2 =	vld [tilespmem:s16+$0x4190]  }
0x1e8: {  	v0 =	vld [tilespmem:s16+$0x41A0]  }
0x1e9: {  	v13 =	vadd.f32 v6, v4;
	[tilespmem:s16+$0xE1B0] =	vst v5;
	v5 =	vld [tilespmem:s16+$0x9190]  }
0x1ea: {  	s7 =	simm.s32 $0x100;
	v6 =	vld [tilespmem:s16+$0x91A0];
	v10 =	vadd.f32 v10, v9  }
0x1eb: {  	s17 =	simm.s32 $0x800;
	v9 =	vadd.f32 v12, v11;
	v4 =	vld [tilespmem:s7+$0x41B0];
	[tilespmem:s16+$0xE100] =	vst v13  }
.LBB2_31:
0x1ec: {  	p1 =	sne.s32 s17, $0x4C00;
	v11 =	vld [tilespmem:s7+$0x91B0];
	v3 =	vadd.f32 v8, v3;
	[tilespmem:s16+$0xE110] =	vst v10  }
0x1ed: {  	v10 =	vld [tilespmem:s7+$0x4100];
	v1 =	vadd.f32 v7, v1;
	[tilespmem:s16+$0xE120] =	vst v9  }
0x1ee: {  	v9 =	vld [tilespmem:s7+$0x4110];
	v2 =	vadd.f32 v5, v2;
	[tilespmem:s16+$0xE130] =	vst v3  }
0x1ef: {  	v12 =	vld [tilespmem:s7+$0x4120];
	v0 =	vadd.f32 v6, v0;
	[tilespmem:s16+$0xE180] =	vst v1  }
0x1f0: {  	v3 =	vld [tilespmem:s7+$0x4130];
	[tilespmem:s16+$0xE190] =	vst v2  }
0x1f1: {  	v1 =	vld [tilespmem:s7+$0x4180];
	v4 =	vadd.f32 v11, v4;
	[tilespmem:s16+$0xE1A0] =	vst v0;
	s16 =	smov.u32 s7  }
0x1f2: {  	v2 =	vld [tilespmem:s16+$0x4190]  }
0x1f3: {  	v0 =	vld [tilespmem:s16+$0x41A0];
	[tilespmem:s16+$0xE1B0] =	vst v4  }
0x1f4: {  	v4 =	vld [tilespmem:s16+$0x9100]  }
0x1f5: {  	v11 =	vld [tilespmem:s16+$0x9110]  }
0x1f6: {  	v13 =	vld [tilespmem:s16+$0x9120]  }
.Ltmp16:
0x1f7: {  	v8 =	vld [tilespmem:s16+$0x9130];
	(pc) =	sbr.rel @p1 .LBB2_31-.Ltmp16, $4  }
0x1f8: {  	v7 =	vld [tilespmem:s16+$0x9180]  }
0x1f9: {  	v5 =	vld [tilespmem:s16+$0x9190];
	v14 =	vadd.f32 v4, v10  }
0x1fa: {  	s7 =	sshra.s32 s17, $0x2;
	v6 =	vld [tilespmem:s16+$0x91A0];
	v10 =	vadd.f32 v11, v9  }
0x1fb: {  	s17 =	sadd.s32 $0x400, s17;
	v4 =	vld [tilespmem:s7+$0x41B0];
	v9 =	vadd.f32 v13, v12;
	[tilespmem:s16+$0xE100] =	vst v14  }
0x1fc: {  	v11 =	vld [tilespmem:s7+$0x91B0];
	[tilespmem:s16+$0xE110] =	vst v10;
	v3 =	vadd.f32 v8, v3  }
0x1fd: {  	v10 =	vld [tilespmem:s7+$0x4100];
	[tilespmem:s16+$0xE120] =	vst v9;
	v1 =	vadd.f32 v7, v1  }
0x1fe: {  	v51 =	vld [tilespmem:s7+$0x4110];
	[tilespmem:s16+$0xE130] =	vst v3;
	v2 =	vadd.f32 v5, v2  }
0x1ff: {  	v3 =	vld [tilespmem:s7+$0x4120];
	[tilespmem:s16+$0xE180] =	vst v1;
	v0 =	vadd.f32 v6, v0  }
0x200: {  	v1 =	vld [tilespmem:s7+$0x4130];
	[tilespmem:s16+$0xE190] =	vst v2  }
0x201: {  	v2 =	vld [tilespmem:s7+$0x4180];
	[tilespmem:s16+$0xE1A0] =	vst v0  }
0x202: {  	v53 =	vld [tilespmem:s7+$0x4190]  }
0x203: {  	v54 =	vld [tilespmem:s7+$0x41A0]  }
0x204: {  	v55 =	vld [tilespmem:s7+$0x9100]  }
0x205: {  	v56 =	vld [tilespmem:s7+$0x9110]  }
0x206: {  	v57 =	vld [tilespmem:s7+$0x9120]  }
0x207: {  	v9 =	vld [tilespmem:s7+$0x9130]  }
0x208: {  	v52 =	vadd.f32 v11, v4;
	v58 =	vld [tilespmem:s7+$0x9180]  }
0x209: {  	v12 =	vld [tilespmem:s7+$0x9190];
	v0 =	vadd.f32 v55, v10  }
0x20a: {  	v59 =	vld [tilespmem:s7+$0x91A0];
	[tilespmem:s7+$0xE1B0] =	vst v52;
	v6 =	vadd.f32 v56, v51  }
0x20b: {  	v3 =	vadd.f32 v57, v3;
	[tilespmem:s7+$0xE100] =	vst v0  }
0x20c: {  	s14 =	smul.u32 $0x208, s14;
	v60 =	vadd.f32 v9, v1;
	[tilespmem:s7+$0xE110] =	vst v6  }
0x20d: {  	v61 =	vadd.f32 v58, v2;
	[tilespmem:s7+$0xE120] =	vst v3  }
.Ltmp17:
0x20e: {  	s13 =	sadd.s32 s13, s14;
	v62 =	vadd.f32 v12, v53;
	[tilespmem:s7+$0xE130] =	vst v60;
	(pc) =	sbr.rel @p0 .LBB2_34-.Ltmp17, $4  }
0x20f: {  	s13 =	sshll.u32 s13, $0x4;
	v63 =	vadd.f32 v59, v54;
	[tilespmem:s7+$0xE180] =	vst v61  }
0x210: {  	s13 =	sand.u32 $0x1FFFFF80, s13;
	[tilespmem:s7+$0xE190] =	vst v62  }
0x211: {  	s23 =	sadd.s32 s2, s13;
	[tilespmem:s7+$0xE1A0] =	vst v63  }
0x212: {  	[hbm4b:s23+s3] =	stream.linear.scatter [tilespmem:s22], [sflag:$0xC], $0x1400, $0x38;
	[tilespmem:$0xF500] =	vst v63  }
0x213: {  	s7 =	sadd.s32 $0x7, s12  }
0x214: {  	s12 =	smulhi.u32 $0x4EC4EC4F, s7;
	_ =	sdelay $0x1  }
0x215: {  	s12 =	sshrl.u32 s12, $0x2  }
0x216: {  	s13 =	smul.u32 $0xFFFFFFF3, s12  }
0x217: {  	s12 =	sadd.s32 s4, s12  }
0x218: {  	s12 =	smul.u32 $0x10400, s12;
	s7 =	sadd.s32 s7, s13  }
0x219: {  	s7 =	smul.u32 $0x1400, s7;
	_ =	sdelay $0x1  }
0x21a: {  	s7 =	sadd.s32 s12, s7  }
.Ltmp18:
0x21b: {  	s12 =	sshrl.u32 s7, $0x3;
	s7 =	sadd.s32 $0x4100000, s7;
	(pc) =	sbr.rel .LBB2_18-.Ltmp18, $4  }
0x21c: {  	s12 =	sadd.s32 s5, s12;
	s7 =	sshrl.u32 s7, $0x3  }
0x21d: {  	[tilespmem:s24], [sflag:$0x4] =	stream.linear.gather [hbm4b:s12+s3], $0x1400, $0x38;
	[tilespmem:$0xF500] =	vst v63  }
0x21e: {  	s11 =	sadd.s32 $0x1, s11;
	s7 =	sadd.s32 s5, s7  }
0x21f: {  	[tilespmem:s25], [sflag:$0x8] =	stream.linear.gather [hbm4b:s7+s3], $0x1400, $0x38;
	[tilespmem:$0xF500] =	vst v63  }
.LBB2_35:
0x220: {  	_ =	sfence.sel $0x180000  }
0x221: {  	[bflag:$0x0] =	sbarrier.arrive $0xFFFF  }
0x222: {  	_ =	strace $0x90000047  }
0x223: {  	s0 =	stileid.u32;
	[bflag:$0x2] =	sbarrier.arrive $0xFFFF  }
0x224: {  	p0 =	sne.s32 s0, $0x0;
	s0 =	rddreg [dreg:$0x2]  }
0x225: {  	s0 =	sadd.s32 @!p0 $0x100000, s0  }
0x226: {  	[sflag:s0] =	ssyncadd.tile.s32 @!p0 $0x1;
	_ =	shalt  }
.Lfunc_end2:
_tile_overlayer_lowered:
.L_overlay_start_2:
0x227: {  	(tag) =	ssettag $0x2  }
0x228: {  	s0 =	rddreg [dreg:$0x0];
	s2 =	stileid.u32  }
0x229: {  	s1 =	rddreg [dreg:$0x1];
	p0 =	sne.s32 s2, $0x0  }
0x22a: {  	s3 =	rddreg [dreg:$0x2];
	[bflag:$0x3] =	sbarrier.arrive $0xFFFF;
	s2 =	simm.s32 @!p0 $0x1C0D  }
0x22b: {  	[timem:s3], [sflag:s2] =	dma.local @!p0 [hbm:s0], s1  }
0x22c: {  	s0 =	simm.s32 @!p0 $0xD  }
0x22d: {  	_ =	swait.ge @!p0 [sflag:s0], s1  }
0x22e: {  	s1 =	ssub.s32 @!p0 $0x0, s1;
	[sflag:s0] =	ssyncset.done @!p0 $0x0  }
0x22f: {  	[sflag:s0] =	ssyncadd.s32 @!p0 s1  }
0x230: {  	[bflag:$0x3] =	sbarrier.arrive $0xFFFF  }
0x231: {  	_ =	shalt  }

</sc_bundles>
